<compile_context>
chip_gen: v7x
topology: tpu7x:2x2x1
jax: 0.10.2.dev20260603
libtpu: 0.0.44.dev20260713+nightly
codegen_flags: <defaults>
</compile_context>

<pallas_src>
import functools
import math

import jax
import jax.numpy as jnp
from jax import lax
from jax.experimental import pallas as pl
from jax.experimental.pallas import tpu as pltpu
from jax.experimental.pallas import tpu_sc as plsc

ENTITY_NUM = 100000
RELATION_NUM = 1000
DIM = 64
HD = DIM // 2
BATCH = 16384
PATHS_PER_PAIR = 4
PATH_LEN = 3
GAMMA = 1.0

NC = 2
NS = 16
L = 16
NW = NC * NS
W = BATCH // NW
C = 128
NCHUNK = W // C
CP = C * PATHS_PER_PAIR
CT = C * PATHS_PER_PAIR * PATH_LEN

_ROWBUFS = ("phb", "ptb", "nhb", "ntb")
_IDXBUFS = ("phv", "ptv", "nhv", "ntv")


def _fast_sqrt(s):
    x = jnp.maximum(s, 1e-30)
    i = plsc.bitcast(x, jnp.int32)
    i = jnp.full((L,), 0x5F3759DF, jnp.int32) - lax.shift_right_logical(i, 1)
    y = plsc.bitcast(i, jnp.float32)
    half = 0.5 * x
    for _ in range(3):
        y = y * (1.5 - half * y * y)
    return x * y


def _unpack(v):
    lo = plsc.bitcast(lax.shift_left(v, 16), jnp.float32)
    hi = plsc.bitcast(
        jnp.bitwise_and(v, jnp.full((L,), -65536, jnp.int32)), jnp.float32)
    return lo, hi


def _body(et_hbm, rel_hbm, probs_hbm,
          ph_hbm, pr_hbm, pt_hbm, nh_hbm, nr_hbm, nt_hbm, tok_hbm,
          out_hbm, relv, accv, *sbufs):
    cid = lax.axis_index("c")
    sid = lax.axis_index("s")
    wid = sid * NC + cid

    names = _ROWBUFS + _IDXBUFS + ("prv", "nrv", "tokv", "probv", "sem")
    n = len(names)
    sets = [dict(zip(names, sbufs[:n])), dict(zip(names, sbufs[n:]))]

    accv[...] = jnp.zeros((L,), jnp.float32)
    pltpu.sync_copy(rel_hbm, relv)

    def dma_pairs(base, b):
        return [
            (pr_hbm.at[pl.ds(base, C)], b["prv"]),
            (nr_hbm.at[pl.ds(base, C)], b["nrv"]),
            (tok_hbm.at[pl.ds(base * 12, CT)], b["tokv"]),
            (probs_hbm.at[pl.ds(base * 4, CP)], b["probv"]),
            (et_hbm.at[b["phv"]], b["phb"]),
            (et_hbm.at[b["ptv"]], b["ptb"]),
            (et_hbm.at[b["nhv"]], b["nhb"]),
            (et_hbm.at[b["ntv"]], b["ntb"]),
        ]

    def issue(j, b):
        base = wid * W + j * C
        pltpu.sync_copy(ph_hbm.at[pl.ds(base, C)], b["phv"])
        pltpu.sync_copy(pt_hbm.at[pl.ds(base, C)], b["ptv"])
        pltpu.sync_copy(nh_hbm.at[pl.ds(base, C)], b["nhv"])
        pltpu.sync_copy(nt_hbm.at[pl.ds(base, C)], b["ntv"])
        for s, d in dma_pairs(base, b):
            pltpu.async_copy(s, d, b["sem"])

    def drain(j, b):
        base = wid * W + j * C
        for s, d in dma_pairs(base, b):
            pltpu.make_async_copy(s, d, b["sem"]).wait()

    def compute(b):
        def group_body(g, loss16):
            lane = lax.iota(jnp.int32, 16)
            rl = lane + g * L
            rl4 = rl * 4
            rl12 = rl * 12
            pr0 = plsc.load_gather(b["probv"], [rl4])
            pr1 = plsc.load_gather(b["probv"], [rl4 + 1])
            pr2 = plsc.load_gather(b["probv"], [rl4 + 2])
            pr3 = plsc.load_gather(b["probv"], [rl4 + 3])
            pridx = plsc.load_gather(b["prv"], [rl])
            nridx = plsc.load_gather(b["nrv"], [rl])
            trow = [plsc.load_gather(b["tokv"], [rl12 + k]) for k in range(12)]

            z = jnp.zeros((L,), jnp.float32)

            @plsc.parallel_loop(0, HD, 1, unroll=2, carry=(z, z))
            def c_loop(c, carry):
                s_pos, s_neg = carry
                cv = jnp.bitwise_and(c + lane, HD - 1)
                cvt = cv + HD
                eh = _unpack(plsc.load_gather(b["phb"], [rl, cv]))
                th = _unpack(plsc.load_gather(b["phb"], [rl, cvt]))
                et = _unpack(plsc.load_gather(b["ptb"], [rl, cv]))
                tt = _unpack(plsc.load_gather(b["ptb"], [rl, cvt]))
                neh = _unpack(plsc.load_gather(b["nhb"], [rl, cv]))
                nth = _unpack(plsc.load_gather(b["nhb"], [rl, cvt]))
                net = _unpack(plsc.load_gather(b["ntb"], [rl, cv]))
                ntt = _unpack(plsc.load_gather(b["ntb"], [rl, cvt]))
                rp = _unpack(plsc.load_gather(relv, [pridx, cv]))
                nr = _unpack(plsc.load_gather(relv, [nridx, cv]))
                t = [_unpack(plsc.load_gather(relv, [trow[k], cv]))
                     for k in range(12)]
                for h in range(2):
                    s0 = t[0][h] + t[1][h] + t[2][h]
                    s1 = t[3][h] + t[4][h] + t[5][h]
                    s2 = t[6][h] + t[7][h] + t[8][h]
                    s3 = t[9][h] + t[10][h] + t[11][h]
                    pf = pr0 * s0 + pr1 * s1 + pr2 * s2 + pr3 * s3
                    pos = eh[h] * th[h] + rp[h] + pf - et[h] * tt[h]
                    neg = neh[h] * nth[h] + nr[h] - net[h] * ntt[h]
                    s_pos = s_pos + pos * pos
                    s_neg = s_neg + neg * neg
                return s_pos, s_neg

            s_pos, s_neg = c_loop
            pn = _fast_sqrt(s_pos)
            nn = _fast_sqrt(s_neg)
            dd = GAMMA + pn - nn
            return loss16 + jnp.maximum(dd, 0.0) + 0.001 * (pn + nn)

        loss16 = lax.fori_loop(0, C // L, group_body,
                               jnp.zeros((L,), jnp.float32))
        accv[...] = accv[...] + loss16

    issue(0, sets[0])

    def body2(k, _):
        issue(2 * k + 1, sets[1])
        drain(2 * k, sets[0])
        compute(sets[0])

        @pl.when(k < NCHUNK // 2 - 1)
        def _issue_next():
            issue(2 * k + 2, sets[0])

        drain(2 * k + 1, sets[1])
        compute(sets[1])
        return 0

    lax.fori_loop(0, NCHUNK // 2, body2, 0)
    pltpu.sync_copy(accv, out_hbm.at[pl.ds(wid * L, L)])


def _pack(tab):
    u = lax.bitcast_convert_type(tab, jnp.uint32)
    lo = lax.shift_right_logical(u[:, 0::2] + jnp.uint32(0x8000), jnp.uint32(16))
    hi = jnp.bitwise_and(u[:, 1::2] + jnp.uint32(0x8000),
                         jnp.uint32(0xFFFF0000))
    return lax.bitcast_convert_type(jnp.bitwise_or(hi, lo), jnp.int32)


@jax.jit
def _run(entity_emb, relation_emb, type_emb, path_probs,
         pos_head, pos_relation, pos_tail,
         neg_head, neg_relation, neg_tail, path_rel_idx):
    et_packed = jnp.concatenate([_pack(entity_emb), _pack(type_emb)], axis=1)
    rel_packed = _pack(relation_emb)

    mesh = plsc.VectorSubcoreMesh(core_axis_name="c", subcore_axis_name="s",
                                  num_cores=NC, num_subcores=NS)
    one_set = (
        [pltpu.VMEM((C, DIM), jnp.int32)] * len(_ROWBUFS)
        + [pltpu.VMEM((C,), jnp.int32)] * len(_IDXBUFS)
        + [pltpu.VMEM((C,), jnp.int32),
           pltpu.VMEM((C,), jnp.int32),
           pltpu.VMEM((CT,), jnp.int32),
           pltpu.VMEM((CP,), jnp.float32),
           pltpu.SemaphoreType.DMA]
    )
    kern = pl.kernel(
        _body,
        out_type=jax.ShapeDtypeStruct((NW * L,), jnp.float32),
        mesh=mesh,
        compiler_params=pltpu.CompilerParams(
            needs_layout_passes=False, use_tc_tiling_on_sc=False),
        scratch_types=(
            [pltpu.VMEM((RELATION_NUM, HD), jnp.int32),
             pltpu.VMEM((L,), jnp.float32)]
            + one_set + one_set
        ),
    )
    partials = kern(et_packed, rel_packed, path_probs,
                    pos_head, pos_relation, pos_tail,
                    neg_head, neg_relation, neg_tail, path_rel_idx)
    return jnp.sum(partials)


def kernel(entity_emb, relation_emb, type_emb, path_probs,
           pos_head, pos_relation, pos_tail,
           neg_head, neg_relation, neg_tail, path_rel_idx):
    return _run(entity_emb, relation_emb, type_emb, path_probs,
                pos_head.astype(jnp.int32), pos_relation.astype(jnp.int32),
                pos_tail.astype(jnp.int32), neg_head.astype(jnp.int32),
                neg_relation.astype(jnp.int32), neg_tail.astype(jnp.int32),
                path_rel_idx.astype(jnp.int32))

# --- scband reference (transcript-rebuilt; emitter-appended) ---
"""Pipeline reference for scband-ptrans-e-c-42992622633013 (READ-ONLY COPY).

The authoritative reference and input builder live on the scoring server;
editing this copy changes nothing except your own understanding.
"""

import jax, jax.numpy as jnp
import numpy as np
import math

ENTITY_NUM = 100000
RELATION_NUM = 1000
DIM = 64
BATCH = 16384
PATHS_PER_PAIR = 4
PATH_LEN = 3
GAMMA = 1.0


def setup_inputs(seed: int = 0) -> dict:
    key = jax.random.key(seed)
    ks = jax.random.split(key, 11)
    bound = 6.0 / math.sqrt(DIM)
    entity_emb = jax.random.uniform(ks[0], (ENTITY_NUM, DIM), minval=-bound, maxval=bound, dtype=jnp.float32)
    rel = jax.random.uniform(ks[1], (RELATION_NUM, DIM), minval=-bound, maxval=bound, dtype=jnp.float32)
    relation_emb = rel / jnp.linalg.norm(rel, axis=1, keepdims=True)
    type_emb = jax.random.uniform(ks[2], (ENTITY_NUM, DIM), minval=-bound, maxval=bound, dtype=jnp.float32)
    pos_head = jax.random.randint(ks[3], (BATCH,), 0, ENTITY_NUM)
    pos_relation = jax.random.randint(ks[4], (BATCH,), 0, RELATION_NUM)
    pos_tail = jax.random.randint(ks[5], (BATCH,), 0, ENTITY_NUM)
    neg_head = jax.random.randint(ks[6], (BATCH,), 0, ENTITY_NUM)
    neg_relation = jax.random.randint(ks[7], (BATCH,), 0, RELATION_NUM)
    neg_tail = jax.random.randint(ks[8], (BATCH,), 0, ENTITY_NUM)
    path_rel_idx = jax.random.randint(ks[9], (BATCH * PATHS_PER_PAIR * PATH_LEN,), 0, RELATION_NUM)
    path_probs = jax.random.uniform(ks[10], (BATCH * PATHS_PER_PAIR,), dtype=jnp.float32)
    return {
        'entity_emb': entity_emb,
        'relation_emb': relation_emb,
        'type_emb': type_emb,
        'path_probs': path_probs,
        'pos_head': pos_head,
        'pos_relation': pos_relation,
        'pos_tail': pos_tail,
        'neg_head': neg_head,
        'neg_relation': neg_relation,
        'neg_tail': neg_tail,
        'path_rel_idx': path_rel_idx,
    }


def reference(entity_emb, relation_emb, type_emb, path_probs, pos_head, pos_relation, pos_tail, neg_head, neg_relation, neg_tail, path_rel_idx):
    def ent_rich(idx):
        return entity_emb[idx] * type_emb[idx]

    relation_embedding = relation_emb[pos_relation]
    # ragged path aggregation: flat path relation tokens -> per-path sum -> per-batch weighted sum
    tok = relation_emb[path_rel_idx]
    seg_path = jnp.repeat(jnp.arange(BATCH * PATHS_PER_PAIR), PATH_LEN)
    per_path = jax.ops.segment_sum(tok, seg_path, num_segments=BATCH * PATHS_PER_PAIR)
    weighted = per_path * path_probs[:, None]
    seg_batch = jnp.repeat(jnp.arange(BATCH), PATHS_PER_PAIR)
    paths_factor = jax.ops.segment_sum(weighted, seg_batch, num_segments=BATCH)

    pos_dis = ent_rich(pos_head) + relation_embedding + paths_factor - ent_rich(pos_tail)
    neg_dis = ent_rich(neg_head) + relation_emb[neg_relation] - ent_rich(neg_tail)

    pos_norm = jnp.sqrt(jnp.sum(pos_dis ** 2, axis=1))
    neg_norm = jnp.sqrt(jnp.sum(neg_dis ** 2, axis=1))
    distance_diff = GAMMA + pos_norm - neg_norm
    loss = jnp.sum(jax.nn.relu(distance_diff)) + 0.001 * (jnp.sum(pos_norm) + jnp.sum(neg_norm))
    return loss

if __name__ == "__main__":
    import jax
    _d = setup_inputs()
    print(jax.jit(kernel)(*tuple(_d.values())))

</pallas_src>

<mosaic_0001>
#map = affine_map<(d0, d1) -> (0, 0)>
#map1 = affine_map<(d0, d1) -> (0)>
module attributes {stable_mosaic.version = 14 : i64} {
  func.func @_body(%arg0: i32, %arg1: i32, %arg2: memref<100000x64xi32, #tpu.memory_space<hbm>>, %arg3: memref<1000x32xi32, #tpu.memory_space<hbm>>, %arg4: memref<65536xf32, #tpu.memory_space<hbm>>, %arg5: memref<16384xi32, #tpu.memory_space<hbm>>, %arg6: memref<16384xi32, #tpu.memory_space<hbm>>, %arg7: memref<16384xi32, #tpu.memory_space<hbm>>, %arg8: memref<16384xi32, #tpu.memory_space<hbm>>, %arg9: memref<16384xi32, #tpu.memory_space<hbm>>, %arg10: memref<16384xi32, #tpu.memory_space<hbm>>, %arg11: memref<196608xi32, #tpu.memory_space<hbm>>, %arg12: memref<512xf32, #tpu.memory_space<hbm>>, %arg13: memref<1000x32xi32, #tpu.memory_space<vmem>>, %arg14: memref<16xf32, #tpu.memory_space<vmem>>, %arg15: memref<128x64xi32, #tpu.memory_space<vmem>>, %arg16: memref<128x64xi32, #tpu.memory_space<vmem>>, %arg17: memref<128x64xi32, #tpu.memory_space<vmem>>, %arg18: memref<128x64xi32, #tpu.memory_space<vmem>>, %arg19: memref<128xi32, #tpu.memory_space<vmem>>, %arg20: memref<128xi32, #tpu.memory_space<vmem>>, %arg21: memref<128xi32, #tpu.memory_space<vmem>>, %arg22: memref<128xi32, #tpu.memory_space<vmem>>, %arg23: memref<128xi32, #tpu.memory_space<vmem>>, %arg24: memref<128xi32, #tpu.memory_space<vmem>>, %arg25: memref<1536xi32, #tpu.memory_space<vmem>>, %arg26: memref<512xf32, #tpu.memory_space<vmem>>, %arg27: memref<!tpu.dma_semaphore, #tpu.memory_space<semaphore_mem>>, %arg28: memref<128x64xi32, #tpu.memory_space<vmem>>, %arg29: memref<128x64xi32, #tpu.memory_space<vmem>>, %arg30: memref<128x64xi32, #tpu.memory_space<vmem>>, %arg31: memref<128x64xi32, #tpu.memory_space<vmem>>, %arg32: memref<128xi32, #tpu.memory_space<vmem>>, %arg33: memref<128xi32, #tpu.memory_space<vmem>>, %arg34: memref<128xi32, #tpu.memory_space<vmem>>, %arg35: memref<128xi32, #tpu.memory_space<vmem>>, %arg36: memref<128xi32, #tpu.memory_space<vmem>>, %arg37: memref<128xi32, #tpu.memory_space<vmem>>, %arg38: memref<1536xi32, #tpu.memory_space<vmem>>, %arg39: memref<512xf32, #tpu.memory_space<vmem>>, %arg40: memref<!tpu.dma_semaphore, #tpu.memory_space<semaphore_mem>>) attributes {dimension_semantics = [#tpu.dimension_semantics<core_parallel>, #tpu.dimension_semantics<subcore_parallel>], iteration_bounds = array<i64: 2, 16>, scalar_prefetch = 0 : i64, scratch_operands = 28 : i64, tpu.core_type = #tpu.core_type<sc_vector_subcore>, window_params = [{transform_indices = #map}, {transform_indices = #map}, {transform_indices = #map1}, {transform_indices = #map1}, {transform_indices = #map1}, {transform_indices = #map1}, {transform_indices = #map1}, {transform_indices = #map1}, {transform_indices = #map1}, {transform_indices = #map1}, {transform_indices = #map1}]} {
    %mul3A = arith.constant 2 : i32
    %mul3A_0 = arith.muli %arg1, %mul3A : i32
    %add3A = arith.addi %mul3A_0, %arg0 : i32
    %broadcast_in_dim3A = arith.constant 0.000000e+00 : f32
    %broadcast_in_dim3A_1 = vector.broadcast %broadcast_in_dim3A : f32 to vector<16xf32>
    %swap3A = arith.constant 0 : index
    %swap3A_2 = tpu.vector_load %arg14[%swap3A] {strides = array<i32>} : memref<16xf32, #tpu.memory_space<vmem>>, vector<16xf32>,
    tpu.vector_store %arg14[%swap3A], %broadcast_in_dim3A_1 {strides = array<i32>} : memref<16xf32, #tpu.memory_space<vmem>>, vector<16xf32>,
    "tpu.region"() ({
      %run_scoped3A = tpu.sem_alloc : memref<!tpu.dma_semaphore, #tpu.memory_space<semaphore_mem>>
      tpu.enqueue_dma source(%arg3 : memref<1000x32xi32, #tpu.memory_space<hbm>>) target(%arg13 : memref<1000x32xi32, #tpu.memory_space<vmem>>) target_semaphore(%run_scoped3A : memref<!tpu.dma_semaphore, #tpu.memory_space<semaphore_mem>>)
      tpu.wait_dma2 semaphore(%run_scoped3A : memref<!tpu.dma_semaphore, #tpu.memory_space<semaphore_mem>>) src(%arg3 : memref<1000x32xi32, #tpu.memory_space<hbm>>) dst(%arg13 : memref<1000x32xi32, #tpu.memory_space<vmem>>)
      tpu.yield
    }) : () -> ()
    %mul3A_3 = arith.constant 512 : i32
    %mul3A_4 = arith.muli %add3A, %mul3A_3 : i32
    %add3A_5 = arith.constant 0 : i32
    %add3A_6 = arith.addi %mul3A_4, %add3A_5 : i32
    "tpu.region"() ({
      %run_scoped3A = tpu.sem_alloc : memref<!tpu.dma_semaphore, #tpu.memory_space<semaphore_mem>>
      %dma_start3A_38 = tpu.memref_slice %arg5[%add3A_6] : memref<16384xi32, #tpu.memory_space<hbm>> -> memref<128xi32, #tpu.memory_space<hbm>>
      %dma_start3A_39 = tpu.memref_slice %arg5[%add3A_6] : memref<16384xi32, #tpu.memory_space<hbm>> -> memref<128xi32, #tpu.memory_space<hbm>>
      tpu.enqueue_dma source(%dma_start3A_39 : memref<128xi32, #tpu.memory_space<hbm>>) target(%arg19 : memref<128xi32, #tpu.memory_space<vmem>>) target_semaphore(%run_scoped3A : memref<!tpu.dma_semaphore, #tpu.memory_space<semaphore_mem>>)
      %dma_wait3A = tpu.memref_slice %arg5[%add3A_6] : memref<16384xi32, #tpu.memory_space<hbm>> -> memref<128xi32, #tpu.memory_space<hbm>>
      %dma_wait3A_40 = tpu.memref_slice %arg5[%add3A_6] : memref<16384xi32, #tpu.memory_space<hbm>> -> memref<128xi32, #tpu.memory_space<hbm>>
      tpu.wait_dma2 semaphore(%run_scoped3A : memref<!tpu.dma_semaphore, #tpu.memory_space<semaphore_mem>>) src(%dma_wait3A_40 : memref<128xi32, #tpu.memory_space<hbm>>) dst(%arg19 : memref<128xi32, #tpu.memory_space<vmem>>)
      tpu.yield
    }) : () -> ()
    "tpu.region"() ({
      %run_scoped3A = tpu.sem_alloc : memref<!tpu.dma_semaphore, #tpu.memory_space<semaphore_mem>>
      %dma_start3A_38 = tpu.memref_slice %arg7[%add3A_6] : memref<16384xi32, #tpu.memory_space<hbm>> -> memref<128xi32, #tpu.memory_space<hbm>>
      %dma_start3A_39 = tpu.memref_slice %arg7[%add3A_6] : memref<16384xi32, #tpu.memory_space<hbm>> -> memref<128xi32, #tpu.memory_space<hbm>>
      tpu.enqueue_dma source(%dma_start3A_39 : memref<128xi32, #tpu.memory_space<hbm>>) target(%arg20 : memref<128xi32, #tpu.memory_space<vmem>>) target_semaphore(%run_scoped3A : memref<!tpu.dma_semaphore, #tpu.memory_space<semaphore_mem>>)
      %dma_wait3A = tpu.memref_slice %arg7[%add3A_6] : memref<16384xi32, #tpu.memory_space<hbm>> -> memref<128xi32, #tpu.memory_space<hbm>>
      %dma_wait3A_40 = tpu.memref_slice %arg7[%add3A_6] : memref<16384xi32, #tpu.memory_space<hbm>> -> memref<128xi32, #tpu.memory_space<hbm>>
      tpu.wait_dma2 semaphore(%run_scoped3A : memref<!tpu.dma_semaphore, #tpu.memory_space<semaphore_mem>>) src(%dma_wait3A_40 : memref<128xi32, #tpu.memory_space<hbm>>) dst(%arg20 : memref<128xi32, #tpu.memory_space<vmem>>)
      tpu.yield
    }) : () -> ()
    "tpu.region"() ({
      %run_scoped3A = tpu.sem_alloc : memref<!tpu.dma_semaphore, #tpu.memory_space<semaphore_mem>>
      %dma_start3A_38 = tpu.memref_slice %arg8[%add3A_6] : memref<16384xi32, #tpu.memory_space<hbm>> -> memref<128xi32, #tpu.memory_space<hbm>>
      %dma_start3A_39 = tpu.memref_slice %arg8[%add3A_6] : memref<16384xi32, #tpu.memory_space<hbm>> -> memref<128xi32, #tpu.memory_space<hbm>>
      tpu.enqueue_dma source(%dma_start3A_39 : memref<128xi32, #tpu.memory_space<hbm>>) target(%arg21 : memref<128xi32, #tpu.memory_space<vmem>>) target_semaphore(%run_scoped3A : memref<!tpu.dma_semaphore, #tpu.memory_space<semaphore_mem>>)
      %dma_wait3A = tpu.memref_slice %arg8[%add3A_6] : memref<16384xi32, #tpu.memory_space<hbm>> -> memref<128xi32, #tpu.memory_space<hbm>>
      %dma_wait3A_40 = tpu.memref_slice %arg8[%add3A_6] : memref<16384xi32, #tpu.memory_space<hbm>> -> memref<128xi32, #tpu.memory_space<hbm>>
      tpu.wait_dma2 semaphore(%run_scoped3A : memref<!tpu.dma_semaphore, #tpu.memory_space<semaphore_mem>>) src(%dma_wait3A_40 : memref<128xi32, #tpu.memory_space<hbm>>) dst(%arg21 : memref<128xi32, #tpu.memory_space<vmem>>)
      tpu.yield
    }) : () -> ()
    "tpu.region"() ({
      %run_scoped3A = tpu.sem_alloc : memref<!tpu.dma_semaphore, #tpu.memory_space<semaphore_mem>>
      %dma_start3A_38 = tpu.memref_slice %arg10[%add3A_6] : memref<16384xi32, #tpu.memory_space<hbm>> -> memref<128xi32, #tpu.memory_space<hbm>>
      %dma_start3A_39 = tpu.memref_slice %arg10[%add3A_6] : memref<16384xi32, #tpu.memory_space<hbm>> -> memref<128xi32, #tpu.memory_space<hbm>>
      tpu.enqueue_dma source(%dma_start3A_39 : memref<128xi32, #tpu.memory_space<hbm>>) target(%arg22 : memref<128xi32, #tpu.memory_space<vmem>>) target_semaphore(%run_scoped3A : memref<!tpu.dma_semaphore, #tpu.memory_space<semaphore_mem>>)
      %dma_wait3A = tpu.memref_slice %arg10[%add3A_6] : memref<16384xi32, #tpu.memory_space<hbm>> -> memref<128xi32, #tpu.memory_space<hbm>>
      %dma_wait3A_40 = tpu.memref_slice %arg10[%add3A_6] : memref<16384xi32, #tpu.memory_space<hbm>> -> memref<128xi32, #tpu.memory_space<hbm>>
      tpu.wait_dma2 semaphore(%run_scoped3A : memref<!tpu.dma_semaphore, #tpu.memory_space<semaphore_mem>>) src(%dma_wait3A_40 : memref<128xi32, #tpu.memory_space<hbm>>) dst(%arg22 : memref<128xi32, #tpu.memory_space<vmem>>)
      tpu.yield
    }) : () -> ()
    %mul3A_7 = arith.constant 12 : i32
    %mul3A_8 = arith.muli %add3A_6, %mul3A_7 : i32
    %mul3A_9 = arith.constant 4 : i32
    %mul3A_10 = arith.muli %add3A_6, %mul3A_9 : i32
    %dma_start3A = tpu.memref_slice %arg6[%add3A_6] : memref<16384xi32, #tpu.memory_space<hbm>> -> memref<128xi32, #tpu.memory_space<hbm>>
    %dma_start3A_11 = tpu.memref_slice %arg6[%add3A_6] : memref<16384xi32, #tpu.memory_space<hbm>> -> memref<128xi32, #tpu.memory_space<hbm>>
    tpu.enqueue_dma source(%dma_start3A_11 : memref<128xi32, #tpu.memory_space<hbm>>) target(%arg23 : memref<128xi32, #tpu.memory_space<vmem>>) target_semaphore(%arg27 : memref<!tpu.dma_semaphore, #tpu.memory_space<semaphore_mem>>)
    %dma_start3A_12 = tpu.memref_slice %arg9[%add3A_6] : memref<16384xi32, #tpu.memory_space<hbm>> -> memref<128xi32, #tpu.memory_space<hbm>>
    %dma_start3A_13 = tpu.memref_slice %arg9[%add3A_6] : memref<16384xi32, #tpu.memory_space<hbm>> -> memref<128xi32, #tpu.memory_space<hbm>>
    tpu.enqueue_dma source(%dma_start3A_13 : memref<128xi32, #tpu.memory_space<hbm>>) target(%arg24 : memref<128xi32, #tpu.memory_space<vmem>>) target_semaphore(%arg27 : memref<!tpu.dma_semaphore, #tpu.memory_space<semaphore_mem>>)
    %dma_start3A_14 = tpu.memref_slice %arg11[%mul3A_8] : memref<196608xi32, #tpu.memory_space<hbm>> -> memref<1536xi32, #tpu.memory_space<hbm>>
    %dma_start3A_15 = tpu.memref_slice %arg11[%mul3A_8] : memref<196608xi32, #tpu.memory_space<hbm>> -> memref<1536xi32, #tpu.memory_space<hbm>>
    tpu.enqueue_dma source(%dma_start3A_15 : memref<1536xi32, #tpu.memory_space<hbm>>) target(%arg25 : memref<1536xi32, #tpu.memory_space<vmem>>) target_semaphore(%arg27 : memref<!tpu.dma_semaphore, #tpu.memory_space<semaphore_mem>>)
    %dma_start3A_16 = tpu.memref_slice %arg4[%mul3A_10] : memref<65536xf32, #tpu.memory_space<hbm>> -> memref<512xf32, #tpu.memory_space<hbm>>
    %dma_start3A_17 = tpu.memref_slice %arg4[%mul3A_10] : memref<65536xf32, #tpu.memory_space<hbm>> -> memref<512xf32, #tpu.memory_space<hbm>>
    tpu.enqueue_dma source(%dma_start3A_17 : memref<512xf32, #tpu.memory_space<hbm>>) target(%arg26 : memref<512xf32, #tpu.memory_space<vmem>>) target_semaphore(%arg27 : memref<!tpu.dma_semaphore, #tpu.memory_space<semaphore_mem>>)
    %dma_start3A_18 = arith.constant 0 : i32
    %dma_start3A_19 = arith.constant 0 : i32
    %dma_start3A_20 = tpu.memref_slice %arg2[%dma_start3A_18, %dma_start3A_19] : memref<100000x64xi32, #tpu.memory_space<hbm>> -> memref<100000x64xi32, #tpu.memory_space<hbm>>
    tpu.enqueue_indirect_dma source(%dma_start3A_20 : memref<100000x64xi32, #tpu.memory_space<hbm>>) target(%arg15 : memref<128x64xi32, #tpu.memory_space<vmem>>) offsets(%arg19 : memref<128xi32, #tpu.memory_space<vmem>>) semaphore(%arg27 : memref<!tpu.dma_semaphore, #tpu.memory_space<semaphore_mem>>)
    %dma_start3A_21 = arith.constant 0 : i32
    %dma_start3A_22 = arith.constant 0 : i32
    %dma_start3A_23 = tpu.memref_slice %arg2[%dma_start3A_21, %dma_start3A_22] : memref<100000x64xi32, #tpu.memory_space<hbm>> -> memref<100000x64xi32, #tpu.memory_space<hbm>>
    tpu.enqueue_indirect_dma source(%dma_start3A_23 : memref<100000x64xi32, #tpu.memory_space<hbm>>) target(%arg16 : memref<128x64xi32, #tpu.memory_space<vmem>>) offsets(%arg20 : memref<128xi32, #tpu.memory_space<vmem>>) semaphore(%arg27 : memref<!tpu.dma_semaphore, #tpu.memory_space<semaphore_mem>>)
    %dma_start3A_24 = arith.constant 0 : i32
    %dma_start3A_25 = arith.constant 0 : i32
    %dma_start3A_26 = tpu.memref_slice %arg2[%dma_start3A_24, %dma_start3A_25] : memref<100000x64xi32, #tpu.memory_space<hbm>> -> memref<100000x64xi32, #tpu.memory_space<hbm>>
    tpu.enqueue_indirect_dma source(%dma_start3A_26 : memref<100000x64xi32, #tpu.memory_space<hbm>>) target(%arg17 : memref<128x64xi32, #tpu.memory_space<vmem>>) offsets(%arg21 : memref<128xi32, #tpu.memory_space<vmem>>) semaphore(%arg27 : memref<!tpu.dma_semaphore, #tpu.memory_space<semaphore_mem>>)
    %dma_start3A_27 = arith.constant 0 : i32
    %dma_start3A_28 = arith.constant 0 : i32
    %dma_start3A_29 = tpu.memref_slice %arg2[%dma_start3A_27, %dma_start3A_28] : memref<100000x64xi32, #tpu.memory_space<hbm>> -> memref<100000x64xi32, #tpu.memory_space<hbm>>
    tpu.enqueue_indirect_dma source(%dma_start3A_29 : memref<100000x64xi32, #tpu.memory_space<hbm>>) target(%arg18 : memref<128x64xi32, #tpu.memory_space<vmem>>) offsets(%arg22 : memref<128xi32, #tpu.memory_space<vmem>>) semaphore(%arg27 : memref<!tpu.dma_semaphore, #tpu.memory_space<semaphore_mem>>)
    %scan3A = arith.constant 0 : i32
    %scan3A_30 = arith.constant 0 : i32
    %scan3A_31 = arith.constant 2 : i32
    %scan3A_32 = arith.addi %scan3A_30, %scan3A_31 : i32
    %scan3A_33 = arith.constant 1 : i32
    %scan3A_34 = scf.for %scan3A_38 = %scan3A_30 to %scan3A_32 step %scan3A_33 iter_args(%scan3A_39 = %scan3A) -> (i32)  : i32 {
      %mul3A_40 = arith.constant 2 : i32
      %mul3A_41 = arith.muli %mul3A_40, %scan3A_38 : i32
      %add3A_42 = arith.constant 1 : i32
      %add3A_43 = arith.addi %mul3A_41, %add3A_42 : i32
      %mul3A_44 = arith.constant 512 : i32
      %mul3A_45 = arith.muli %add3A, %mul3A_44 : i32
      %mul3A_46 = arith.constant 128 : i32
      %mul3A_47 = arith.muli %add3A_43, %mul3A_46 : i32
      %add3A_48 = arith.addi %mul3A_45, %mul3A_47 : i32
      "tpu.region"() ({
        %run_scoped3A = tpu.sem_alloc : memref<!tpu.dma_semaphore, #tpu.memory_space<semaphore_mem>>
        %dma_start3A_164 = tpu.memref_slice %arg5[%add3A_48] : memref<16384xi32, #tpu.memory_space<hbm>> -> memref<128xi32, #tpu.memory_space<hbm>>
        %dma_start3A_165 = tpu.memref_slice %arg5[%add3A_48] : memref<16384xi32, #tpu.memory_space<hbm>> -> memref<128xi32, #tpu.memory_space<hbm>>
        tpu.enqueue_dma source(%dma_start3A_165 : memref<128xi32, #tpu.memory_space<hbm>>) target(%arg32 : memref<128xi32, #tpu.memory_space<vmem>>) target_semaphore(%run_scoped3A : memref<!tpu.dma_semaphore, #tpu.memory_space<semaphore_mem>>)
        %dma_wait3A_166 = tpu.memref_slice %arg5[%add3A_48] : memref<16384xi32, #tpu.memory_space<hbm>> -> memref<128xi32, #tpu.memory_space<hbm>>
        %dma_wait3A_167 = tpu.memref_slice %arg5[%add3A_48] : memref<16384xi32, #tpu.memory_space<hbm>> -> memref<128xi32, #tpu.memory_space<hbm>>
        tpu.wait_dma2 semaphore(%run_scoped3A : memref<!tpu.dma_semaphore, #tpu.memory_space<semaphore_mem>>) src(%dma_wait3A_167 : memref<128xi32, #tpu.memory_space<hbm>>) dst(%arg32 : memref<128xi32, #tpu.memory_space<vmem>>)
        tpu.yield
      }) : () -> ()
      "tpu.region"() ({
        %run_scoped3A = tpu.sem_alloc : memref<!tpu.dma_semaphore, #tpu.memory_space<semaphore_mem>>
        %dma_start3A_164 = tpu.memref_slice %arg7[%add3A_48] : memref<16384xi32, #tpu.memory_space<hbm>> -> memref<128xi32, #tpu.memory_space<hbm>>
        %dma_start3A_165 = tpu.memref_slice %arg7[%add3A_48] : memref<16384xi32, #tpu.memory_space<hbm>> -> memref<128xi32, #tpu.memory_space<hbm>>
        tpu.enqueue_dma source(%dma_start3A_165 : memref<128xi32, #tpu.memory_space<hbm>>) target(%arg33 : memref<128xi32, #tpu.memory_space<vmem>>) target_semaphore(%run_scoped3A : memref<!tpu.dma_semaphore, #tpu.memory_space<semaphore_mem>>)
        %dma_wait3A_166 = tpu.memref_slice %arg7[%add3A_48] : memref<16384xi32, #tpu.memory_space<hbm>> -> memref<128xi32, #tpu.memory_space<hbm>>
        %dma_wait3A_167 = tpu.memref_slice %arg7[%add3A_48] : memref<16384xi32, #tpu.memory_space<hbm>> -> memref<128xi32, #tpu.memory_space<hbm>>
        tpu.wait_dma2 semaphore(%run_scoped3A : memref<!tpu.dma_semaphore, #tpu.memory_space<semaphore_mem>>) src(%dma_wait3A_167 : memref<128xi32, #tpu.memory_space<hbm>>) dst(%arg33 : memref<128xi32, #tpu.memory_space<vmem>>)
        tpu.yield
      }) : () -> ()
      "tpu.region"() ({
        %run_scoped3A = tpu.sem_alloc : memref<!tpu.dma_semaphore, #tpu.memory_space<semaphore_mem>>
        %dma_start3A_164 = tpu.memref_slice %arg8[%add3A_48] : memref<16384xi32, #tpu.memory_space<hbm>> -> memref<128xi32, #tpu.memory_space<hbm>>
        %dma_start3A_165 = tpu.memref_slice %arg8[%add3A_48] : memref<16384xi32, #tpu.memory_space<hbm>> -> memref<128xi32, #tpu.memory_space<hbm>>
        tpu.enqueue_dma source(%dma_start3A_165 : memref<128xi32, #tpu.memory_space<hbm>>) target(%arg34 : memref<128xi32, #tpu.memory_space<vmem>>) target_semaphore(%run_scoped3A : memref<!tpu.dma_semaphore, #tpu.memory_space<semaphore_mem>>)
        %dma_wait3A_166 = tpu.memref_slice %arg8[%add3A_48] : memref<16384xi32, #tpu.memory_space<hbm>> -> memref<128xi32, #tpu.memory_space<hbm>>
        %dma_wait3A_167 = tpu.memref_slice %arg8[%add3A_48] : memref<16384xi32, #tpu.memory_space<hbm>> -> memref<128xi32, #tpu.memory_space<hbm>>
        tpu.wait_dma2 semaphore(%run_scoped3A : memref<!tpu.dma_semaphore, #tpu.memory_space<semaphore_mem>>) src(%dma_wait3A_167 : memref<128xi32, #tpu.memory_space<hbm>>) dst(%arg34 : memref<128xi32, #tpu.memory_space<vmem>>)
        tpu.yield
      }) : () -> ()
      "tpu.region"() ({
        %run_scoped3A = tpu.sem_alloc : memref<!tpu.dma_semaphore, #tpu.memory_space<semaphore_mem>>
        %dma_start3A_164 = tpu.memref_slice %arg10[%add3A_48] : memref<16384xi32, #tpu.memory_space<hbm>> -> memref<128xi32, #tpu.memory_space<hbm>>
        %dma_start3A_165 = tpu.memref_slice %arg10[%add3A_48] : memref<16384xi32, #tpu.memory_space<hbm>> -> memref<128xi32, #tpu.memory_space<hbm>>
        tpu.enqueue_dma source(%dma_start3A_165 : memref<128xi32, #tpu.memory_space<hbm>>) target(%arg35 : memref<128xi32, #tpu.memory_space<vmem>>) target_semaphore(%run_scoped3A : memref<!tpu.dma_semaphore, #tpu.memory_space<semaphore_mem>>)
        %dma_wait3A_166 = tpu.memref_slice %arg10[%add3A_48] : memref<16384xi32, #tpu.memory_space<hbm>> -> memref<128xi32, #tpu.memory_space<hbm>>
        %dma_wait3A_167 = tpu.memref_slice %arg10[%add3A_48] : memref<16384xi32, #tpu.memory_space<hbm>> -> memref<128xi32, #tpu.memory_space<hbm>>
        tpu.wait_dma2 semaphore(%run_scoped3A : memref<!tpu.dma_semaphore, #tpu.memory_space<semaphore_mem>>) src(%dma_wait3A_167 : memref<128xi32, #tpu.memory_space<hbm>>) dst(%arg35 : memref<128xi32, #tpu.memory_space<vmem>>)
        tpu.yield
      }) : () -> ()
      %mul3A_49 = arith.constant 12 : i32
      %mul3A_50 = arith.muli %add3A_48, %mul3A_49 : i32
      %mul3A_51 = arith.constant 4 : i32
      %mul3A_52 = arith.muli %add3A_48, %mul3A_51 : i32
      %dma_start3A_53 = tpu.memref_slice %arg6[%add3A_48] : memref<16384xi32, #tpu.memory_space<hbm>> -> memref<128xi32, #tpu.memory_space<hbm>>
      %dma_start3A_54 = tpu.memref_slice %arg6[%add3A_48] : memref<16384xi32, #tpu.memory_space<hbm>> -> memref<128xi32, #tpu.memory_space<hbm>>
      tpu.enqueue_dma source(%dma_start3A_54 : memref<128xi32, #tpu.memory_space<hbm>>) target(%arg36 : memref<128xi32, #tpu.memory_space<vmem>>) target_semaphore(%arg40 : memref<!tpu.dma_semaphore, #tpu.memory_space<semaphore_mem>>)
      %dma_start3A_55 = tpu.memref_slice %arg9[%add3A_48] : memref<16384xi32, #tpu.memory_space<hbm>> -> memref<128xi32, #tpu.memory_space<hbm>>
      %dma_start3A_56 = tpu.memref_slice %arg9[%add3A_48] : memref<16384xi32, #tpu.memory_space<hbm>> -> memref<128xi32, #tpu.memory_space<hbm>>
      tpu.enqueue_dma source(%dma_start3A_56 : memref<128xi32, #tpu.memory_space<hbm>>) target(%arg37 : memref<128xi32, #tpu.memory_space<vmem>>) target_semaphore(%arg40 : memref<!tpu.dma_semaphore, #tpu.memory_space<semaphore_mem>>)
      %dma_start3A_57 = tpu.memref_slice %arg11[%mul3A_50] : memref<196608xi32, #tpu.memory_space<hbm>> -> memref<1536xi32, #tpu.memory_space<hbm>>
      %dma_start3A_58 = tpu.memref_slice %arg11[%mul3A_50] : memref<196608xi32, #tpu.memory_space<hbm>> -> memref<1536xi32, #tpu.memory_space<hbm>>
      tpu.enqueue_dma source(%dma_start3A_58 : memref<1536xi32, #tpu.memory_space<hbm>>) target(%arg38 : memref<1536xi32, #tpu.memory_space<vmem>>) target_semaphore(%arg40 : memref<!tpu.dma_semaphore, #tpu.memory_space<semaphore_mem>>)
      %dma_start3A_59 = tpu.memref_slice %arg4[%mul3A_52] : memref<65536xf32, #tpu.memory_space<hbm>> -> memref<512xf32, #tpu.memory_space<hbm>>
      %dma_start3A_60 = tpu.memref_slice %arg4[%mul3A_52] : memref<65536xf32, #tpu.memory_space<hbm>> -> memref<512xf32, #tpu.memory_space<hbm>>
      tpu.enqueue_dma source(%dma_start3A_60 : memref<512xf32, #tpu.memory_space<hbm>>) target(%arg39 : memref<512xf32, #tpu.memory_space<vmem>>) target_semaphore(%arg40 : memref<!tpu.dma_semaphore, #tpu.memory_space<semaphore_mem>>)
      %dma_start3A_61 = arith.constant 0 : i32
      %dma_start3A_62 = arith.constant 0 : i32
      %dma_start3A_63 = tpu.memref_slice %arg2[%dma_start3A_61, %dma_start3A_62] : memref<100000x64xi32, #tpu.memory_space<hbm>> -> memref<100000x64xi32, #tpu.memory_space<hbm>>
      tpu.enqueue_indirect_dma source(%dma_start3A_63 : memref<100000x64xi32, #tpu.memory_space<hbm>>) target(%arg28 : memref<128x64xi32, #tpu.memory_space<vmem>>) offsets(%arg32 : memref<128xi32, #tpu.memory_space<vmem>>) semaphore(%arg40 : memref<!tpu.dma_semaphore, #tpu.memory_space<semaphore_mem>>)
      %dma_start3A_64 = arith.constant 0 : i32
      %dma_start3A_65 = arith.constant 0 : i32
      %dma_start3A_66 = tpu.memref_slice %arg2[%dma_start3A_64, %dma_start3A_65] : memref<100000x64xi32, #tpu.memory_space<hbm>> -> memref<100000x64xi32, #tpu.memory_space<hbm>>
      tpu.enqueue_indirect_dma source(%dma_start3A_66 : memref<100000x64xi32, #tpu.memory_space<hbm>>) target(%arg29 : memref<128x64xi32, #tpu.memory_space<vmem>>) offsets(%arg33 : memref<128xi32, #tpu.memory_space<vmem>>) semaphore(%arg40 : memref<!tpu.dma_semaphore, #tpu.memory_space<semaphore_mem>>)
      %dma_start3A_67 = arith.constant 0 : i32
      %dma_start3A_68 = arith.constant 0 : i32
      %dma_start3A_69 = tpu.memref_slice %arg2[%dma_start3A_67, %dma_start3A_68] : memref<100000x64xi32, #tpu.memory_space<hbm>> -> memref<100000x64xi32, #tpu.memory_space<hbm>>
      tpu.enqueue_indirect_dma source(%dma_start3A_69 : memref<100000x64xi32, #tpu.memory_space<hbm>>) target(%arg30 : memref<128x64xi32, #tpu.memory_space<vmem>>) offsets(%arg34 : memref<128xi32, #tpu.memory_space<vmem>>) semaphore(%arg40 : memref<!tpu.dma_semaphore, #tpu.memory_space<semaphore_mem>>)
      %dma_start3A_70 = arith.constant 0 : i32
      %dma_start3A_71 = arith.constant 0 : i32
      %dma_start3A_72 = tpu.memref_slice %arg2[%dma_start3A_70, %dma_start3A_71] : memref<100000x64xi32, #tpu.memory_space<hbm>> -> memref<100000x64xi32, #tpu.memory_space<hbm>>
      tpu.enqueue_indirect_dma source(%dma_start3A_72 : memref<100000x64xi32, #tpu.memory_space<hbm>>) target(%arg31 : memref<128x64xi32, #tpu.memory_space<vmem>>) offsets(%arg35 : memref<128xi32, #tpu.memory_space<vmem>>) semaphore(%arg40 : memref<!tpu.dma_semaphore, #tpu.memory_space<semaphore_mem>>)
      %mul3A_73 = arith.constant 2 : i32
      %mul3A_74 = arith.muli %mul3A_73, %scan3A_38 : i32
      %mul3A_75 = arith.constant 512 : i32
      %mul3A_76 = arith.muli %add3A, %mul3A_75 : i32
      %mul3A_77 = arith.constant 128 : i32
      %mul3A_78 = arith.muli %mul3A_74, %mul3A_77 : i32
      %add3A_79 = arith.addi %mul3A_76, %mul3A_78 : i32
      %mul3A_80 = arith.constant 12 : i32
      %mul3A_81 = arith.muli %add3A_79, %mul3A_80 : i32
      %mul3A_82 = arith.constant 4 : i32
      %mul3A_83 = arith.muli %add3A_79, %mul3A_82 : i32
      %dma_wait3A = tpu.memref_slice %arg6[%add3A_79] : memref<16384xi32, #tpu.memory_space<hbm>> -> memref<128xi32, #tpu.memory_space<hbm>>
      %dma_wait3A_84 = tpu.memref_slice %arg6[%add3A_79] : memref<16384xi32, #tpu.memory_space<hbm>> -> memref<128xi32, #tpu.memory_space<hbm>>
      tpu.wait_dma2 semaphore(%arg27 : memref<!tpu.dma_semaphore, #tpu.memory_space<semaphore_mem>>) src(%dma_wait3A_84 : memref<128xi32, #tpu.memory_space<hbm>>) dst(%arg23 : memref<128xi32, #tpu.memory_space<vmem>>)
      %dma_wait3A_85 = tpu.memref_slice %arg9[%add3A_79] : memref<16384xi32, #tpu.memory_space<hbm>> -> memref<128xi32, #tpu.memory_space<hbm>>
      %dma_wait3A_86 = tpu.memref_slice %arg9[%add3A_79] : memref<16384xi32, #tpu.memory_space<hbm>> -> memref<128xi32, #tpu.memory_space<hbm>>
      tpu.wait_dma2 semaphore(%arg27 : memref<!tpu.dma_semaphore, #tpu.memory_space<semaphore_mem>>) src(%dma_wait3A_86 : memref<128xi32, #tpu.memory_space<hbm>>) dst(%arg24 : memref<128xi32, #tpu.memory_space<vmem>>)
      %dma_wait3A_87 = tpu.memref_slice %arg11[%mul3A_81] : memref<196608xi32, #tpu.memory_space<hbm>> -> memref<1536xi32, #tpu.memory_space<hbm>>
      %dma_wait3A_88 = tpu.memref_slice %arg11[%mul3A_81] : memref<196608xi32, #tpu.memory_space<hbm>> -> memref<1536xi32, #tpu.memory_space<hbm>>
      tpu.wait_dma2 semaphore(%arg27 : memref<!tpu.dma_semaphore, #tpu.memory_space<semaphore_mem>>) src(%dma_wait3A_88 : memref<1536xi32, #tpu.memory_space<hbm>>) dst(%arg25 : memref<1536xi32, #tpu.memory_space<vmem>>)
      %dma_wait3A_89 = tpu.memref_slice %arg4[%mul3A_83] : memref<65536xf32, #tpu.memory_space<hbm>> -> memref<512xf32, #tpu.memory_space<hbm>>
      %dma_wait3A_90 = tpu.memref_slice %arg4[%mul3A_83] : memref<65536xf32, #tpu.memory_space<hbm>> -> memref<512xf32, #tpu.memory_space<hbm>>
      tpu.wait_dma2 semaphore(%arg27 : memref<!tpu.dma_semaphore, #tpu.memory_space<semaphore_mem>>) src(%dma_wait3A_90 : memref<512xf32, #tpu.memory_space<hbm>>) dst(%arg26 : memref<512xf32, #tpu.memory_space<vmem>>)
      %dma_wait3A_91 = arith.constant 0 : i32
      %dma_wait3A_92 = arith.constant 0 : i32
      %dma_wait3A_93 = tpu.memref_slice %arg2[%dma_wait3A_91, %dma_wait3A_92] : memref<100000x64xi32, #tpu.memory_space<hbm>> -> memref<100000x64xi32, #tpu.memory_space<hbm>>
      tpu.wait_indirect_dma semaphore(%arg27 : memref<!tpu.dma_semaphore, #tpu.memory_space<semaphore_mem>>) src(%dma_wait3A_93 : memref<100000x64xi32, #tpu.memory_space<hbm>>) dst(%arg15 : memref<128x64xi32, #tpu.memory_space<vmem>>)
      %dma_wait3A_94 = arith.constant 0 : i32
      %dma_wait3A_95 = arith.constant 0 : i32
      %dma_wait3A_96 = tpu.memref_slice %arg2[%dma_wait3A_94, %dma_wait3A_95] : memref<100000x64xi32, #tpu.memory_space<hbm>> -> memref<100000x64xi32, #tpu.memory_space<hbm>>
      tpu.wait_indirect_dma semaphore(%arg27 : memref<!tpu.dma_semaphore, #tpu.memory_space<semaphore_mem>>) src(%dma_wait3A_96 : memref<100000x64xi32, #tpu.memory_space<hbm>>) dst(%arg16 : memref<128x64xi32, #tpu.memory_space<vmem>>)
      %dma_wait3A_97 = arith.constant 0 : i32
      %dma_wait3A_98 = arith.constant 0 : i32
      %dma_wait3A_99 = tpu.memref_slice %arg2[%dma_wait3A_97, %dma_wait3A_98] : memref<100000x64xi32, #tpu.memory_space<hbm>> -> memref<100000x64xi32, #tpu.memory_space<hbm>>
      tpu.wait_indirect_dma semaphore(%arg27 : memref<!tpu.dma_semaphore, #tpu.memory_space<semaphore_mem>>) src(%dma_wait3A_99 : memref<100000x64xi32, #tpu.memory_space<hbm>>) dst(%arg17 : memref<128x64xi32, #tpu.memory_space<vmem>>)
      %dma_wait3A_100 = arith.constant 0 : i32
      %dma_wait3A_101 = arith.constant 0 : i32
      %dma_wait3A_102 = tpu.memref_slice %arg2[%dma_wait3A_100, %dma_wait3A_101] : memref<100000x64xi32, #tpu.memory_space<hbm>> -> memref<100000x64xi32, #tpu.memory_space<hbm>>
      tpu.wait_indirect_dma semaphore(%arg27 : memref<!tpu.dma_semaphore, #tpu.memory_space<semaphore_mem>>) src(%dma_wait3A_102 : memref<100000x64xi32, #tpu.memory_space<hbm>>) dst(%arg18 : memref<128x64xi32, #tpu.memory_space<vmem>>)
      %broadcast_in_dim3A_103 = arith.constant 0.000000e+00 : f32
      %broadcast_in_dim3A_104 = vector.broadcast %broadcast_in_dim3A_103 : f32 to vector<16xf32>
      %scan3A_105 = arith.constant 0 : i32
      %scan3A_106 = arith.constant 8 : i32
      %scan3A_107 = arith.addi %scan3A_105, %scan3A_106 : i32
      %scan3A_108 = arith.constant 1 : i32
      %scan3A_109 = scf.for %scan3A_164 = %scan3A_105 to %scan3A_107 step %scan3A_108 iter_args(%scan3A_165 = %broadcast_in_dim3A_104) -> (vector<16xf32>)  : i32 {
        %iota3A = tpu.iota {dimensions = array<i32: 0>} : vector<16xi32>
        %mul3A_166 = arith.constant 16 : i32
        %mul3A_167 = arith.muli %scan3A_164, %mul3A_166 : i32
        %add3A_168 = vector.broadcast %mul3A_167 : i32 to vector<16xi32>
        %add3A_169 = arith.addi %iota3A, %add3A_168 : vector<16xi32>
        %mul3A_170 = arith.constant 4 : i32
        %mul3A_171 = vector.broadcast %mul3A_170 : i32 to vector<16xi32>
        %mul3A_172 = arith.muli %add3A_169, %mul3A_171 : vector<16xi32>
        %mul3A_173 = arith.constant 12 : i32
        %mul3A_174 = vector.broadcast %mul3A_173 : i32 to vector<16xi32>
        %mul3A_175 = arith.muli %add3A_169, %mul3A_174 : vector<16xi32>
        %gather3A = tpu.vector_load_idx %arg26[%mul3A_172] : memref<512xf32, #tpu.memory_space<vmem>>[vector<16xi32>], vector<16xf32>,
        %add3A_176 = arith.constant 1 : i32
        %add3A_177 = vector.broadcast %add3A_176 : i32 to vector<16xi32>
        %add3A_178 = arith.addi %mul3A_172, %add3A_177 : vector<16xi32>
        %gather3A_179 = tpu.vector_load_idx %arg26[%add3A_178] : memref<512xf32, #tpu.memory_space<vmem>>[vector<16xi32>], vector<16xf32>,
        %add3A_180 = arith.constant 2 : i32
        %add3A_181 = vector.broadcast %add3A_180 : i32 to vector<16xi32>
        %add3A_182 = arith.addi %mul3A_172, %add3A_181 : vector<16xi32>
        %gather3A_183 = tpu.vector_load_idx %arg26[%add3A_182] : memref<512xf32, #tpu.memory_space<vmem>>[vector<16xi32>], vector<16xf32>,
        %add3A_184 = arith.constant 3 : i32
        %add3A_185 = vector.broadcast %add3A_184 : i32 to vector<16xi32>
        %add3A_186 = arith.addi %mul3A_172, %add3A_185 : vector<16xi32>
        %gather3A_187 = tpu.vector_load_idx %arg26[%add3A_186] : memref<512xf32, #tpu.memory_space<vmem>>[vector<16xi32>], vector<16xf32>,
        %gather3A_188 = tpu.vector_load_idx %arg23[%add3A_169] : memref<128xi32, #tpu.memory_space<vmem>>[vector<16xi32>], vector<16xi32>,
        %gather3A_189 = tpu.vector_load_idx %arg24[%add3A_169] : memref<128xi32, #tpu.memory_space<vmem>>[vector<16xi32>], vector<16xi32>,
        %add3A_190 = arith.constant 0 : i32
        %add3A_191 = vector.broadcast %add3A_190 : i32 to vector<16xi32>
        %add3A_192 = arith.addi %mul3A_175, %add3A_191 : vector<16xi32>
        %gather3A_193 = tpu.vector_load_idx %arg25[%add3A_192] : memref<1536xi32, #tpu.memory_space<vmem>>[vector<16xi32>], vector<16xi32>,
        %add3A_194 = arith.constant 1 : i32
        %add3A_195 = vector.broadcast %add3A_194 : i32 to vector<16xi32>
        %add3A_196 = arith.addi %mul3A_175, %add3A_195 : vector<16xi32>
        %gather3A_197 = tpu.vector_load_idx %arg25[%add3A_196] : memref<1536xi32, #tpu.memory_space<vmem>>[vector<16xi32>], vector<16xi32>,
        %add3A_198 = arith.constant 2 : i32
        %add3A_199 = vector.broadcast %add3A_198 : i32 to vector<16xi32>
        %add3A_200 = arith.addi %mul3A_175, %add3A_199 : vector<16xi32>
        %gather3A_201 = tpu.vector_load_idx %arg25[%add3A_200] : memref<1536xi32, #tpu.memory_space<vmem>>[vector<16xi32>], vector<16xi32>,
        %add3A_202 = arith.constant 3 : i32
        %add3A_203 = vector.broadcast %add3A_202 : i32 to vector<16xi32>
        %add3A_204 = arith.addi %mul3A_175, %add3A_203 : vector<16xi32>
        %gather3A_205 = tpu.vector_load_idx %arg25[%add3A_204] : memref<1536xi32, #tpu.memory_space<vmem>>[vector<16xi32>], vector<16xi32>,
        %add3A_206 = arith.constant 4 : i32
        %add3A_207 = vector.broadcast %add3A_206 : i32 to vector<16xi32>
        %add3A_208 = arith.addi %mul3A_175, %add3A_207 : vector<16xi32>
        %gather3A_209 = tpu.vector_load_idx %arg25[%add3A_208] : memref<1536xi32, #tpu.memory_space<vmem>>[vector<16xi32>], vector<16xi32>,
        %add3A_210 = arith.constant 5 : i32
        %add3A_211 = vector.broadcast %add3A_210 : i32 to vector<16xi32>
        %add3A_212 = arith.addi %mul3A_175, %add3A_211 : vector<16xi32>
        %gather3A_213 = tpu.vector_load_idx %arg25[%add3A_212] : memref<1536xi32, #tpu.memory_space<vmem>>[vector<16xi32>], vector<16xi32>,
        %add3A_214 = arith.constant 6 : i32
        %add3A_215 = vector.broadcast %add3A_214 : i32 to vector<16xi32>
        %add3A_216 = arith.addi %mul3A_175, %add3A_215 : vector<16xi32>
        %gather3A_217 = tpu.vector_load_idx %arg25[%add3A_216] : memref<1536xi32, #tpu.memory_space<vmem>>[vector<16xi32>], vector<16xi32>,
        %add3A_218 = arith.constant 7 : i32
        %add3A_219 = vector.broadcast %add3A_218 : i32 to vector<16xi32>
        %add3A_220 = arith.addi %mul3A_175, %add3A_219 : vector<16xi32>
        %gather3A_221 = tpu.vector_load_idx %arg25[%add3A_220] : memref<1536xi32, #tpu.memory_space<vmem>>[vector<16xi32>], vector<16xi32>,
        %add3A_222 = arith.constant 8 : i32
        %add3A_223 = vector.broadcast %add3A_222 : i32 to vector<16xi32>
        %add3A_224 = arith.addi %mul3A_175, %add3A_223 : vector<16xi32>
        %gather3A_225 = tpu.vector_load_idx %arg25[%add3A_224] : memref<1536xi32, #tpu.memory_space<vmem>>[vector<16xi32>], vector<16xi32>,
        %add3A_226 = arith.constant 9 : i32
        %add3A_227 = vector.broadcast %add3A_226 : i32 to vector<16xi32>
        %add3A_228 = arith.addi %mul3A_175, %add3A_227 : vector<16xi32>
        %gather3A_229 = tpu.vector_load_idx %arg25[%add3A_228] : memref<1536xi32, #tpu.memory_space<vmem>>[vector<16xi32>], vector<16xi32>,
        %add3A_230 = arith.constant 10 : i32
        %add3A_231 = vector.broadcast %add3A_230 : i32 to vector<16xi32>
        %add3A_232 = arith.addi %mul3A_175, %add3A_231 : vector<16xi32>
        %gather3A_233 = tpu.vector_load_idx %arg25[%add3A_232] : memref<1536xi32, #tpu.memory_space<vmem>>[vector<16xi32>], vector<16xi32>,
        %add3A_234 = arith.constant 11 : i32
        %add3A_235 = vector.broadcast %add3A_234 : i32 to vector<16xi32>
        %add3A_236 = arith.addi %mul3A_175, %add3A_235 : vector<16xi32>
        %gather3A_237 = tpu.vector_load_idx %arg25[%add3A_236] : memref<1536xi32, #tpu.memory_space<vmem>>[vector<16xi32>], vector<16xi32>,
        %broadcast_in_dim3A_238 = arith.constant 0.000000e+00 : f32
        %broadcast_in_dim3A_239 = vector.broadcast %broadcast_in_dim3A_238 : f32 to vector<16xf32>
        %parallel_loop3A = arith.constant 0 : i32
        %parallel_loop3A_240 = arith.constant 32 : i32
        %parallel_loop3A_241 = arith.constant 1 : i32
        %parallel_loop3A_242:2 = scf.for %parallel_loop3A_318 = %parallel_loop3A to %parallel_loop3A_240 step %parallel_loop3A_241 iter_args(%parallel_loop3A_319 = %broadcast_in_dim3A_239, %parallel_loop3A_320 = %broadcast_in_dim3A_239) -> (vector<16xf32>, vector<16xf32>)  : i32 {
          %parallel_loop3A_321 = vector.broadcast %parallel_loop3A_318 : i32 to vector<16xi32>
          %parallel_loop3A_322 = arith.addi %parallel_loop3A_321, %iota3A : vector<16xi32>
          %parallel_loop3A_323 = arith.constant 31 : i32
          %parallel_loop3A_324 = vector.broadcast %parallel_loop3A_323 : i32 to vector<16xi32>
          %parallel_loop3A_325 = arith.andi %parallel_loop3A_322, %parallel_loop3A_324 : vector<16xi32>
          %parallel_loop3A_326 = arith.constant 32 : i32
          %parallel_loop3A_327 = vector.broadcast %parallel_loop3A_326 : i32 to vector<16xi32>
          %parallel_loop3A_328 = arith.addi %parallel_loop3A_325, %parallel_loop3A_327 : vector<16xi32>
          %parallel_loop3A_329 = tpu.vector_load_idx %arg15[%add3A_169, %parallel_loop3A_325] : memref<128x64xi32, #tpu.memory_space<vmem>>[vector<16xi32>, vector<16xi32>], vector<16xi32>,
          %parallel_loop3A_330 = arith.constant 16 : i32
          %parallel_loop3A_331 = vector.broadcast %parallel_loop3A_330 : i32 to vector<16xi32>
          %parallel_loop3A_332 = arith.shli %parallel_loop3A_329, %parallel_loop3A_331 : vector<16xi32>
          %parallel_loop3A_333 = vector.bitcast %parallel_loop3A_332 : vector<16xi32> to vector<16xf32>
          %parallel_loop3A_334 = arith.constant -65536 : i32
          %parallel_loop3A_335 = vector.broadcast %parallel_loop3A_334 : i32 to vector<16xi32>
          %parallel_loop3A_336 = arith.andi %parallel_loop3A_329, %parallel_loop3A_335 : vector<16xi32>
          %parallel_loop3A_337 = vector.bitcast %parallel_loop3A_336 : vector<16xi32> to vector<16xf32>
          %parallel_loop3A_338 = tpu.vector_load_idx %arg15[%add3A_169, %parallel_loop3A_328] : memref<128x64xi32, #tpu.memory_space<vmem>>[vector<16xi32>, vector<16xi32>], vector<16xi32>,
          %parallel_loop3A_339 = arith.constant 16 : i32
          %parallel_loop3A_340 = vector.broadcast %parallel_loop3A_339 : i32 to vector<16xi32>
          %parallel_loop3A_341 = arith.shli %parallel_loop3A_338, %parallel_loop3A_340 : vector<16xi32>
          %parallel_loop3A_342 = vector.bitcast %parallel_loop3A_341 : vector<16xi32> to vector<16xf32>
          %parallel_loop3A_343 = arith.constant -65536 : i32
          %parallel_loop3A_344 = vector.broadcast %parallel_loop3A_343 : i32 to vector<16xi32>
          %parallel_loop3A_345 = arith.andi %parallel_loop3A_338, %parallel_loop3A_344 : vector<16xi32>
          %parallel_loop3A_346 = vector.bitcast %parallel_loop3A_345 : vector<16xi32> to vector<16xf32>
          %parallel_loop3A_347 = tpu.vector_load_idx %arg16[%add3A_169, %parallel_loop3A_325] : memref<128x64xi32, #tpu.memory_space<vmem>>[vector<16xi32>, vector<16xi32>], vector<16xi32>,
          %parallel_loop3A_348 = arith.constant 16 : i32
          %parallel_loop3A_349 = vector.broadcast %parallel_loop3A_348 : i32 to vector<16xi32>
          %parallel_loop3A_350 = arith.shli %parallel_loop3A_347, %parallel_loop3A_349 : vector<16xi32>
          %parallel_loop3A_351 = vector.bitcast %parallel_loop3A_350 : vector<16xi32> to vector<16xf32>
          %parallel_loop3A_352 = arith.constant -65536 : i32
          %parallel_loop3A_353 = vector.broadcast %parallel_loop3A_352 : i32 to vector<16xi32>
          %parallel_loop3A_354 = arith.andi %parallel_loop3A_347, %parallel_loop3A_353 : vector<16xi32>
          %parallel_loop3A_355 = vector.bitcast %parallel_loop3A_354 : vector<16xi32> to vector<16xf32>
          %parallel_loop3A_356 = tpu.vector_load_idx %arg16[%add3A_169, %parallel_loop3A_328] : memref<128x64xi32, #tpu.memory_space<vmem>>[vector<16xi32>, vector<16xi32>], vector<16xi32>,
          %parallel_loop3A_357 = arith.constant 16 : i32
          %parallel_loop3A_358 = vector.broadcast %parallel_loop3A_357 : i32 to vector<16xi32>
          %parallel_loop3A_359 = arith.shli %parallel_loop3A_356, %parallel_loop3A_358 : vector<16xi32>
          %parallel_loop3A_360 = vector.bitcast %parallel_loop3A_359 : vector<16xi32> to vector<16xf32>
          %parallel_loop3A_361 = arith.constant -65536 : i32
          %parallel_loop3A_362 = vector.broadcast %parallel_loop3A_361 : i32 to vector<16xi32>
          %parallel_loop3A_363 = arith.andi %parallel_loop3A_356, %parallel_loop3A_362 : vector<16xi32>
          %parallel_loop3A_364 = vector.bitcast %parallel_loop3A_363 : vector<16xi32> to vector<16xf32>
          %parallel_loop3A_365 = tpu.vector_load_idx %arg17[%add3A_169, %parallel_loop3A_325] : memref<128x64xi32, #tpu.memory_space<vmem>>[vector<16xi32>, vector<16xi32>], vector<16xi32>,
          %parallel_loop3A_366 = arith.constant 16 : i32
          %parallel_loop3A_367 = vector.broadcast %parallel_loop3A_366 : i32 to vector<16xi32>
          %parallel_loop3A_368 = arith.shli %parallel_loop3A_365, %parallel_loop3A_367 : vector<16xi32>
          %parallel_loop3A_369 = vector.bitcast %parallel_loop3A_368 : vector<16xi32> to vector<16xf32>
          %parallel_loop3A_370 = arith.constant -65536 : i32
          %parallel_loop3A_371 = vector.broadcast %parallel_loop3A_370 : i32 to vector<16xi32>
          %parallel_loop3A_372 = arith.andi %parallel_loop3A_365, %parallel_loop3A_371 : vector<16xi32>
          %parallel_loop3A_373 = vector.bitcast %parallel_loop3A_372 : vector<16xi32> to vector<16xf32>
          %parallel_loop3A_374 = tpu.vector_load_idx %arg17[%add3A_169, %parallel_loop3A_328] : memref<128x64xi32, #tpu.memory_space<vmem>>[vector<16xi32>, vector<16xi32>], vector<16xi32>,
          %parallel_loop3A_375 = arith.constant 16 : i32
          %parallel_loop3A_376 = vector.broadcast %parallel_loop3A_375 : i32 to vector<16xi32>
          %parallel_loop3A_377 = arith.shli %parallel_loop3A_374, %parallel_loop3A_376 : vector<16xi32>
          %parallel_loop3A_378 = vector.bitcast %parallel_loop3A_377 : vector<16xi32> to vector<16xf32>
          %parallel_loop3A_379 = arith.constant -65536 : i32
          %parallel_loop3A_380 = vector.broadcast %parallel_loop3A_379 : i32 to vector<16xi32>
          %parallel_loop3A_381 = arith.andi %parallel_loop3A_374, %parallel_loop3A_380 : vector<16xi32>
          %parallel_loop3A_382 = vector.bitcast %parallel_loop3A_381 : vector<16xi32> to vector<16xf32>
          %parallel_loop3A_383 = tpu.vector_load_idx %arg18[%add3A_169, %parallel_loop3A_325] : memref<128x64xi32, #tpu.memory_space<vmem>>[vector<16xi32>, vector<16xi32>], vector<16xi32>,
          %parallel_loop3A_384 = arith.constant 16 : i32
          %parallel_loop3A_385 = vector.broadcast %parallel_loop3A_384 : i32 to vector<16xi32>
          %parallel_loop3A_386 = arith.shli %parallel_loop3A_383, %parallel_loop3A_385 : vector<16xi32>
          %parallel_loop3A_387 = vector.bitcast %parallel_loop3A_386 : vector<16xi32> to vector<16xf32>
          %parallel_loop3A_388 = arith.constant -65536 : i32
          %parallel_loop3A_389 = vector.broadcast %parallel_loop3A_388 : i32 to vector<16xi32>
          %parallel_loop3A_390 = arith.andi %parallel_loop3A_383, %parallel_loop3A_389 : vector<16xi32>
          %parallel_loop3A_391 = vector.bitcast %parallel_loop3A_390 : vector<16xi32> to vector<16xf32>
          %parallel_loop3A_392 = tpu.vector_load_idx %arg18[%add3A_169, %parallel_loop3A_328] : memref<128x64xi32, #tpu.memory_space<vmem>>[vector<16xi32>, vector<16xi32>], vector<16xi32>,
          %parallel_loop3A_393 = arith.constant 16 : i32
          %parallel_loop3A_394 = vector.broadcast %parallel_loop3A_393 : i32 to vector<16xi32>
          %parallel_loop3A_395 = arith.shli %parallel_loop3A_392, %parallel_loop3A_394 : vector<16xi32>
          %parallel_loop3A_396 = vector.bitcast %parallel_loop3A_395 : vector<16xi32> to vector<16xf32>
          %parallel_loop3A_397 = arith.constant -65536 : i32
          %parallel_loop3A_398 = vector.broadcast %parallel_loop3A_397 : i32 to vector<16xi32>
          %parallel_loop3A_399 = arith.andi %parallel_loop3A_392, %parallel_loop3A_398 : vector<16xi32>
          %parallel_loop3A_400 = vector.bitcast %parallel_loop3A_399 : vector<16xi32> to vector<16xf32>
          %parallel_loop3A_401 = tpu.vector_load_idx %arg13[%gather3A_188, %parallel_loop3A_325] : memref<1000x32xi32, #tpu.memory_space<vmem>>[vector<16xi32>, vector<16xi32>], vector<16xi32>,
          %parallel_loop3A_402 = arith.constant 16 : i32
          %parallel_loop3A_403 = vector.broadcast %parallel_loop3A_402 : i32 to vector<16xi32>
          %parallel_loop3A_404 = arith.shli %parallel_loop3A_401, %parallel_loop3A_403 : vector<16xi32>
          %parallel_loop3A_405 = vector.bitcast %parallel_loop3A_404 : vector<16xi32> to vector<16xf32>
          %parallel_loop3A_406 = arith.constant -65536 : i32
          %parallel_loop3A_407 = vector.broadcast %parallel_loop3A_406 : i32 to vector<16xi32>
          %parallel_loop3A_408 = arith.andi %parallel_loop3A_401, %parallel_loop3A_407 : vector<16xi32>
          %parallel_loop3A_409 = vector.bitcast %parallel_loop3A_408 : vector<16xi32> to vector<16xf32>
          %parallel_loop3A_410 = tpu.vector_load_idx %arg13[%gather3A_189, %parallel_loop3A_325] : memref<1000x32xi32, #tpu.memory_space<vmem>>[vector<16xi32>, vector<16xi32>], vector<16xi32>,
          %parallel_loop3A_411 = arith.constant 16 : i32
          %parallel_loop3A_412 = vector.broadcast %parallel_loop3A_411 : i32 to vector<16xi32>
          %parallel_loop3A_413 = arith.shli %parallel_loop3A_410, %parallel_loop3A_412 : vector<16xi32>
          %parallel_loop3A_414 = vector.bitcast %parallel_loop3A_413 : vector<16xi32> to vector<16xf32>
          %parallel_loop3A_415 = arith.constant -65536 : i32
          %parallel_loop3A_416 = vector.broadcast %parallel_loop3A_415 : i32 to vector<16xi32>
          %parallel_loop3A_417 = arith.andi %parallel_loop3A_410, %parallel_loop3A_416 : vector<16xi32>
          %parallel_loop3A_418 = vector.bitcast %parallel_loop3A_417 : vector<16xi32> to vector<16xf32>
          %parallel_loop3A_419 = tpu.vector_load_idx %arg13[%gather3A_193, %parallel_loop3A_325] : memref<1000x32xi32, #tpu.memory_space<vmem>>[vector<16xi32>, vector<16xi32>], vector<16xi32>,
          %parallel_loop3A_420 = arith.constant 16 : i32
          %parallel_loop3A_421 = vector.broadcast %parallel_loop3A_420 : i32 to vector<16xi32>
          %parallel_loop3A_422 = arith.shli %parallel_loop3A_419, %parallel_loop3A_421 : vector<16xi32>
          %parallel_loop3A_423 = vector.bitcast %parallel_loop3A_422 : vector<16xi32> to vector<16xf32>
          %parallel_loop3A_424 = arith.constant -65536 : i32
          %parallel_loop3A_425 = vector.broadcast %parallel_loop3A_424 : i32 to vector<16xi32>
          %parallel_loop3A_426 = arith.andi %parallel_loop3A_419, %parallel_loop3A_425 : vector<16xi32>
          %parallel_loop3A_427 = vector.bitcast %parallel_loop3A_426 : vector<16xi32> to vector<16xf32>
          %parallel_loop3A_428 = tpu.vector_load_idx %arg13[%gather3A_197, %parallel_loop3A_325] : memref<1000x32xi32, #tpu.memory_space<vmem>>[vector<16xi32>, vector<16xi32>], vector<16xi32>,
          %parallel_loop3A_429 = arith.constant 16 : i32
          %parallel_loop3A_430 = vector.broadcast %parallel_loop3A_429 : i32 to vector<16xi32>
          %parallel_loop3A_431 = arith.shli %parallel_loop3A_428, %parallel_loop3A_430 : vector<16xi32>
          %parallel_loop3A_432 = vector.bitcast %parallel_loop3A_431 : vector<16xi32> to vector<16xf32>
          %parallel_loop3A_433 = arith.constant -65536 : i32
          %parallel_loop3A_434 = vector.broadcast %parallel_loop3A_433 : i32 to vector<16xi32>
          %parallel_loop3A_435 = arith.andi %parallel_loop3A_428, %parallel_loop3A_434 : vector<16xi32>
          %parallel_loop3A_436 = vector.bitcast %parallel_loop3A_435 : vector<16xi32> to vector<16xf32>
          %parallel_loop3A_437 = tpu.vector_load_idx %arg13[%gather3A_201, %parallel_loop3A_325] : memref<1000x32xi32, #tpu.memory_space<vmem>>[vector<16xi32>, vector<16xi32>], vector<16xi32>,
          %parallel_loop3A_438 = arith.constant 16 : i32
          %parallel_loop3A_439 = vector.broadcast %parallel_loop3A_438 : i32 to vector<16xi32>
          %parallel_loop3A_440 = arith.shli %parallel_loop3A_437, %parallel_loop3A_439 : vector<16xi32>
          %parallel_loop3A_441 = vector.bitcast %parallel_loop3A_440 : vector<16xi32> to vector<16xf32>
          %parallel_loop3A_442 = arith.constant -65536 : i32
          %parallel_loop3A_443 = vector.broadcast %parallel_loop3A_442 : i32 to vector<16xi32>
          %parallel_loop3A_444 = arith.andi %parallel_loop3A_437, %parallel_loop3A_443 : vector<16xi32>
          %parallel_loop3A_445 = vector.bitcast %parallel_loop3A_444 : vector<16xi32> to vector<16xf32>
          %parallel_loop3A_446 = tpu.vector_load_idx %arg13[%gather3A_205, %parallel_loop3A_325] : memref<1000x32xi32, #tpu.memory_space<vmem>>[vector<16xi32>, vector<16xi32>], vector<16xi32>,
          %parallel_loop3A_447 = arith.constant 16 : i32
          %parallel_loop3A_448 = vector.broadcast %parallel_loop3A_447 : i32 to vector<16xi32>
          %parallel_loop3A_449 = arith.shli %parallel_loop3A_446, %parallel_loop3A_448 : vector<16xi32>
          %parallel_loop3A_450 = vector.bitcast %parallel_loop3A_449 : vector<16xi32> to vector<16xf32>
          %parallel_loop3A_451 = arith.constant -65536 : i32
          %parallel_loop3A_452 = vector.broadcast %parallel_loop3A_451 : i32 to vector<16xi32>
          %parallel_loop3A_453 = arith.andi %parallel_loop3A_446, %parallel_loop3A_452 : vector<16xi32>
          %parallel_loop3A_454 = vector.bitcast %parallel_loop3A_453 : vector<16xi32> to vector<16xf32>
          %parallel_loop3A_455 = tpu.vector_load_idx %arg13[%gather3A_209, %parallel_loop3A_325] : memref<1000x32xi32, #tpu.memory_space<vmem>>[vector<16xi32>, vector<16xi32>], vector<16xi32>,
          %parallel_loop3A_456 = arith.constant 16 : i32
          %parallel_loop3A_457 = vector.broadcast %parallel_loop3A_456 : i32 to vector<16xi32>
          %parallel_loop3A_458 = arith.shli %parallel_loop3A_455, %parallel_loop3A_457 : vector<16xi32>
          %parallel_loop3A_459 = vector.bitcast %parallel_loop3A_458 : vector<16xi32> to vector<16xf32>
          %parallel_loop3A_460 = arith.constant -65536 : i32
          %parallel_loop3A_461 = vector.broadcast %parallel_loop3A_460 : i32 to vector<16xi32>
          %parallel_loop3A_462 = arith.andi %parallel_loop3A_455, %parallel_loop3A_461 : vector<16xi32>
          %parallel_loop3A_463 = vector.bitcast %parallel_loop3A_462 : vector<16xi32> to vector<16xf32>
          %parallel_loop3A_464 = tpu.vector_load_idx %arg13[%gather3A_213, %parallel_loop3A_325] : memref<1000x32xi32, #tpu.memory_space<vmem>>[vector<16xi32>, vector<16xi32>], vector<16xi32>,
          %parallel_loop3A_465 = arith.constant 16 : i32
          %parallel_loop3A_466 = vector.broadcast %parallel_loop3A_465 : i32 to vector<16xi32>
          %parallel_loop3A_467 = arith.shli %parallel_loop3A_464, %parallel_loop3A_466 : vector<16xi32>
          %parallel_loop3A_468 = vector.bitcast %parallel_loop3A_467 : vector<16xi32> to vector<16xf32>
          %parallel_loop3A_469 = arith.constant -65536 : i32
          %parallel_loop3A_470 = vector.broadcast %parallel_loop3A_469 : i32 to vector<16xi32>
          %parallel_loop3A_471 = arith.andi %parallel_loop3A_464, %parallel_loop3A_470 : vector<16xi32>
          %parallel_loop3A_472 = vector.bitcast %parallel_loop3A_471 : vector<16xi32> to vector<16xf32>
          %parallel_loop3A_473 = tpu.vector_load_idx %arg13[%gather3A_217, %parallel_loop3A_325] : memref<1000x32xi32, #tpu.memory_space<vmem>>[vector<16xi32>, vector<16xi32>], vector<16xi32>,
          %parallel_loop3A_474 = arith.constant 16 : i32
          %parallel_loop3A_475 = vector.broadcast %parallel_loop3A_474 : i32 to vector<16xi32>
          %parallel_loop3A_476 = arith.shli %parallel_loop3A_473, %parallel_loop3A_475 : vector<16xi32>
          %parallel_loop3A_477 = vector.bitcast %parallel_loop3A_476 : vector<16xi32> to vector<16xf32>
          %parallel_loop3A_478 = arith.constant -65536 : i32
          %parallel_loop3A_479 = vector.broadcast %parallel_loop3A_478 : i32 to vector<16xi32>
          %parallel_loop3A_480 = arith.andi %parallel_loop3A_473, %parallel_loop3A_479 : vector<16xi32>
          %parallel_loop3A_481 = vector.bitcast %parallel_loop3A_480 : vector<16xi32> to vector<16xf32>
          %parallel_loop3A_482 = tpu.vector_load_idx %arg13[%gather3A_221, %parallel_loop3A_325] : memref<1000x32xi32, #tpu.memory_space<vmem>>[vector<16xi32>, vector<16xi32>], vector<16xi32>,
          %parallel_loop3A_483 = arith.constant 16 : i32
          %parallel_loop3A_484 = vector.broadcast %parallel_loop3A_483 : i32 to vector<16xi32>
          %parallel_loop3A_485 = arith.shli %parallel_loop3A_482, %parallel_loop3A_484 : vector<16xi32>
          %parallel_loop3A_486 = vector.bitcast %parallel_loop3A_485 : vector<16xi32> to vector<16xf32>
          %parallel_loop3A_487 = arith.constant -65536 : i32
          %parallel_loop3A_488 = vector.broadcast %parallel_loop3A_487 : i32 to vector<16xi32>
          %parallel_loop3A_489 = arith.andi %parallel_loop3A_482, %parallel_loop3A_488 : vector<16xi32>
          %parallel_loop3A_490 = vector.bitcast %parallel_loop3A_489 : vector<16xi32> to vector<16xf32>
          %parallel_loop3A_491 = tpu.vector_load_idx %arg13[%gather3A_225, %parallel_loop3A_325] : memref<1000x32xi32, #tpu.memory_space<vmem>>[vector<16xi32>, vector<16xi32>], vector<16xi32>,
          %parallel_loop3A_492 = arith.constant 16 : i32
          %parallel_loop3A_493 = vector.broadcast %parallel_loop3A_492 : i32 to vector<16xi32>
          %parallel_loop3A_494 = arith.shli %parallel_loop3A_491, %parallel_loop3A_493 : vector<16xi32>
          %parallel_loop3A_495 = vector.bitcast %parallel_loop3A_494 : vector<16xi32> to vector<16xf32>
          %parallel_loop3A_496 = arith.constant -65536 : i32
          %parallel_loop3A_497 = vector.broadcast %parallel_loop3A_496 : i32 to vector<16xi32>
          %parallel_loop3A_498 = arith.andi %parallel_loop3A_491, %parallel_loop3A_497 : vector<16xi32>
          %parallel_loop3A_499 = vector.bitcast %parallel_loop3A_498 : vector<16xi32> to vector<16xf32>
          %parallel_loop3A_500 = tpu.vector_load_idx %arg13[%gather3A_229, %parallel_loop3A_325] : memref<1000x32xi32, #tpu.memory_space<vmem>>[vector<16xi32>, vector<16xi32>], vector<16xi32>,
          %parallel_loop3A_501 = arith.constant 16 : i32
          %parallel_loop3A_502 = vector.broadcast %parallel_loop3A_501 : i32 to vector<16xi32>
          %parallel_loop3A_503 = arith.shli %parallel_loop3A_500, %parallel_loop3A_502 : vector<16xi32>
          %parallel_loop3A_504 = vector.bitcast %parallel_loop3A_503 : vector<16xi32> to vector<16xf32>
          %parallel_loop3A_505 = arith.constant -65536 : i32
          %parallel_loop3A_506 = vector.broadcast %parallel_loop3A_505 : i32 to vector<16xi32>
          %parallel_loop3A_507 = arith.andi %parallel_loop3A_500, %parallel_loop3A_506 : vector<16xi32>
          %parallel_loop3A_508 = vector.bitcast %parallel_loop3A_507 : vector<16xi32> to vector<16xf32>
          %parallel_loop3A_509 = tpu.vector_load_idx %arg13[%gather3A_233, %parallel_loop3A_325] : memref<1000x32xi32, #tpu.memory_space<vmem>>[vector<16xi32>, vector<16xi32>], vector<16xi32>,
          %parallel_loop3A_510 = arith.constant 16 : i32
          %parallel_loop3A_511 = vector.broadcast %parallel_loop3A_510 : i32 to vector<16xi32>
          %parallel_loop3A_512 = arith.shli %parallel_loop3A_509, %parallel_loop3A_511 : vector<16xi32>
          %parallel_loop3A_513 = vector.bitcast %parallel_loop3A_512 : vector<16xi32> to vector<16xf32>
          %parallel_loop3A_514 = arith.constant -65536 : i32
          %parallel_loop3A_515 = vector.broadcast %parallel_loop3A_514 : i32 to vector<16xi32>
          %parallel_loop3A_516 = arith.andi %parallel_loop3A_509, %parallel_loop3A_515 : vector<16xi32>
          %parallel_loop3A_517 = vector.bitcast %parallel_loop3A_516 : vector<16xi32> to vector<16xf32>
          %parallel_loop3A_518 = tpu.vector_load_idx %arg13[%gather3A_237, %parallel_loop3A_325] : memref<1000x32xi32, #tpu.memory_space<vmem>>[vector<16xi32>, vector<16xi32>], vector<16xi32>,
          %parallel_loop3A_519 = arith.constant 16 : i32
          %parallel_loop3A_520 = vector.broadcast %parallel_loop3A_519 : i32 to vector<16xi32>
          %parallel_loop3A_521 = arith.shli %parallel_loop3A_518, %parallel_loop3A_520 : vector<16xi32>
          %parallel_loop3A_522 = vector.bitcast %parallel_loop3A_521 : vector<16xi32> to vector<16xf32>
          %parallel_loop3A_523 = arith.constant -65536 : i32
          %parallel_loop3A_524 = vector.broadcast %parallel_loop3A_523 : i32 to vector<16xi32>
          %parallel_loop3A_525 = arith.andi %parallel_loop3A_518, %parallel_loop3A_524 : vector<16xi32>
          %parallel_loop3A_526 = vector.bitcast %parallel_loop3A_525 : vector<16xi32> to vector<16xf32>
          %parallel_loop3A_527 = arith.addf %parallel_loop3A_423, %parallel_loop3A_432 : vector<16xf32>
          %parallel_loop3A_528 = arith.addf %parallel_loop3A_527, %parallel_loop3A_441 : vector<16xf32>
          %parallel_loop3A_529 = arith.addf %parallel_loop3A_450, %parallel_loop3A_459 : vector<16xf32>
          %parallel_loop3A_530 = arith.addf %parallel_loop3A_529, %parallel_loop3A_468 : vector<16xf32>
          %parallel_loop3A_531 = arith.addf %parallel_loop3A_477, %parallel_loop3A_486 : vector<16xf32>
          %parallel_loop3A_532 = arith.addf %parallel_loop3A_531, %parallel_loop3A_495 : vector<16xf32>
          %parallel_loop3A_533 = arith.addf %parallel_loop3A_504, %parallel_loop3A_513 : vector<16xf32>
          %parallel_loop3A_534 = arith.addf %parallel_loop3A_533, %parallel_loop3A_522 : vector<16xf32>
          %parallel_loop3A_535 = arith.mulf %gather3A, %parallel_loop3A_528 : vector<16xf32>
          %parallel_loop3A_536 = arith.mulf %gather3A_179, %parallel_loop3A_530 : vector<16xf32>
          %parallel_loop3A_537 = arith.addf %parallel_loop3A_535, %parallel_loop3A_536 : vector<16xf32>
          %parallel_loop3A_538 = arith.mulf %gather3A_183, %parallel_loop3A_532 : vector<16xf32>
          %parallel_loop3A_539 = arith.addf %parallel_loop3A_537, %parallel_loop3A_538 : vector<16xf32>
          %parallel_loop3A_540 = arith.mulf %gather3A_187, %parallel_loop3A_534 : vector<16xf32>
          %parallel_loop3A_541 = arith.addf %parallel_loop3A_539, %parallel_loop3A_540 : vector<16xf32>
          %parallel_loop3A_542 = arith.mulf %parallel_loop3A_333, %parallel_loop3A_342 : vector<16xf32>
          %parallel_loop3A_543 = arith.addf %parallel_loop3A_542, %parallel_loop3A_405 : vector<16xf32>
          %parallel_loop3A_544 = arith.addf %parallel_loop3A_543, %parallel_loop3A_541 : vector<16xf32>
          %parallel_loop3A_545 = arith.mulf %parallel_loop3A_351, %parallel_loop3A_360 : vector<16xf32>
          %parallel_loop3A_546 = arith.subf %parallel_loop3A_544, %parallel_loop3A_545 : vector<16xf32>
          %parallel_loop3A_547 = arith.mulf %parallel_loop3A_369, %parallel_loop3A_378 : vector<16xf32>
          %parallel_loop3A_548 = arith.addf %parallel_loop3A_547, %parallel_loop3A_414 : vector<16xf32>
          %parallel_loop3A_549 = arith.mulf %parallel_loop3A_387, %parallel_loop3A_396 : vector<16xf32>
          %parallel_loop3A_550 = arith.subf %parallel_loop3A_548, %parallel_loop3A_549 : vector<16xf32>
          %parallel_loop3A_551 = arith.mulf %parallel_loop3A_546, %parallel_loop3A_546 : vector<16xf32>
          %parallel_loop3A_552 = arith.addf %parallel_loop3A_319, %parallel_loop3A_551 : vector<16xf32>
          %parallel_loop3A_553 = arith.mulf %parallel_loop3A_550, %parallel_loop3A_550 : vector<16xf32>
          %parallel_loop3A_554 = arith.addf %parallel_loop3A_320, %parallel_loop3A_553 : vector<16xf32>
          %parallel_loop3A_555 = arith.addf %parallel_loop3A_427, %parallel_loop3A_436 : vector<16xf32>
          %parallel_loop3A_556 = arith.addf %parallel_loop3A_555, %parallel_loop3A_445 : vector<16xf32>
          %parallel_loop3A_557 = arith.addf %parallel_loop3A_454, %parallel_loop3A_463 : vector<16xf32>
          %parallel_loop3A_558 = arith.addf %parallel_loop3A_557, %parallel_loop3A_472 : vector<16xf32>
          %parallel_loop3A_559 = arith.addf %parallel_loop3A_481, %parallel_loop3A_490 : vector<16xf32>
          %parallel_loop3A_560 = arith.addf %parallel_loop3A_559, %parallel_loop3A_499 : vector<16xf32>
          %parallel_loop3A_561 = arith.addf %parallel_loop3A_508, %parallel_loop3A_517 : vector<16xf32>
          %parallel_loop3A_562 = arith.addf %parallel_loop3A_561, %parallel_loop3A_526 : vector<16xf32>
          %parallel_loop3A_563 = arith.mulf %gather3A, %parallel_loop3A_556 : vector<16xf32>
          %parallel_loop3A_564 = arith.mulf %gather3A_179, %parallel_loop3A_558 : vector<16xf32>
          %parallel_loop3A_565 = arith.addf %parallel_loop3A_563, %parallel_loop3A_564 : vector<16xf32>
          %parallel_loop3A_566 = arith.mulf %gather3A_183, %parallel_loop3A_560 : vector<16xf32>
          %parallel_loop3A_567 = arith.addf %parallel_loop3A_565, %parallel_loop3A_566 : vector<16xf32>
          %parallel_loop3A_568 = arith.mulf %gather3A_187, %parallel_loop3A_562 : vector<16xf32>
          %parallel_loop3A_569 = arith.addf %parallel_loop3A_567, %parallel_loop3A_568 : vector<16xf32>
          %parallel_loop3A_570 = arith.mulf %parallel_loop3A_337, %parallel_loop3A_346 : vector<16xf32>
          %parallel_loop3A_571 = arith.addf %parallel_loop3A_570, %parallel_loop3A_409 : vector<16xf32>
          %parallel_loop3A_572 = arith.addf %parallel_loop3A_571, %parallel_loop3A_569 : vector<16xf32>
          %parallel_loop3A_573 = arith.mulf %parallel_loop3A_355, %parallel_loop3A_364 : vector<16xf32>
          %parallel_loop3A_574 = arith.subf %parallel_loop3A_572, %parallel_loop3A_573 : vector<16xf32>
          %parallel_loop3A_575 = arith.mulf %parallel_loop3A_373, %parallel_loop3A_382 : vector<16xf32>
          %parallel_loop3A_576 = arith.addf %parallel_loop3A_575, %parallel_loop3A_418 : vector<16xf32>
          %parallel_loop3A_577 = arith.mulf %parallel_loop3A_391, %parallel_loop3A_400 : vector<16xf32>
          %parallel_loop3A_578 = arith.subf %parallel_loop3A_576, %parallel_loop3A_577 : vector<16xf32>
          %parallel_loop3A_579 = arith.mulf %parallel_loop3A_574, %parallel_loop3A_574 : vector<16xf32>
          %parallel_loop3A_580 = arith.addf %parallel_loop3A_552, %parallel_loop3A_579 : vector<16xf32>
          %parallel_loop3A_581 = arith.mulf %parallel_loop3A_578, %parallel_loop3A_578 : vector<16xf32>
          %parallel_loop3A_582 = arith.addf %parallel_loop3A_554, %parallel_loop3A_581 : vector<16xf32>
          scf.yield %parallel_loop3A_580, %parallel_loop3A_582 : vector<16xf32>, vector<16xf32>
        } {sc.loop_unroll_factor = 2 : i64, sc.parallel_access}
        %max3A = arith.constant 1.000000e-30 : f32
        %max3A_243 = vector.broadcast %max3A : f32 to vector<16xf32>
        %max3A_244 = arith.maximumf %parallel_loop3A_242#0, %max3A_243 : vector<16xf32>
        %bitcast3A = vector.bitcast %max3A_244 : vector<16xf32> to vector<16xi32>
        %broadcast_in_dim3A_245 = arith.constant 1597463007 : i32
        %broadcast_in_dim3A_246 = vector.broadcast %broadcast_in_dim3A_245 : i32 to vector<16xi32>
        %shift_right_logical3A = arith.constant 1 : i32
        %shift_right_logical3A_247 = vector.broadcast %shift_right_logical3A : i32 to vector<16xi32>
        %shift_right_logical3A_248 = arith.shrui %bitcast3A, %shift_right_logical3A_247 : vector<16xi32>
        %sub3A = arith.subi %broadcast_in_dim3A_246, %shift_right_logical3A_248 : vector<16xi32>
        %bitcast3A_249 = vector.bitcast %sub3A : vector<16xi32> to vector<16xf32>
        %mul3A_250 = arith.constant 5.000000e-01 : f32
        %mul3A_251 = vector.broadcast %mul3A_250 : f32 to vector<16xf32>
        %mul3A_252 = arith.mulf %mul3A_251, %max3A_244 : vector<16xf32>
        %mul3A_253 = arith.mulf %mul3A_252, %bitcast3A_249 : vector<16xf32>
        %mul3A_254 = arith.mulf %mul3A_253, %bitcast3A_249 : vector<16xf32>
        %sub3A_255 = arith.constant 1.500000e+00 : f32
        %sub3A_256 = vector.broadcast %sub3A_255 : f32 to vector<16xf32>
        %sub3A_257 = arith.subf %sub3A_256, %mul3A_254 : vector<16xf32>
        %mul3A_258 = arith.mulf %bitcast3A_249, %sub3A_257 : vector<16xf32>
        %mul3A_259 = arith.mulf %mul3A_252, %mul3A_258 : vector<16xf32>
        %mul3A_260 = arith.mulf %mul3A_259, %mul3A_258 : vector<16xf32>
        %sub3A_261 = arith.constant 1.500000e+00 : f32
        %sub3A_262 = vector.broadcast %sub3A_261 : f32 to vector<16xf32>
        %sub3A_263 = arith.subf %sub3A_262, %mul3A_260 : vector<16xf32>
        %mul3A_264 = arith.mulf %mul3A_258, %sub3A_263 : vector<16xf32>
        %mul3A_265 = arith.mulf %mul3A_252, %mul3A_264 : vector<16xf32>
        %mul3A_266 = arith.mulf %mul3A_265, %mul3A_264 : vector<16xf32>
        %sub3A_267 = arith.constant 1.500000e+00 : f32
        %sub3A_268 = vector.broadcast %sub3A_267 : f32 to vector<16xf32>
        %sub3A_269 = arith.subf %sub3A_268, %mul3A_266 : vector<16xf32>
        %mul3A_270 = arith.mulf %mul3A_264, %sub3A_269 : vector<16xf32>
        %mul3A_271 = arith.mulf %max3A_244, %mul3A_270 : vector<16xf32>
        %max3A_272 = arith.constant 1.000000e-30 : f32
        %max3A_273 = vector.broadcast %max3A_272 : f32 to vector<16xf32>
        %max3A_274 = arith.maximumf %parallel_loop3A_242#1, %max3A_273 : vector<16xf32>
        %bitcast3A_275 = vector.bitcast %max3A_274 : vector<16xf32> to vector<16xi32>
        %broadcast_in_dim3A_276 = arith.constant 1597463007 : i32
        %broadcast_in_dim3A_277 = vector.broadcast %broadcast_in_dim3A_276 : i32 to vector<16xi32>
        %shift_right_logical3A_278 = arith.constant 1 : i32
        %shift_right_logical3A_279 = vector.broadcast %shift_right_logical3A_278 : i32 to vector<16xi32>
        %shift_right_logical3A_280 = arith.shrui %bitcast3A_275, %shift_right_logical3A_279 : vector<16xi32>
        %sub3A_281 = arith.subi %broadcast_in_dim3A_277, %shift_right_logical3A_280 : vector<16xi32>
        %bitcast3A_282 = vector.bitcast %sub3A_281 : vector<16xi32> to vector<16xf32>
        %mul3A_283 = arith.constant 5.000000e-01 : f32
        %mul3A_284 = vector.broadcast %mul3A_283 : f32 to vector<16xf32>
        %mul3A_285 = arith.mulf %mul3A_284, %max3A_274 : vector<16xf32>
        %mul3A_286 = arith.mulf %mul3A_285, %bitcast3A_282 : vector<16xf32>
        %mul3A_287 = arith.mulf %mul3A_286, %bitcast3A_282 : vector<16xf32>
        %sub3A_288 = arith.constant 1.500000e+00 : f32
        %sub3A_289 = vector.broadcast %sub3A_288 : f32 to vector<16xf32>
        %sub3A_290 = arith.subf %sub3A_289, %mul3A_287 : vector<16xf32>
        %mul3A_291 = arith.mulf %bitcast3A_282, %sub3A_290 : vector<16xf32>
        %mul3A_292 = arith.mulf %mul3A_285, %mul3A_291 : vector<16xf32>
        %mul3A_293 = arith.mulf %mul3A_292, %mul3A_291 : vector<16xf32>
        %sub3A_294 = arith.constant 1.500000e+00 : f32
        %sub3A_295 = vector.broadcast %sub3A_294 : f32 to vector<16xf32>
        %sub3A_296 = arith.subf %sub3A_295, %mul3A_293 : vector<16xf32>
        %mul3A_297 = arith.mulf %mul3A_291, %sub3A_296 : vector<16xf32>
        %mul3A_298 = arith.mulf %mul3A_285, %mul3A_297 : vector<16xf32>
        %mul3A_299 = arith.mulf %mul3A_298, %mul3A_297 : vector<16xf32>
        %sub3A_300 = arith.constant 1.500000e+00 : f32
        %sub3A_301 = vector.broadcast %sub3A_300 : f32 to vector<16xf32>
        %sub3A_302 = arith.subf %sub3A_301, %mul3A_299 : vector<16xf32>
        %mul3A_303 = arith.mulf %mul3A_297, %sub3A_302 : vector<16xf32>
        %mul3A_304 = arith.mulf %max3A_274, %mul3A_303 : vector<16xf32>
        %add3A_305 = arith.constant 1.000000e+00 : f32
        %add3A_306 = vector.broadcast %add3A_305 : f32 to vector<16xf32>
        %add3A_307 = arith.addf %add3A_306, %mul3A_271 : vector<16xf32>
        %sub3A_308 = arith.subf %add3A_307, %mul3A_304 : vector<16xf32>
        %max3A_309 = arith.constant 0.000000e+00 : f32
        %max3A_310 = vector.broadcast %max3A_309 : f32 to vector<16xf32>
        %max3A_311 = arith.maximumf %sub3A_308, %max3A_310 : vector<16xf32>
        %add3A_312 = arith.addf %scan3A_165, %max3A_311 : vector<16xf32>
        %add3A_313 = arith.addf %mul3A_271, %mul3A_304 : vector<16xf32>
        %mul3A_314 = arith.constant 1.000000e-03 : f32
        %mul3A_315 = vector.broadcast %mul3A_314 : f32 to vector<16xf32>
        %mul3A_316 = arith.mulf %mul3A_315, %add3A_313 : vector<16xf32>
        %add3A_317 = arith.addf %add3A_312, %mul3A_316 : vector<16xf32>
        scf.yield %add3A_317 : vector<16xf32>
      }
      %scan3A_110 = arith.constant 8 : i32
      %get3A = arith.constant 0 : index
      %get3A_111 = tpu.vector_load %arg14[%get3A] {strides = array<i32>} : memref<16xf32, #tpu.memory_space<vmem>>, vector<16xf32>,
      %add3A_112 = arith.addf %get3A_111, %scan3A_109 : vector<16xf32>
      %swap3A_113 = arith.constant 0 : index
      %swap3A_114 = tpu.vector_load %arg14[%swap3A_113] {strides = array<i32>} : memref<16xf32, #tpu.memory_space<vmem>>, vector<16xf32>,
      tpu.vector_store %arg14[%swap3A_113], %add3A_112 {strides = array<i32>} : memref<16xf32, #tpu.memory_space<vmem>>, vector<16xf32>,
      %lt3A = arith.constant 1 : i32
      %lt3A_115 = arith.cmpi slt, %scan3A_38, %lt3A : i32
      %convert_element_type3A = arith.extui %lt3A_115 : i1 to i32
      %cond3A = arith.constant 0 : i32
      %cond3A_116 = arith.cmpi ne, %convert_element_type3A, %cond3A : i32
      scf.if %cond3A_116 {
        %mul3A_164 = arith.constant 2 : i32
        %mul3A_165 = arith.muli %mul3A_164, %scan3A_38 : i32
        %add3A_166 = arith.constant 2 : i32
        %add3A_167 = arith.addi %mul3A_165, %add3A_166 : i32
        %mul3A_168 = arith.constant 512 : i32
        %mul3A_169 = arith.muli %add3A, %mul3A_168 : i32
        %mul3A_170 = arith.constant 128 : i32
        %mul3A_171 = arith.muli %add3A_167, %mul3A_170 : i32
        %add3A_172 = arith.addi %mul3A_169, %mul3A_171 : i32
        "tpu.region"() ({
          %run_scoped3A = tpu.sem_alloc : memref<!tpu.dma_semaphore, #tpu.memory_space<semaphore_mem>>
          %dma_start3A_197 = tpu.memref_slice %arg5[%add3A_172] : memref<16384xi32, #tpu.memory_space<hbm>> -> memref<128xi32, #tpu.memory_space<hbm>>
          %dma_start3A_198 = tpu.memref_slice %arg5[%add3A_172] : memref<16384xi32, #tpu.memory_space<hbm>> -> memref<128xi32, #tpu.memory_space<hbm>>
          tpu.enqueue_dma source(%dma_start3A_198 : memref<128xi32, #tpu.memory_space<hbm>>) target(%arg19 : memref<128xi32, #tpu.memory_space<vmem>>) target_semaphore(%run_scoped3A : memref<!tpu.dma_semaphore, #tpu.memory_space<semaphore_mem>>)
          %dma_wait3A_199 = tpu.memref_slice %arg5[%add3A_172] : memref<16384xi32, #tpu.memory_space<hbm>> -> memref<128xi32, #tpu.memory_space<hbm>>
          %dma_wait3A_200 = tpu.memref_slice %arg5[%add3A_172] : memref<16384xi32, #tpu.memory_space<hbm>> -> memref<128xi32, #tpu.memory_space<hbm>>
          tpu.wait_dma2 semaphore(%run_scoped3A : memref<!tpu.dma_semaphore, #tpu.memory_space<semaphore_mem>>) src(%dma_wait3A_200 : memref<128xi32, #tpu.memory_space<hbm>>) dst(%arg19 : memref<128xi32, #tpu.memory_space<vmem>>)
          tpu.yield
        }) : () -> ()
        "tpu.region"() ({
          %run_scoped3A = tpu.sem_alloc : memref<!tpu.dma_semaphore, #tpu.memory_space<semaphore_mem>>
          %dma_start3A_197 = tpu.memref_slice %arg7[%add3A_172] : memref<16384xi32, #tpu.memory_space<hbm>> -> memref<128xi32, #tpu.memory_space<hbm>>
          %dma_start3A_198 = tpu.memref_slice %arg7[%add3A_172] : memref<16384xi32, #tpu.memory_space<hbm>> -> memref<128xi32, #tpu.memory_space<hbm>>
          tpu.enqueue_dma source(%dma_start3A_198 : memref<128xi32, #tpu.memory_space<hbm>>) target(%arg20 : memref<128xi32, #tpu.memory_space<vmem>>) target_semaphore(%run_scoped3A : memref<!tpu.dma_semaphore, #tpu.memory_space<semaphore_mem>>)
          %dma_wait3A_199 = tpu.memref_slice %arg7[%add3A_172] : memref<16384xi32, #tpu.memory_space<hbm>> -> memref<128xi32, #tpu.memory_space<hbm>>
          %dma_wait3A_200 = tpu.memref_slice %arg7[%add3A_172] : memref<16384xi32, #tpu.memory_space<hbm>> -> memref<128xi32, #tpu.memory_space<hbm>>
          tpu.wait_dma2 semaphore(%run_scoped3A : memref<!tpu.dma_semaphore, #tpu.memory_space<semaphore_mem>>) src(%dma_wait3A_200 : memref<128xi32, #tpu.memory_space<hbm>>) dst(%arg20 : memref<128xi32, #tpu.memory_space<vmem>>)
          tpu.yield
        }) : () -> ()
        "tpu.region"() ({
          %run_scoped3A = tpu.sem_alloc : memref<!tpu.dma_semaphore, #tpu.memory_space<semaphore_mem>>
          %dma_start3A_197 = tpu.memref_slice %arg8[%add3A_172] : memref<16384xi32, #tpu.memory_space<hbm>> -> memref<128xi32, #tpu.memory_space<hbm>>
          %dma_start3A_198 = tpu.memref_slice %arg8[%add3A_172] : memref<16384xi32, #tpu.memory_space<hbm>> -> memref<128xi32, #tpu.memory_space<hbm>>
          tpu.enqueue_dma source(%dma_start3A_198 : memref<128xi32, #tpu.memory_space<hbm>>) target(%arg21 : memref<128xi32, #tpu.memory_space<vmem>>) target_semaphore(%run_scoped3A : memref<!tpu.dma_semaphore, #tpu.memory_space<semaphore_mem>>)
          %dma_wait3A_199 = tpu.memref_slice %arg8[%add3A_172] : memref<16384xi32, #tpu.memory_space<hbm>> -> memref<128xi32, #tpu.memory_space<hbm>>
          %dma_wait3A_200 = tpu.memref_slice %arg8[%add3A_172] : memref<16384xi32, #tpu.memory_space<hbm>> -> memref<128xi32, #tpu.memory_space<hbm>>
          tpu.wait_dma2 semaphore(%run_scoped3A : memref<!tpu.dma_semaphore, #tpu.memory_space<semaphore_mem>>) src(%dma_wait3A_200 : memref<128xi32, #tpu.memory_space<hbm>>) dst(%arg21 : memref<128xi32, #tpu.memory_space<vmem>>)
          tpu.yield
        }) : () -> ()
        "tpu.region"() ({
          %run_scoped3A = tpu.sem_alloc : memref<!tpu.dma_semaphore, #tpu.memory_space<semaphore_mem>>
          %dma_start3A_197 = tpu.memref_slice %arg10[%add3A_172] : memref<16384xi32, #tpu.memory_space<hbm>> -> memref<128xi32, #tpu.memory_space<hbm>>
          %dma_start3A_198 = tpu.memref_slice %arg10[%add3A_172] : memref<16384xi32, #tpu.memory_space<hbm>> -> memref<128xi32, #tpu.memory_space<hbm>>
          tpu.enqueue_dma source(%dma_start3A_198 : memref<128xi32, #tpu.memory_space<hbm>>) target(%arg22 : memref<128xi32, #tpu.memory_space<vmem>>) target_semaphore(%run_scoped3A : memref<!tpu.dma_semaphore, #tpu.memory_space<semaphore_mem>>)
          %dma_wait3A_199 = tpu.memref_slice %arg10[%add3A_172] : memref<16384xi32, #tpu.memory_space<hbm>> -> memref<128xi32, #tpu.memory_space<hbm>>
          %dma_wait3A_200 = tpu.memref_slice %arg10[%add3A_172] : memref<16384xi32, #tpu.memory_space<hbm>> -> memref<128xi32, #tpu.memory_space<hbm>>
          tpu.wait_dma2 semaphore(%run_scoped3A : memref<!tpu.dma_semaphore, #tpu.memory_space<semaphore_mem>>) src(%dma_wait3A_200 : memref<128xi32, #tpu.memory_space<hbm>>) dst(%arg22 : memref<128xi32, #tpu.memory_space<vmem>>)
          tpu.yield
        }) : () -> ()
        %mul3A_173 = arith.constant 12 : i32
        %mul3A_174 = arith.muli %add3A_172, %mul3A_173 : i32
        %mul3A_175 = arith.constant 4 : i32
        %mul3A_176 = arith.muli %add3A_172, %mul3A_175 : i32
        %dma_start3A_177 = tpu.memref_slice %arg6[%add3A_172] : memref<16384xi32, #tpu.memory_space<hbm>> -> memref<128xi32, #tpu.memory_space<hbm>>
        %dma_start3A_178 = tpu.memref_slice %arg6[%add3A_172] : memref<16384xi32, #tpu.memory_space<hbm>> -> memref<128xi32, #tpu.memory_space<hbm>>
        tpu.enqueue_dma source(%dma_start3A_178 : memref<128xi32, #tpu.memory_space<hbm>>) target(%arg23 : memref<128xi32, #tpu.memory_space<vmem>>) target_semaphore(%arg27 : memref<!tpu.dma_semaphore, #tpu.memory_space<semaphore_mem>>)
        %dma_start3A_179 = tpu.memref_slice %arg9[%add3A_172] : memref<16384xi32, #tpu.memory_space<hbm>> -> memref<128xi32, #tpu.memory_space<hbm>>
        %dma_start3A_180 = tpu.memref_slice %arg9[%add3A_172] : memref<16384xi32, #tpu.memory_space<hbm>> -> memref<128xi32, #tpu.memory_space<hbm>>
        tpu.enqueue_dma source(%dma_start3A_180 : memref<128xi32, #tpu.memory_space<hbm>>) target(%arg24 : memref<128xi32, #tpu.memory_space<vmem>>) target_semaphore(%arg27 : memref<!tpu.dma_semaphore, #tpu.memory_space<semaphore_mem>>)
        %dma_start3A_181 = tpu.memref_slice %arg11[%mul3A_174] : memref<196608xi32, #tpu.memory_space<hbm>> -> memref<1536xi32, #tpu.memory_space<hbm>>
        %dma_start3A_182 = tpu.memref_slice %arg11[%mul3A_174] : memref<196608xi32, #tpu.memory_space<hbm>> -> memref<1536xi32, #tpu.memory_space<hbm>>
        tpu.enqueue_dma source(%dma_start3A_182 : memref<1536xi32, #tpu.memory_space<hbm>>) target(%arg25 : memref<1536xi32, #tpu.memory_space<vmem>>) target_semaphore(%arg27 : memref<!tpu.dma_semaphore, #tpu.memory_space<semaphore_mem>>)
        %dma_start3A_183 = tpu.memref_slice %arg4[%mul3A_176] : memref<65536xf32, #tpu.memory_space<hbm>> -> memref<512xf32, #tpu.memory_space<hbm>>
        %dma_start3A_184 = tpu.memref_slice %arg4[%mul3A_176] : memref<65536xf32, #tpu.memory_space<hbm>> -> memref<512xf32, #tpu.memory_space<hbm>>
        tpu.enqueue_dma source(%dma_start3A_184 : memref<512xf32, #tpu.memory_space<hbm>>) target(%arg26 : memref<512xf32, #tpu.memory_space<vmem>>) target_semaphore(%arg27 : memref<!tpu.dma_semaphore, #tpu.memory_space<semaphore_mem>>)
        %dma_start3A_185 = arith.constant 0 : i32
        %dma_start3A_186 = arith.constant 0 : i32
        %dma_start3A_187 = tpu.memref_slice %arg2[%dma_start3A_185, %dma_start3A_186] : memref<100000x64xi32, #tpu.memory_space<hbm>> -> memref<100000x64xi32, #tpu.memory_space<hbm>>
        tpu.enqueue_indirect_dma source(%dma_start3A_187 : memref<100000x64xi32, #tpu.memory_space<hbm>>) target(%arg15 : memref<128x64xi32, #tpu.memory_space<vmem>>) offsets(%arg19 : memref<128xi32, #tpu.memory_space<vmem>>) semaphore(%arg27 : memref<!tpu.dma_semaphore, #tpu.memory_space<semaphore_mem>>)
        %dma_start3A_188 = arith.constant 0 : i32
        %dma_start3A_189 = arith.constant 0 : i32
        %dma_start3A_190 = tpu.memref_slice %arg2[%dma_start3A_188, %dma_start3A_189] : memref<100000x64xi32, #tpu.memory_space<hbm>> -> memref<100000x64xi32, #tpu.memory_space<hbm>>
        tpu.enqueue_indirect_dma source(%dma_start3A_190 : memref<100000x64xi32, #tpu.memory_space<hbm>>) target(%arg16 : memref<128x64xi32, #tpu.memory_space<vmem>>) offsets(%arg20 : memref<128xi32, #tpu.memory_space<vmem>>) semaphore(%arg27 : memref<!tpu.dma_semaphore, #tpu.memory_space<semaphore_mem>>)
        %dma_start3A_191 = arith.constant 0 : i32
        %dma_start3A_192 = arith.constant 0 : i32
        %dma_start3A_193 = tpu.memref_slice %arg2[%dma_start3A_191, %dma_start3A_192] : memref<100000x64xi32, #tpu.memory_space<hbm>> -> memref<100000x64xi32, #tpu.memory_space<hbm>>
        tpu.enqueue_indirect_dma source(%dma_start3A_193 : memref<100000x64xi32, #tpu.memory_space<hbm>>) target(%arg17 : memref<128x64xi32, #tpu.memory_space<vmem>>) offsets(%arg21 : memref<128xi32, #tpu.memory_space<vmem>>) semaphore(%arg27 : memref<!tpu.dma_semaphore, #tpu.memory_space<semaphore_mem>>)
        %dma_start3A_194 = arith.constant 0 : i32
        %dma_start3A_195 = arith.constant 0 : i32
        %dma_start3A_196 = tpu.memref_slice %arg2[%dma_start3A_194, %dma_start3A_195] : memref<100000x64xi32, #tpu.memory_space<hbm>> -> memref<100000x64xi32, #tpu.memory_space<hbm>>
        tpu.enqueue_indirect_dma source(%dma_start3A_196 : memref<100000x64xi32, #tpu.memory_space<hbm>>) target(%arg18 : memref<128x64xi32, #tpu.memory_space<vmem>>) offsets(%arg22 : memref<128xi32, #tpu.memory_space<vmem>>) semaphore(%arg27 : memref<!tpu.dma_semaphore, #tpu.memory_space<semaphore_mem>>)
      } else {
      }
      %mul3A_117 = arith.constant 2 : i32
      %mul3A_118 = arith.muli %mul3A_117, %scan3A_38 : i32
      %add3A_119 = arith.constant 1 : i32
      %add3A_120 = arith.addi %mul3A_118, %add3A_119 : i32
      %mul3A_121 = arith.constant 512 : i32
      %mul3A_122 = arith.muli %add3A, %mul3A_121 : i32
      %mul3A_123 = arith.constant 128 : i32
      %mul3A_124 = arith.muli %add3A_120, %mul3A_123 : i32
      %add3A_125 = arith.addi %mul3A_122, %mul3A_124 : i32
      %mul3A_126 = arith.constant 12 : i32
      %mul3A_127 = arith.muli %add3A_125, %mul3A_126 : i32
      %mul3A_128 = arith.constant 4 : i32
      %mul3A_129 = arith.muli %add3A_125, %mul3A_128 : i32
      %dma_wait3A_130 = tpu.memref_slice %arg6[%add3A_125] : memref<16384xi32, #tpu.memory_space<hbm>> -> memref<128xi32, #tpu.memory_space<hbm>>
      %dma_wait3A_131 = tpu.memref_slice %arg6[%add3A_125] : memref<16384xi32, #tpu.memory_space<hbm>> -> memref<128xi32, #tpu.memory_space<hbm>>
      tpu.wait_dma2 semaphore(%arg40 : memref<!tpu.dma_semaphore, #tpu.memory_space<semaphore_mem>>) src(%dma_wait3A_131 : memref<128xi32, #tpu.memory_space<hbm>>) dst(%arg36 : memref<128xi32, #tpu.memory_space<vmem>>)
      %dma_wait3A_132 = tpu.memref_slice %arg9[%add3A_125] : memref<16384xi32, #tpu.memory_space<hbm>> -> memref<128xi32, #tpu.memory_space<hbm>>
      %dma_wait3A_133 = tpu.memref_slice %arg9[%add3A_125] : memref<16384xi32, #tpu.memory_space<hbm>> -> memref<128xi32, #tpu.memory_space<hbm>>
      tpu.wait_dma2 semaphore(%arg40 : memref<!tpu.dma_semaphore, #tpu.memory_space<semaphore_mem>>) src(%dma_wait3A_133 : memref<128xi32, #tpu.memory_space<hbm>>) dst(%arg37 : memref<128xi32, #tpu.memory_space<vmem>>)
      %dma_wait3A_134 = tpu.memref_slice %arg11[%mul3A_127] : memref<196608xi32, #tpu.memory_space<hbm>> -> memref<1536xi32, #tpu.memory_space<hbm>>
      %dma_wait3A_135 = tpu.memref_slice %arg11[%mul3A_127] : memref<196608xi32, #tpu.memory_space<hbm>> -> memref<1536xi32, #tpu.memory_space<hbm>>
      tpu.wait_dma2 semaphore(%arg40 : memref<!tpu.dma_semaphore, #tpu.memory_space<semaphore_mem>>) src(%dma_wait3A_135 : memref<1536xi32, #tpu.memory_space<hbm>>) dst(%arg38 : memref<1536xi32, #tpu.memory_space<vmem>>)
      %dma_wait3A_136 = tpu.memref_slice %arg4[%mul3A_129] : memref<65536xf32, #tpu.memory_space<hbm>> -> memref<512xf32, #tpu.memory_space<hbm>>
      %dma_wait3A_137 = tpu.memref_slice %arg4[%mul3A_129] : memref<65536xf32, #tpu.memory_space<hbm>> -> memref<512xf32, #tpu.memory_space<hbm>>
      tpu.wait_dma2 semaphore(%arg40 : memref<!tpu.dma_semaphore, #tpu.memory_space<semaphore_mem>>) src(%dma_wait3A_137 : memref<512xf32, #tpu.memory_space<hbm>>) dst(%arg39 : memref<512xf32, #tpu.memory_space<vmem>>)
      %dma_wait3A_138 = arith.constant 0 : i32
      %dma_wait3A_139 = arith.constant 0 : i32
      %dma_wait3A_140 = tpu.memref_slice %arg2[%dma_wait3A_138, %dma_wait3A_139] : memref<100000x64xi32, #tpu.memory_space<hbm>> -> memref<100000x64xi32, #tpu.memory_space<hbm>>
      tpu.wait_indirect_dma semaphore(%arg40 : memref<!tpu.dma_semaphore, #tpu.memory_space<semaphore_mem>>) src(%dma_wait3A_140 : memref<100000x64xi32, #tpu.memory_space<hbm>>) dst(%arg28 : memref<128x64xi32, #tpu.memory_space<vmem>>)
      %dma_wait3A_141 = arith.constant 0 : i32
      %dma_wait3A_142 = arith.constant 0 : i32
      %dma_wait3A_143 = tpu.memref_slice %arg2[%dma_wait3A_141, %dma_wait3A_142] : memref<100000x64xi32, #tpu.memory_space<hbm>> -> memref<100000x64xi32, #tpu.memory_space<hbm>>
      tpu.wait_indirect_dma semaphore(%arg40 : memref<!tpu.dma_semaphore, #tpu.memory_space<semaphore_mem>>) src(%dma_wait3A_143 : memref<100000x64xi32, #tpu.memory_space<hbm>>) dst(%arg29 : memref<128x64xi32, #tpu.memory_space<vmem>>)
      %dma_wait3A_144 = arith.constant 0 : i32
      %dma_wait3A_145 = arith.constant 0 : i32
      %dma_wait3A_146 = tpu.memref_slice %arg2[%dma_wait3A_144, %dma_wait3A_145] : memref<100000x64xi32, #tpu.memory_space<hbm>> -> memref<100000x64xi32, #tpu.memory_space<hbm>>
      tpu.wait_indirect_dma semaphore(%arg40 : memref<!tpu.dma_semaphore, #tpu.memory_space<semaphore_mem>>) src(%dma_wait3A_146 : memref<100000x64xi32, #tpu.memory_space<hbm>>) dst(%arg30 : memref<128x64xi32, #tpu.memory_space<vmem>>)
      %dma_wait3A_147 = arith.constant 0 : i32
      %dma_wait3A_148 = arith.constant 0 : i32
      %dma_wait3A_149 = tpu.memref_slice %arg2[%dma_wait3A_147, %dma_wait3A_148] : memref<100000x64xi32, #tpu.memory_space<hbm>> -> memref<100000x64xi32, #tpu.memory_space<hbm>>
      tpu.wait_indirect_dma semaphore(%arg40 : memref<!tpu.dma_semaphore, #tpu.memory_space<semaphore_mem>>) src(%dma_wait3A_149 : memref<100000x64xi32, #tpu.memory_space<hbm>>) dst(%arg31 : memref<128x64xi32, #tpu.memory_space<vmem>>)
      %broadcast_in_dim3A_150 = arith.constant 0.000000e+00 : f32
      %broadcast_in_dim3A_151 = vector.broadcast %broadcast_in_dim3A_150 : f32 to vector<16xf32>
      %scan3A_152 = arith.constant 0 : i32
      %scan3A_153 = arith.constant 8 : i32
      %scan3A_154 = arith.addi %scan3A_152, %scan3A_153 : i32
      %scan3A_155 = arith.constant 1 : i32
      %scan3A_156 = scf.for %scan3A_164 = %scan3A_152 to %scan3A_154 step %scan3A_155 iter_args(%scan3A_165 = %broadcast_in_dim3A_151) -> (vector<16xf32>)  : i32 {
        %iota3A = tpu.iota {dimensions = array<i32: 0>} : vector<16xi32>
        %mul3A_166 = arith.constant 16 : i32
        %mul3A_167 = arith.muli %scan3A_164, %mul3A_166 : i32
        %add3A_168 = vector.broadcast %mul3A_167 : i32 to vector<16xi32>
        %add3A_169 = arith.addi %iota3A, %add3A_168 : vector<16xi32>
        %mul3A_170 = arith.constant 4 : i32
        %mul3A_171 = vector.broadcast %mul3A_170 : i32 to vector<16xi32>
        %mul3A_172 = arith.muli %add3A_169, %mul3A_171 : vector<16xi32>
        %mul3A_173 = arith.constant 12 : i32
        %mul3A_174 = vector.broadcast %mul3A_173 : i32 to vector<16xi32>
        %mul3A_175 = arith.muli %add3A_169, %mul3A_174 : vector<16xi32>
        %gather3A = tpu.vector_load_idx %arg39[%mul3A_172] : memref<512xf32, #tpu.memory_space<vmem>>[vector<16xi32>], vector<16xf32>,
        %add3A_176 = arith.constant 1 : i32
        %add3A_177 = vector.broadcast %add3A_176 : i32 to vector<16xi32>
        %add3A_178 = arith.addi %mul3A_172, %add3A_177 : vector<16xi32>
        %gather3A_179 = tpu.vector_load_idx %arg39[%add3A_178] : memref<512xf32, #tpu.memory_space<vmem>>[vector<16xi32>], vector<16xf32>,
        %add3A_180 = arith.constant 2 : i32
        %add3A_181 = vector.broadcast %add3A_180 : i32 to vector<16xi32>
        %add3A_182 = arith.addi %mul3A_172, %add3A_181 : vector<16xi32>
        %gather3A_183 = tpu.vector_load_idx %arg39[%add3A_182] : memref<512xf32, #tpu.memory_space<vmem>>[vector<16xi32>], vector<16xf32>,
        %add3A_184 = arith.constant 3 : i32
        %add3A_185 = vector.broadcast %add3A_184 : i32 to vector<16xi32>
        %add3A_186 = arith.addi %mul3A_172, %add3A_185 : vector<16xi32>
        %gather3A_187 = tpu.vector_load_idx %arg39[%add3A_186] : memref<512xf32, #tpu.memory_space<vmem>>[vector<16xi32>], vector<16xf32>,
        %gather3A_188 = tpu.vector_load_idx %arg36[%add3A_169] : memref<128xi32, #tpu.memory_space<vmem>>[vector<16xi32>], vector<16xi32>,
        %gather3A_189 = tpu.vector_load_idx %arg37[%add3A_169] : memref<128xi32, #tpu.memory_space<vmem>>[vector<16xi32>], vector<16xi32>,
        %add3A_190 = arith.constant 0 : i32
        %add3A_191 = vector.broadcast %add3A_190 : i32 to vector<16xi32>
        %add3A_192 = arith.addi %mul3A_175, %add3A_191 : vector<16xi32>
        %gather3A_193 = tpu.vector_load_idx %arg38[%add3A_192] : memref<1536xi32, #tpu.memory_space<vmem>>[vector<16xi32>], vector<16xi32>,
        %add3A_194 = arith.constant 1 : i32
        %add3A_195 = vector.broadcast %add3A_194 : i32 to vector<16xi32>
        %add3A_196 = arith.addi %mul3A_175, %add3A_195 : vector<16xi32>
        %gather3A_197 = tpu.vector_load_idx %arg38[%add3A_196] : memref<1536xi32, #tpu.memory_space<vmem>>[vector<16xi32>], vector<16xi32>,
        %add3A_198 = arith.constant 2 : i32
        %add3A_199 = vector.broadcast %add3A_198 : i32 to vector<16xi32>
        %add3A_200 = arith.addi %mul3A_175, %add3A_199 : vector<16xi32>
        %gather3A_201 = tpu.vector_load_idx %arg38[%add3A_200] : memref<1536xi32, #tpu.memory_space<vmem>>[vector<16xi32>], vector<16xi32>,
        %add3A_202 = arith.constant 3 : i32
        %add3A_203 = vector.broadcast %add3A_202 : i32 to vector<16xi32>
        %add3A_204 = arith.addi %mul3A_175, %add3A_203 : vector<16xi32>
        %gather3A_205 = tpu.vector_load_idx %arg38[%add3A_204] : memref<1536xi32, #tpu.memory_space<vmem>>[vector<16xi32>], vector<16xi32>,
        %add3A_206 = arith.constant 4 : i32
        %add3A_207 = vector.broadcast %add3A_206 : i32 to vector<16xi32>
        %add3A_208 = arith.addi %mul3A_175, %add3A_207 : vector<16xi32>
        %gather3A_209 = tpu.vector_load_idx %arg38[%add3A_208] : memref<1536xi32, #tpu.memory_space<vmem>>[vector<16xi32>], vector<16xi32>,
        %add3A_210 = arith.constant 5 : i32
        %add3A_211 = vector.broadcast %add3A_210 : i32 to vector<16xi32>
        %add3A_212 = arith.addi %mul3A_175, %add3A_211 : vector<16xi32>
        %gather3A_213 = tpu.vector_load_idx %arg38[%add3A_212] : memref<1536xi32, #tpu.memory_space<vmem>>[vector<16xi32>], vector<16xi32>,
        %add3A_214 = arith.constant 6 : i32
        %add3A_215 = vector.broadcast %add3A_214 : i32 to vector<16xi32>
        %add3A_216 = arith.addi %mul3A_175, %add3A_215 : vector<16xi32>
        %gather3A_217 = tpu.vector_load_idx %arg38[%add3A_216] : memref<1536xi32, #tpu.memory_space<vmem>>[vector<16xi32>], vector<16xi32>,
        %add3A_218 = arith.constant 7 : i32
        %add3A_219 = vector.broadcast %add3A_218 : i32 to vector<16xi32>
        %add3A_220 = arith.addi %mul3A_175, %add3A_219 : vector<16xi32>
        %gather3A_221 = tpu.vector_load_idx %arg38[%add3A_220] : memref<1536xi32, #tpu.memory_space<vmem>>[vector<16xi32>], vector<16xi32>,
        %add3A_222 = arith.constant 8 : i32
        %add3A_223 = vector.broadcast %add3A_222 : i32 to vector<16xi32>
        %add3A_224 = arith.addi %mul3A_175, %add3A_223 : vector<16xi32>
        %gather3A_225 = tpu.vector_load_idx %arg38[%add3A_224] : memref<1536xi32, #tpu.memory_space<vmem>>[vector<16xi32>], vector<16xi32>,
        %add3A_226 = arith.constant 9 : i32
        %add3A_227 = vector.broadcast %add3A_226 : i32 to vector<16xi32>
        %add3A_228 = arith.addi %mul3A_175, %add3A_227 : vector<16xi32>
        %gather3A_229 = tpu.vector_load_idx %arg38[%add3A_228] : memref<1536xi32, #tpu.memory_space<vmem>>[vector<16xi32>], vector<16xi32>,
        %add3A_230 = arith.constant 10 : i32
        %add3A_231 = vector.broadcast %add3A_230 : i32 to vector<16xi32>
        %add3A_232 = arith.addi %mul3A_175, %add3A_231 : vector<16xi32>
        %gather3A_233 = tpu.vector_load_idx %arg38[%add3A_232] : memref<1536xi32, #tpu.memory_space<vmem>>[vector<16xi32>], vector<16xi32>,
        %add3A_234 = arith.constant 11 : i32
        %add3A_235 = vector.broadcast %add3A_234 : i32 to vector<16xi32>
        %add3A_236 = arith.addi %mul3A_175, %add3A_235 : vector<16xi32>
        %gather3A_237 = tpu.vector_load_idx %arg38[%add3A_236] : memref<1536xi32, #tpu.memory_space<vmem>>[vector<16xi32>], vector<16xi32>,
        %broadcast_in_dim3A_238 = arith.constant 0.000000e+00 : f32
        %broadcast_in_dim3A_239 = vector.broadcast %broadcast_in_dim3A_238 : f32 to vector<16xf32>
        %parallel_loop3A = arith.constant 0 : i32
        %parallel_loop3A_240 = arith.constant 32 : i32
        %parallel_loop3A_241 = arith.constant 1 : i32
        %parallel_loop3A_242:2 = scf.for %parallel_loop3A_318 = %parallel_loop3A to %parallel_loop3A_240 step %parallel_loop3A_241 iter_args(%parallel_loop3A_319 = %broadcast_in_dim3A_239, %parallel_loop3A_320 = %broadcast_in_dim3A_239) -> (vector<16xf32>, vector<16xf32>)  : i32 {
          %parallel_loop3A_321 = vector.broadcast %parallel_loop3A_318 : i32 to vector<16xi32>
          %parallel_loop3A_322 = arith.addi %parallel_loop3A_321, %iota3A : vector<16xi32>
          %parallel_loop3A_323 = arith.constant 31 : i32
          %parallel_loop3A_324 = vector.broadcast %parallel_loop3A_323 : i32 to vector<16xi32>
          %parallel_loop3A_325 = arith.andi %parallel_loop3A_322, %parallel_loop3A_324 : vector<16xi32>
          %parallel_loop3A_326 = arith.constant 32 : i32
          %parallel_loop3A_327 = vector.broadcast %parallel_loop3A_326 : i32 to vector<16xi32>
          %parallel_loop3A_328 = arith.addi %parallel_loop3A_325, %parallel_loop3A_327 : vector<16xi32>
          %parallel_loop3A_329 = tpu.vector_load_idx %arg28[%add3A_169, %parallel_loop3A_325] : memref<128x64xi32, #tpu.memory_space<vmem>>[vector<16xi32>, vector<16xi32>], vector<16xi32>,
          %parallel_loop3A_330 = arith.constant 16 : i32
          %parallel_loop3A_331 = vector.broadcast %parallel_loop3A_330 : i32 to vector<16xi32>
          %parallel_loop3A_332 = arith.shli %parallel_loop3A_329, %parallel_loop3A_331 : vector<16xi32>
          %parallel_loop3A_333 = vector.bitcast %parallel_loop3A_332 : vector<16xi32> to vector<16xf32>
          %parallel_loop3A_334 = arith.constant -65536 : i32
          %parallel_loop3A_335 = vector.broadcast %parallel_loop3A_334 : i32 to vector<16xi32>
          %parallel_loop3A_336 = arith.andi %parallel_loop3A_329, %parallel_loop3A_335 : vector<16xi32>
          %parallel_loop3A_337 = vector.bitcast %parallel_loop3A_336 : vector<16xi32> to vector<16xf32>
          %parallel_loop3A_338 = tpu.vector_load_idx %arg28[%add3A_169, %parallel_loop3A_328] : memref<128x64xi32, #tpu.memory_space<vmem>>[vector<16xi32>, vector<16xi32>], vector<16xi32>,
          %parallel_loop3A_339 = arith.constant 16 : i32
          %parallel_loop3A_340 = vector.broadcast %parallel_loop3A_339 : i32 to vector<16xi32>
          %parallel_loop3A_341 = arith.shli %parallel_loop3A_338, %parallel_loop3A_340 : vector<16xi32>
          %parallel_loop3A_342 = vector.bitcast %parallel_loop3A_341 : vector<16xi32> to vector<16xf32>
          %parallel_loop3A_343 = arith.constant -65536 : i32
          %parallel_loop3A_344 = vector.broadcast %parallel_loop3A_343 : i32 to vector<16xi32>
          %parallel_loop3A_345 = arith.andi %parallel_loop3A_338, %parallel_loop3A_344 : vector<16xi32>
          %parallel_loop3A_346 = vector.bitcast %parallel_loop3A_345 : vector<16xi32> to vector<16xf32>
          %parallel_loop3A_347 = tpu.vector_load_idx %arg29[%add3A_169, %parallel_loop3A_325] : memref<128x64xi32, #tpu.memory_space<vmem>>[vector<16xi32>, vector<16xi32>], vector<16xi32>,
          %parallel_loop3A_348 = arith.constant 16 : i32
          %parallel_loop3A_349 = vector.broadcast %parallel_loop3A_348 : i32 to vector<16xi32>
          %parallel_loop3A_350 = arith.shli %parallel_loop3A_347, %parallel_loop3A_349 : vector<16xi32>
          %parallel_loop3A_351 = vector.bitcast %parallel_loop3A_350 : vector<16xi32> to vector<16xf32>
          %parallel_loop3A_352 = arith.constant -65536 : i32
          %parallel_loop3A_353 = vector.broadcast %parallel_loop3A_352 : i32 to vector<16xi32>
          %parallel_loop3A_354 = arith.andi %parallel_loop3A_347, %parallel_loop3A_353 : vector<16xi32>
          %parallel_loop3A_355 = vector.bitcast %parallel_loop3A_354 : vector<16xi32> to vector<16xf32>
          %parallel_loop3A_356 = tpu.vector_load_idx %arg29[%add3A_169, %parallel_loop3A_328] : memref<128x64xi32, #tpu.memory_space<vmem>>[vector<16xi32>, vector<16xi32>], vector<16xi32>,
          %parallel_loop3A_357 = arith.constant 16 : i32
          %parallel_loop3A_358 = vector.broadcast %parallel_loop3A_357 : i32 to vector<16xi32>
          %parallel_loop3A_359 = arith.shli %parallel_loop3A_356, %parallel_loop3A_358 : vector<16xi32>
          %parallel_loop3A_360 = vector.bitcast %parallel_loop3A_359 : vector<16xi32> to vector<16xf32>
          %parallel_loop3A_361 = arith.constant -65536 : i32
          %parallel_loop3A_362 = vector.broadcast %parallel_loop3A_361 : i32 to vector<16xi32>
          %parallel_loop3A_363 = arith.andi %parallel_loop3A_356, %parallel_loop3A_362 : vector<16xi32>
          %parallel_loop3A_364 = vector.bitcast %parallel_loop3A_363 : vector<16xi32> to vector<16xf32>
          %parallel_loop3A_365 = tpu.vector_load_idx %arg30[%add3A_169, %parallel_loop3A_325] : memref<128x64xi32, #tpu.memory_space<vmem>>[vector<16xi32>, vector<16xi32>], vector<16xi32>,
          %parallel_loop3A_366 = arith.constant 16 : i32
          %parallel_loop3A_367 = vector.broadcast %parallel_loop3A_366 : i32 to vector<16xi32>
          %parallel_loop3A_368 = arith.shli %parallel_loop3A_365, %parallel_loop3A_367 : vector<16xi32>
          %parallel_loop3A_369 = vector.bitcast %parallel_loop3A_368 : vector<16xi32> to vector<16xf32>
          %parallel_loop3A_370 = arith.constant -65536 : i32
          %parallel_loop3A_371 = vector.broadcast %parallel_loop3A_370 : i32 to vector<16xi32>
          %parallel_loop3A_372 = arith.andi %parallel_loop3A_365, %parallel_loop3A_371 : vector<16xi32>
          %parallel_loop3A_373 = vector.bitcast %parallel_loop3A_372 : vector<16xi32> to vector<16xf32>
          %parallel_loop3A_374 = tpu.vector_load_idx %arg30[%add3A_169, %parallel_loop3A_328] : memref<128x64xi32, #tpu.memory_space<vmem>>[vector<16xi32>, vector<16xi32>], vector<16xi32>,
          %parallel_loop3A_375 = arith.constant 16 : i32
          %parallel_loop3A_376 = vector.broadcast %parallel_loop3A_375 : i32 to vector<16xi32>
          %parallel_loop3A_377 = arith.shli %parallel_loop3A_374, %parallel_loop3A_376 : vector<16xi32>
          %parallel_loop3A_378 = vector.bitcast %parallel_loop3A_377 : vector<16xi32> to vector<16xf32>
          %parallel_loop3A_379 = arith.constant -65536 : i32
          %parallel_loop3A_380 = vector.broadcast %parallel_loop3A_379 : i32 to vector<16xi32>
          %parallel_loop3A_381 = arith.andi %parallel_loop3A_374, %parallel_loop3A_380 : vector<16xi32>
          %parallel_loop3A_382 = vector.bitcast %parallel_loop3A_381 : vector<16xi32> to vector<16xf32>
          %parallel_loop3A_383 = tpu.vector_load_idx %arg31[%add3A_169, %parallel_loop3A_325] : memref<128x64xi32, #tpu.memory_space<vmem>>[vector<16xi32>, vector<16xi32>], vector<16xi32>,
          %parallel_loop3A_384 = arith.constant 16 : i32
          %parallel_loop3A_385 = vector.broadcast %parallel_loop3A_384 : i32 to vector<16xi32>
          %parallel_loop3A_386 = arith.shli %parallel_loop3A_383, %parallel_loop3A_385 : vector<16xi32>
          %parallel_loop3A_387 = vector.bitcast %parallel_loop3A_386 : vector<16xi32> to vector<16xf32>
          %parallel_loop3A_388 = arith.constant -65536 : i32
          %parallel_loop3A_389 = vector.broadcast %parallel_loop3A_388 : i32 to vector<16xi32>
          %parallel_loop3A_390 = arith.andi %parallel_loop3A_383, %parallel_loop3A_389 : vector<16xi32>
          %parallel_loop3A_391 = vector.bitcast %parallel_loop3A_390 : vector<16xi32> to vector<16xf32>
          %parallel_loop3A_392 = tpu.vector_load_idx %arg31[%add3A_169, %parallel_loop3A_328] : memref<128x64xi32, #tpu.memory_space<vmem>>[vector<16xi32>, vector<16xi32>], vector<16xi32>,
          %parallel_loop3A_393 = arith.constant 16 : i32
          %parallel_loop3A_394 = vector.broadcast %parallel_loop3A_393 : i32 to vector<16xi32>
          %parallel_loop3A_395 = arith.shli %parallel_loop3A_392, %parallel_loop3A_394 : vector<16xi32>
          %parallel_loop3A_396 = vector.bitcast %parallel_loop3A_395 : vector<16xi32> to vector<16xf32>
          %parallel_loop3A_397 = arith.constant -65536 : i32
          %parallel_loop3A_398 = vector.broadcast %parallel_loop3A_397 : i32 to vector<16xi32>
          %parallel_loop3A_399 = arith.andi %parallel_loop3A_392, %parallel_loop3A_398 : vector<16xi32>
          %parallel_loop3A_400 = vector.bitcast %parallel_loop3A_399 : vector<16xi32> to vector<16xf32>
          %parallel_loop3A_401 = tpu.vector_load_idx %arg13[%gather3A_188, %parallel_loop3A_325] : memref<1000x32xi32, #tpu.memory_space<vmem>>[vector<16xi32>, vector<16xi32>], vector<16xi32>,
          %parallel_loop3A_402 = arith.constant 16 : i32
          %parallel_loop3A_403 = vector.broadcast %parallel_loop3A_402 : i32 to vector<16xi32>
          %parallel_loop3A_404 = arith.shli %parallel_loop3A_401, %parallel_loop3A_403 : vector<16xi32>
          %parallel_loop3A_405 = vector.bitcast %parallel_loop3A_404 : vector<16xi32> to vector<16xf32>
          %parallel_loop3A_406 = arith.constant -65536 : i32
          %parallel_loop3A_407 = vector.broadcast %parallel_loop3A_406 : i32 to vector<16xi32>
          %parallel_loop3A_408 = arith.andi %parallel_loop3A_401, %parallel_loop3A_407 : vector<16xi32>
          %parallel_loop3A_409 = vector.bitcast %parallel_loop3A_408 : vector<16xi32> to vector<16xf32>
          %parallel_loop3A_410 = tpu.vector_load_idx %arg13[%gather3A_189, %parallel_loop3A_325] : memref<1000x32xi32, #tpu.memory_space<vmem>>[vector<16xi32>, vector<16xi32>], vector<16xi32>,
          %parallel_loop3A_411 = arith.constant 16 : i32
          %parallel_loop3A_412 = vector.broadcast %parallel_loop3A_411 : i32 to vector<16xi32>
          %parallel_loop3A_413 = arith.shli %parallel_loop3A_410, %parallel_loop3A_412 : vector<16xi32>
          %parallel_loop3A_414 = vector.bitcast %parallel_loop3A_413 : vector<16xi32> to vector<16xf32>
          %parallel_loop3A_415 = arith.constant -65536 : i32
          %parallel_loop3A_416 = vector.broadcast %parallel_loop3A_415 : i32 to vector<16xi32>
          %parallel_loop3A_417 = arith.andi %parallel_loop3A_410, %parallel_loop3A_416 : vector<16xi32>
          %parallel_loop3A_418 = vector.bitcast %parallel_loop3A_417 : vector<16xi32> to vector<16xf32>
          %parallel_loop3A_419 = tpu.vector_load_idx %arg13[%gather3A_193, %parallel_loop3A_325] : memref<1000x32xi32, #tpu.memory_space<vmem>>[vector<16xi32>, vector<16xi32>], vector<16xi32>,
          %parallel_loop3A_420 = arith.constant 16 : i32
          %parallel_loop3A_421 = vector.broadcast %parallel_loop3A_420 : i32 to vector<16xi32>
          %parallel_loop3A_422 = arith.shli %parallel_loop3A_419, %parallel_loop3A_421 : vector<16xi32>
          %parallel_loop3A_423 = vector.bitcast %parallel_loop3A_422 : vector<16xi32> to vector<16xf32>
          %parallel_loop3A_424 = arith.constant -65536 : i32
          %parallel_loop3A_425 = vector.broadcast %parallel_loop3A_424 : i32 to vector<16xi32>
          %parallel_loop3A_426 = arith.andi %parallel_loop3A_419, %parallel_loop3A_425 : vector<16xi32>
          %parallel_loop3A_427 = vector.bitcast %parallel_loop3A_426 : vector<16xi32> to vector<16xf32>
          %parallel_loop3A_428 = tpu.vector_load_idx %arg13[%gather3A_197, %parallel_loop3A_325] : memref<1000x32xi32, #tpu.memory_space<vmem>>[vector<16xi32>, vector<16xi32>], vector<16xi32>,
          %parallel_loop3A_429 = arith.constant 16 : i32
          %parallel_loop3A_430 = vector.broadcast %parallel_loop3A_429 : i32 to vector<16xi32>
          %parallel_loop3A_431 = arith.shli %parallel_loop3A_428, %parallel_loop3A_430 : vector<16xi32>
          %parallel_loop3A_432 = vector.bitcast %parallel_loop3A_431 : vector<16xi32> to vector<16xf32>
          %parallel_loop3A_433 = arith.constant -65536 : i32
          %parallel_loop3A_434 = vector.broadcast %parallel_loop3A_433 : i32 to vector<16xi32>
          %parallel_loop3A_435 = arith.andi %parallel_loop3A_428, %parallel_loop3A_434 : vector<16xi32>
          %parallel_loop3A_436 = vector.bitcast %parallel_loop3A_435 : vector<16xi32> to vector<16xf32>
          %parallel_loop3A_437 = tpu.vector_load_idx %arg13[%gather3A_201, %parallel_loop3A_325] : memref<1000x32xi32, #tpu.memory_space<vmem>>[vector<16xi32>, vector<16xi32>], vector<16xi32>,
          %parallel_loop3A_438 = arith.constant 16 : i32
          %parallel_loop3A_439 = vector.broadcast %parallel_loop3A_438 : i32 to vector<16xi32>
          %parallel_loop3A_440 = arith.shli %parallel_loop3A_437, %parallel_loop3A_439 : vector<16xi32>
          %parallel_loop3A_441 = vector.bitcast %parallel_loop3A_440 : vector<16xi32> to vector<16xf32>
          %parallel_loop3A_442 = arith.constant -65536 : i32
          %parallel_loop3A_443 = vector.broadcast %parallel_loop3A_442 : i32 to vector<16xi32>
          %parallel_loop3A_444 = arith.andi %parallel_loop3A_437, %parallel_loop3A_443 : vector<16xi32>
          %parallel_loop3A_445 = vector.bitcast %parallel_loop3A_444 : vector<16xi32> to vector<16xf32>
          %parallel_loop3A_446 = tpu.vector_load_idx %arg13[%gather3A_205, %parallel_loop3A_325] : memref<1000x32xi32, #tpu.memory_space<vmem>>[vector<16xi32>, vector<16xi32>], vector<16xi32>,
          %parallel_loop3A_447 = arith.constant 16 : i32
          %parallel_loop3A_448 = vector.broadcast %parallel_loop3A_447 : i32 to vector<16xi32>
          %parallel_loop3A_449 = arith.shli %parallel_loop3A_446, %parallel_loop3A_448 : vector<16xi32>
          %parallel_loop3A_450 = vector.bitcast %parallel_loop3A_449 : vector<16xi32> to vector<16xf32>
          %parallel_loop3A_451 = arith.constant -65536 : i32
          %parallel_loop3A_452 = vector.broadcast %parallel_loop3A_451 : i32 to vector<16xi32>
          %parallel_loop3A_453 = arith.andi %parallel_loop3A_446, %parallel_loop3A_452 : vector<16xi32>
          %parallel_loop3A_454 = vector.bitcast %parallel_loop3A_453 : vector<16xi32> to vector<16xf32>
          %parallel_loop3A_455 = tpu.vector_load_idx %arg13[%gather3A_209, %parallel_loop3A_325] : memref<1000x32xi32, #tpu.memory_space<vmem>>[vector<16xi32>, vector<16xi32>], vector<16xi32>,
          %parallel_loop3A_456 = arith.constant 16 : i32
          %parallel_loop3A_457 = vector.broadcast %parallel_loop3A_456 : i32 to vector<16xi32>
          %parallel_loop3A_458 = arith.shli %parallel_loop3A_455, %parallel_loop3A_457 : vector<16xi32>
          %parallel_loop3A_459 = vector.bitcast %parallel_loop3A_458 : vector<16xi32> to vector<16xf32>
          %parallel_loop3A_460 = arith.constant -65536 : i32
          %parallel_loop3A_461 = vector.broadcast %parallel_loop3A_460 : i32 to vector<16xi32>
          %parallel_loop3A_462 = arith.andi %parallel_loop3A_455, %parallel_loop3A_461 : vector<16xi32>
          %parallel_loop3A_463 = vector.bitcast %parallel_loop3A_462 : vector<16xi32> to vector<16xf32>
          %parallel_loop3A_464 = tpu.vector_load_idx %arg13[%gather3A_213, %parallel_loop3A_325] : memref<1000x32xi32, #tpu.memory_space<vmem>>[vector<16xi32>, vector<16xi32>], vector<16xi32>,
          %parallel_loop3A_465 = arith.constant 16 : i32
          %parallel_loop3A_466 = vector.broadcast %parallel_loop3A_465 : i32 to vector<16xi32>
          %parallel_loop3A_467 = arith.shli %parallel_loop3A_464, %parallel_loop3A_466 : vector<16xi32>
          %parallel_loop3A_468 = vector.bitcast %parallel_loop3A_467 : vector<16xi32> to vector<16xf32>
          %parallel_loop3A_469 = arith.constant -65536 : i32
          %parallel_loop3A_470 = vector.broadcast %parallel_loop3A_469 : i32 to vector<16xi32>
          %parallel_loop3A_471 = arith.andi %parallel_loop3A_464, %parallel_loop3A_470 : vector<16xi32>
          %parallel_loop3A_472 = vector.bitcast %parallel_loop3A_471 : vector<16xi32> to vector<16xf32>
          %parallel_loop3A_473 = tpu.vector_load_idx %arg13[%gather3A_217, %parallel_loop3A_325] : memref<1000x32xi32, #tpu.memory_space<vmem>>[vector<16xi32>, vector<16xi32>], vector<16xi32>,
          %parallel_loop3A_474 = arith.constant 16 : i32
          %parallel_loop3A_475 = vector.broadcast %parallel_loop3A_474 : i32 to vector<16xi32>
          %parallel_loop3A_476 = arith.shli %parallel_loop3A_473, %parallel_loop3A_475 : vector<16xi32>
          %parallel_loop3A_477 = vector.bitcast %parallel_loop3A_476 : vector<16xi32> to vector<16xf32>
          %parallel_loop3A_478 = arith.constant -65536 : i32
          %parallel_loop3A_479 = vector.broadcast %parallel_loop3A_478 : i32 to vector<16xi32>
          %parallel_loop3A_480 = arith.andi %parallel_loop3A_473, %parallel_loop3A_479 : vector<16xi32>
          %parallel_loop3A_481 = vector.bitcast %parallel_loop3A_480 : vector<16xi32> to vector<16xf32>
          %parallel_loop3A_482 = tpu.vector_load_idx %arg13[%gather3A_221, %parallel_loop3A_325] : memref<1000x32xi32, #tpu.memory_space<vmem>>[vector<16xi32>, vector<16xi32>], vector<16xi32>,
          %parallel_loop3A_483 = arith.constant 16 : i32
          %parallel_loop3A_484 = vector.broadcast %parallel_loop3A_483 : i32 to vector<16xi32>
          %parallel_loop3A_485 = arith.shli %parallel_loop3A_482, %parallel_loop3A_484 : vector<16xi32>
          %parallel_loop3A_486 = vector.bitcast %parallel_loop3A_485 : vector<16xi32> to vector<16xf32>
          %parallel_loop3A_487 = arith.constant -65536 : i32
          %parallel_loop3A_488 = vector.broadcast %parallel_loop3A_487 : i32 to vector<16xi32>
          %parallel_loop3A_489 = arith.andi %parallel_loop3A_482, %parallel_loop3A_488 : vector<16xi32>
          %parallel_loop3A_490 = vector.bitcast %parallel_loop3A_489 : vector<16xi32> to vector<16xf32>
          %parallel_loop3A_491 = tpu.vector_load_idx %arg13[%gather3A_225, %parallel_loop3A_325] : memref<1000x32xi32, #tpu.memory_space<vmem>>[vector<16xi32>, vector<16xi32>], vector<16xi32>,
          %parallel_loop3A_492 = arith.constant 16 : i32
          %parallel_loop3A_493 = vector.broadcast %parallel_loop3A_492 : i32 to vector<16xi32>
          %parallel_loop3A_494 = arith.shli %parallel_loop3A_491, %parallel_loop3A_493 : vector<16xi32>
          %parallel_loop3A_495 = vector.bitcast %parallel_loop3A_494 : vector<16xi32> to vector<16xf32>
          %parallel_loop3A_496 = arith.constant -65536 : i32
          %parallel_loop3A_497 = vector.broadcast %parallel_loop3A_496 : i32 to vector<16xi32>
          %parallel_loop3A_498 = arith.andi %parallel_loop3A_491, %parallel_loop3A_497 : vector<16xi32>
          %parallel_loop3A_499 = vector.bitcast %parallel_loop3A_498 : vector<16xi32> to vector<16xf32>
          %parallel_loop3A_500 = tpu.vector_load_idx %arg13[%gather3A_229, %parallel_loop3A_325] : memref<1000x32xi32, #tpu.memory_space<vmem>>[vector<16xi32>, vector<16xi32>], vector<16xi32>,
          %parallel_loop3A_501 = arith.constant 16 : i32
          %parallel_loop3A_502 = vector.broadcast %parallel_loop3A_501 : i32 to vector<16xi32>
          %parallel_loop3A_503 = arith.shli %parallel_loop3A_500, %parallel_loop3A_502 : vector<16xi32>
          %parallel_loop3A_504 = vector.bitcast %parallel_loop3A_503 : vector<16xi32> to vector<16xf32>
          %parallel_loop3A_505 = arith.constant -65536 : i32
          %parallel_loop3A_506 = vector.broadcast %parallel_loop3A_505 : i32 to vector<16xi32>
          %parallel_loop3A_507 = arith.andi %parallel_loop3A_500, %parallel_loop3A_506 : vector<16xi32>
          %parallel_loop3A_508 = vector.bitcast %parallel_loop3A_507 : vector<16xi32> to vector<16xf32>
          %parallel_loop3A_509 = tpu.vector_load_idx %arg13[%gather3A_233, %parallel_loop3A_325] : memref<1000x32xi32, #tpu.memory_space<vmem>>[vector<16xi32>, vector<16xi32>], vector<16xi32>,
          %parallel_loop3A_510 = arith.constant 16 : i32
          %parallel_loop3A_511 = vector.broadcast %parallel_loop3A_510 : i32 to vector<16xi32>
          %parallel_loop3A_512 = arith.shli %parallel_loop3A_509, %parallel_loop3A_511 : vector<16xi32>
          %parallel_loop3A_513 = vector.bitcast %parallel_loop3A_512 : vector<16xi32> to vector<16xf32>
          %parallel_loop3A_514 = arith.constant -65536 : i32
          %parallel_loop3A_515 = vector.broadcast %parallel_loop3A_514 : i32 to vector<16xi32>
          %parallel_loop3A_516 = arith.andi %parallel_loop3A_509, %parallel_loop3A_515 : vector<16xi32>
          %parallel_loop3A_517 = vector.bitcast %parallel_loop3A_516 : vector<16xi32> to vector<16xf32>
          %parallel_loop3A_518 = tpu.vector_load_idx %arg13[%gather3A_237, %parallel_loop3A_325] : memref<1000x32xi32, #tpu.memory_space<vmem>>[vector<16xi32>, vector<16xi32>], vector<16xi32>,
          %parallel_loop3A_519 = arith.constant 16 : i32
          %parallel_loop3A_520 = vector.broadcast %parallel_loop3A_519 : i32 to vector<16xi32>
          %parallel_loop3A_521 = arith.shli %parallel_loop3A_518, %parallel_loop3A_520 : vector<16xi32>
          %parallel_loop3A_522 = vector.bitcast %parallel_loop3A_521 : vector<16xi32> to vector<16xf32>
          %parallel_loop3A_523 = arith.constant -65536 : i32
          %parallel_loop3A_524 = vector.broadcast %parallel_loop3A_523 : i32 to vector<16xi32>
          %parallel_loop3A_525 = arith.andi %parallel_loop3A_518, %parallel_loop3A_524 : vector<16xi32>
          %parallel_loop3A_526 = vector.bitcast %parallel_loop3A_525 : vector<16xi32> to vector<16xf32>
          %parallel_loop3A_527 = arith.addf %parallel_loop3A_423, %parallel_loop3A_432 : vector<16xf32>
          %parallel_loop3A_528 = arith.addf %parallel_loop3A_527, %parallel_loop3A_441 : vector<16xf32>
          %parallel_loop3A_529 = arith.addf %parallel_loop3A_450, %parallel_loop3A_459 : vector<16xf32>
          %parallel_loop3A_530 = arith.addf %parallel_loop3A_529, %parallel_loop3A_468 : vector<16xf32>
          %parallel_loop3A_531 = arith.addf %parallel_loop3A_477, %parallel_loop3A_486 : vector<16xf32>
          %parallel_loop3A_532 = arith.addf %parallel_loop3A_531, %parallel_loop3A_495 : vector<16xf32>
          %parallel_loop3A_533 = arith.addf %parallel_loop3A_504, %parallel_loop3A_513 : vector<16xf32>
          %parallel_loop3A_534 = arith.addf %parallel_loop3A_533, %parallel_loop3A_522 : vector<16xf32>
          %parallel_loop3A_535 = arith.mulf %gather3A, %parallel_loop3A_528 : vector<16xf32>
          %parallel_loop3A_536 = arith.mulf %gather3A_179, %parallel_loop3A_530 : vector<16xf32>
          %parallel_loop3A_537 = arith.addf %parallel_loop3A_535, %parallel_loop3A_536 : vector<16xf32>
          %parallel_loop3A_538 = arith.mulf %gather3A_183, %parallel_loop3A_532 : vector<16xf32>
          %parallel_loop3A_539 = arith.addf %parallel_loop3A_537, %parallel_loop3A_538 : vector<16xf32>
          %parallel_loop3A_540 = arith.mulf %gather3A_187, %parallel_loop3A_534 : vector<16xf32>
          %parallel_loop3A_541 = arith.addf %parallel_loop3A_539, %parallel_loop3A_540 : vector<16xf32>
          %parallel_loop3A_542 = arith.mulf %parallel_loop3A_333, %parallel_loop3A_342 : vector<16xf32>
          %parallel_loop3A_543 = arith.addf %parallel_loop3A_542, %parallel_loop3A_405 : vector<16xf32>
          %parallel_loop3A_544 = arith.addf %parallel_loop3A_543, %parallel_loop3A_541 : vector<16xf32>
          %parallel_loop3A_545 = arith.mulf %parallel_loop3A_351, %parallel_loop3A_360 : vector<16xf32>
          %parallel_loop3A_546 = arith.subf %parallel_loop3A_544, %parallel_loop3A_545 : vector<16xf32>
          %parallel_loop3A_547 = arith.mulf %parallel_loop3A_369, %parallel_loop3A_378 : vector<16xf32>
          %parallel_loop3A_548 = arith.addf %parallel_loop3A_547, %parallel_loop3A_414 : vector<16xf32>
          %parallel_loop3A_549 = arith.mulf %parallel_loop3A_387, %parallel_loop3A_396 : vector<16xf32>
          %parallel_loop3A_550 = arith.subf %parallel_loop3A_548, %parallel_loop3A_549 : vector<16xf32>
          %parallel_loop3A_551 = arith.mulf %parallel_loop3A_546, %parallel_loop3A_546 : vector<16xf32>
          %parallel_loop3A_552 = arith.addf %parallel_loop3A_319, %parallel_loop3A_551 : vector<16xf32>
          %parallel_loop3A_553 = arith.mulf %parallel_loop3A_550, %parallel_loop3A_550 : vector<16xf32>
          %parallel_loop3A_554 = arith.addf %parallel_loop3A_320, %parallel_loop3A_553 : vector<16xf32>
          %parallel_loop3A_555 = arith.addf %parallel_loop3A_427, %parallel_loop3A_436 : vector<16xf32>
          %parallel_loop3A_556 = arith.addf %parallel_loop3A_555, %parallel_loop3A_445 : vector<16xf32>
          %parallel_loop3A_557 = arith.addf %parallel_loop3A_454, %parallel_loop3A_463 : vector<16xf32>
          %parallel_loop3A_558 = arith.addf %parallel_loop3A_557, %parallel_loop3A_472 : vector<16xf32>
          %parallel_loop3A_559 = arith.addf %parallel_loop3A_481, %parallel_loop3A_490 : vector<16xf32>
          %parallel_loop3A_560 = arith.addf %parallel_loop3A_559, %parallel_loop3A_499 : vector<16xf32>
          %parallel_loop3A_561 = arith.addf %parallel_loop3A_508, %parallel_loop3A_517 : vector<16xf32>
          %parallel_loop3A_562 = arith.addf %parallel_loop3A_561, %parallel_loop3A_526 : vector<16xf32>
          %parallel_loop3A_563 = arith.mulf %gather3A, %parallel_loop3A_556 : vector<16xf32>
          %parallel_loop3A_564 = arith.mulf %gather3A_179, %parallel_loop3A_558 : vector<16xf32>
          %parallel_loop3A_565 = arith.addf %parallel_loop3A_563, %parallel_loop3A_564 : vector<16xf32>
          %parallel_loop3A_566 = arith.mulf %gather3A_183, %parallel_loop3A_560 : vector<16xf32>
          %parallel_loop3A_567 = arith.addf %parallel_loop3A_565, %parallel_loop3A_566 : vector<16xf32>
          %parallel_loop3A_568 = arith.mulf %gather3A_187, %parallel_loop3A_562 : vector<16xf32>
          %parallel_loop3A_569 = arith.addf %parallel_loop3A_567, %parallel_loop3A_568 : vector<16xf32>
          %parallel_loop3A_570 = arith.mulf %parallel_loop3A_337, %parallel_loop3A_346 : vector<16xf32>
          %parallel_loop3A_571 = arith.addf %parallel_loop3A_570, %parallel_loop3A_409 : vector<16xf32>
          %parallel_loop3A_572 = arith.addf %parallel_loop3A_571, %parallel_loop3A_569 : vector<16xf32>
          %parallel_loop3A_573 = arith.mulf %parallel_loop3A_355, %parallel_loop3A_364 : vector<16xf32>
          %parallel_loop3A_574 = arith.subf %parallel_loop3A_572, %parallel_loop3A_573 : vector<16xf32>
          %parallel_loop3A_575 = arith.mulf %parallel_loop3A_373, %parallel_loop3A_382 : vector<16xf32>
          %parallel_loop3A_576 = arith.addf %parallel_loop3A_575, %parallel_loop3A_418 : vector<16xf32>
          %parallel_loop3A_577 = arith.mulf %parallel_loop3A_391, %parallel_loop3A_400 : vector<16xf32>
          %parallel_loop3A_578 = arith.subf %parallel_loop3A_576, %parallel_loop3A_577 : vector<16xf32>
          %parallel_loop3A_579 = arith.mulf %parallel_loop3A_574, %parallel_loop3A_574 : vector<16xf32>
          %parallel_loop3A_580 = arith.addf %parallel_loop3A_552, %parallel_loop3A_579 : vector<16xf32>
          %parallel_loop3A_581 = arith.mulf %parallel_loop3A_578, %parallel_loop3A_578 : vector<16xf32>
          %parallel_loop3A_582 = arith.addf %parallel_loop3A_554, %parallel_loop3A_581 : vector<16xf32>
          scf.yield %parallel_loop3A_580, %parallel_loop3A_582 : vector<16xf32>, vector<16xf32>
        } {sc.loop_unroll_factor = 2 : i64, sc.parallel_access}
        %max3A = arith.constant 1.000000e-30 : f32
        %max3A_243 = vector.broadcast %max3A : f32 to vector<16xf32>
        %max3A_244 = arith.maximumf %parallel_loop3A_242#0, %max3A_243 : vector<16xf32>
        %bitcast3A = vector.bitcast %max3A_244 : vector<16xf32> to vector<16xi32>
        %broadcast_in_dim3A_245 = arith.constant 1597463007 : i32
        %broadcast_in_dim3A_246 = vector.broadcast %broadcast_in_dim3A_245 : i32 to vector<16xi32>
        %shift_right_logical3A = arith.constant 1 : i32
        %shift_right_logical3A_247 = vector.broadcast %shift_right_logical3A : i32 to vector<16xi32>
        %shift_right_logical3A_248 = arith.shrui %bitcast3A, %shift_right_logical3A_247 : vector<16xi32>
        %sub3A = arith.subi %broadcast_in_dim3A_246, %shift_right_logical3A_248 : vector<16xi32>
        %bitcast3A_249 = vector.bitcast %sub3A : vector<16xi32> to vector<16xf32>
        %mul3A_250 = arith.constant 5.000000e-01 : f32
        %mul3A_251 = vector.broadcast %mul3A_250 : f32 to vector<16xf32>
        %mul3A_252 = arith.mulf %mul3A_251, %max3A_244 : vector<16xf32>
        %mul3A_253 = arith.mulf %mul3A_252, %bitcast3A_249 : vector<16xf32>
        %mul3A_254 = arith.mulf %mul3A_253, %bitcast3A_249 : vector<16xf32>
        %sub3A_255 = arith.constant 1.500000e+00 : f32
        %sub3A_256 = vector.broadcast %sub3A_255 : f32 to vector<16xf32>
        %sub3A_257 = arith.subf %sub3A_256, %mul3A_254 : vector<16xf32>
        %mul3A_258 = arith.mulf %bitcast3A_249, %sub3A_257 : vector<16xf32>
        %mul3A_259 = arith.mulf %mul3A_252, %mul3A_258 : vector<16xf32>
        %mul3A_260 = arith.mulf %mul3A_259, %mul3A_258 : vector<16xf32>
        %sub3A_261 = arith.constant 1.500000e+00 : f32
        %sub3A_262 = vector.broadcast %sub3A_261 : f32 to vector<16xf32>
        %sub3A_263 = arith.subf %sub3A_262, %mul3A_260 : vector<16xf32>
        %mul3A_264 = arith.mulf %mul3A_258, %sub3A_263 : vector<16xf32>
        %mul3A_265 = arith.mulf %mul3A_252, %mul3A_264 : vector<16xf32>
        %mul3A_266 = arith.mulf %mul3A_265, %mul3A_264 : vector<16xf32>
        %sub3A_267 = arith.constant 1.500000e+00 : f32
        %sub3A_268 = vector.broadcast %sub3A_267 : f32 to vector<16xf32>
        %sub3A_269 = arith.subf %sub3A_268, %mul3A_266 : vector<16xf32>
        %mul3A_270 = arith.mulf %mul3A_264, %sub3A_269 : vector<16xf32>
        %mul3A_271 = arith.mulf %max3A_244, %mul3A_270 : vector<16xf32>
        %max3A_272 = arith.constant 1.000000e-30 : f32
        %max3A_273 = vector.broadcast %max3A_272 : f32 to vector<16xf32>
        %max3A_274 = arith.maximumf %parallel_loop3A_242#1, %max3A_273 : vector<16xf32>
        %bitcast3A_275 = vector.bitcast %max3A_274 : vector<16xf32> to vector<16xi32>
        %broadcast_in_dim3A_276 = arith.constant 1597463007 : i32
        %broadcast_in_dim3A_277 = vector.broadcast %broadcast_in_dim3A_276 : i32 to vector<16xi32>
        %shift_right_logical3A_278 = arith.constant 1 : i32
        %shift_right_logical3A_279 = vector.broadcast %shift_right_logical3A_278 : i32 to vector<16xi32>
        %shift_right_logical3A_280 = arith.shrui %bitcast3A_275, %shift_right_logical3A_279 : vector<16xi32>
        %sub3A_281 = arith.subi %broadcast_in_dim3A_277, %shift_right_logical3A_280 : vector<16xi32>
        %bitcast3A_282 = vector.bitcast %sub3A_281 : vector<16xi32> to vector<16xf32>
        %mul3A_283 = arith.constant 5.000000e-01 : f32
        %mul3A_284 = vector.broadcast %mul3A_283 : f32 to vector<16xf32>
        %mul3A_285 = arith.mulf %mul3A_284, %max3A_274 : vector<16xf32>
        %mul3A_286 = arith.mulf %mul3A_285, %bitcast3A_282 : vector<16xf32>
        %mul3A_287 = arith.mulf %mul3A_286, %bitcast3A_282 : vector<16xf32>
        %sub3A_288 = arith.constant 1.500000e+00 : f32
        %sub3A_289 = vector.broadcast %sub3A_288 : f32 to vector<16xf32>
        %sub3A_290 = arith.subf %sub3A_289, %mul3A_287 : vector<16xf32>
        %mul3A_291 = arith.mulf %bitcast3A_282, %sub3A_290 : vector<16xf32>
        %mul3A_292 = arith.mulf %mul3A_285, %mul3A_291 : vector<16xf32>
        %mul3A_293 = arith.mulf %mul3A_292, %mul3A_291 : vector<16xf32>
        %sub3A_294 = arith.constant 1.500000e+00 : f32
        %sub3A_295 = vector.broadcast %sub3A_294 : f32 to vector<16xf32>
        %sub3A_296 = arith.subf %sub3A_295, %mul3A_293 : vector<16xf32>
        %mul3A_297 = arith.mulf %mul3A_291, %sub3A_296 : vector<16xf32>
        %mul3A_298 = arith.mulf %mul3A_285, %mul3A_297 : vector<16xf32>
        %mul3A_299 = arith.mulf %mul3A_298, %mul3A_297 : vector<16xf32>
        %sub3A_300 = arith.constant 1.500000e+00 : f32
        %sub3A_301 = vector.broadcast %sub3A_300 : f32 to vector<16xf32>
        %sub3A_302 = arith.subf %sub3A_301, %mul3A_299 : vector<16xf32>
        %mul3A_303 = arith.mulf %mul3A_297, %sub3A_302 : vector<16xf32>
        %mul3A_304 = arith.mulf %max3A_274, %mul3A_303 : vector<16xf32>
        %add3A_305 = arith.constant 1.000000e+00 : f32
        %add3A_306 = vector.broadcast %add3A_305 : f32 to vector<16xf32>
        %add3A_307 = arith.addf %add3A_306, %mul3A_271 : vector<16xf32>
        %sub3A_308 = arith.subf %add3A_307, %mul3A_304 : vector<16xf32>
        %max3A_309 = arith.constant 0.000000e+00 : f32
        %max3A_310 = vector.broadcast %max3A_309 : f32 to vector<16xf32>
        %max3A_311 = arith.maximumf %sub3A_308, %max3A_310 : vector<16xf32>
        %add3A_312 = arith.addf %scan3A_165, %max3A_311 : vector<16xf32>
        %add3A_313 = arith.addf %mul3A_271, %mul3A_304 : vector<16xf32>
        %mul3A_314 = arith.constant 1.000000e-03 : f32
        %mul3A_315 = vector.broadcast %mul3A_314 : f32 to vector<16xf32>
        %mul3A_316 = arith.mulf %mul3A_315, %add3A_313 : vector<16xf32>
        %add3A_317 = arith.addf %add3A_312, %mul3A_316 : vector<16xf32>
        scf.yield %add3A_317 : vector<16xf32>
      }
      %scan3A_157 = arith.constant 8 : i32
      %get3A_158 = arith.constant 0 : index
      %get3A_159 = tpu.vector_load %arg14[%get3A_158] {strides = array<i32>} : memref<16xf32, #tpu.memory_space<vmem>>, vector<16xf32>,
      %add3A_160 = arith.addf %get3A_159, %scan3A_156 : vector<16xf32>
      %swap3A_161 = arith.constant 0 : index
      %swap3A_162 = tpu.vector_load %arg14[%swap3A_161] {strides = array<i32>} : memref<16xf32, #tpu.memory_space<vmem>>, vector<16xf32>,
      tpu.vector_store %arg14[%swap3A_161], %add3A_160 {strides = array<i32>} : memref<16xf32, #tpu.memory_space<vmem>>, vector<16xf32>,
      %scan3A_163 = arith.constant 0 : i32
      scf.yield %scan3A_163 : i32
    }
    %scan3A_35 = arith.constant 2 : i32
    %mul3A_36 = arith.constant 16 : i32
    %mul3A_37 = arith.muli %add3A, %mul3A_36 : i32
    "tpu.region"() ({
      %run_scoped3A = tpu.sem_alloc : memref<!tpu.dma_semaphore, #tpu.memory_space<semaphore_mem>>
      %dma_start3A_38 = tpu.memref_slice %arg12[%mul3A_37] : memref<512xf32, #tpu.memory_space<hbm>> -> memref<16xf32, #tpu.memory_space<hbm>>
      %dma_start3A_39 = tpu.memref_slice %arg12[%mul3A_37] : memref<512xf32, #tpu.memory_space<hbm>> -> memref<16xf32, #tpu.memory_space<hbm>>
      tpu.enqueue_dma source(%arg14 : memref<16xf32, #tpu.memory_space<vmem>>) target(%dma_start3A_39 : memref<16xf32, #tpu.memory_space<hbm>>) target_semaphore(%run_scoped3A : memref<!tpu.dma_semaphore, #tpu.memory_space<semaphore_mem>>)
      %dma_wait3A = tpu.memref_slice %arg12[%mul3A_37] : memref<512xf32, #tpu.memory_space<hbm>> -> memref<16xf32, #tpu.memory_space<hbm>>
      %dma_wait3A_40 = tpu.memref_slice %arg12[%mul3A_37] : memref<512xf32, #tpu.memory_space<hbm>> -> memref<16xf32, #tpu.memory_space<hbm>>
      tpu.wait_dma2 semaphore(%run_scoped3A : memref<!tpu.dma_semaphore, #tpu.memory_space<semaphore_mem>>) src(%arg14 : memref<16xf32, #tpu.memory_space<vmem>>) dst(%dma_wait3A_40 : memref<16xf32, #tpu.memory_space<hbm>>)
      tpu.yield
    }) : () -> ()
    return
  }
}

</mosaic_0001>

<sc_bundles>
// kernel: _run.3.cloned.1.call-start
scs
__scs_entry_jumppad:
0x0: {  	(pc) =	sbr.rel $0x88, $3  }
0x1: {  	(tag) =	ssettag $0x0;
	lr =	simm.s32 $0x1  }
0x2: {  	[smem:$0x3F96] =	sst lr;
	_ =	strace $0xD0000000  }
0x3: {  	_ = 	snop  }
0x4: {  	_ = 	snop  }
0x5: {  	_ = 	snop  }
0x6: {  	_ = 	snop  }
0x7: {  	_ = 	snop  }
__scs_overlays_trampoline_lowered:
0x8: {  	[smem:$0x3FA5] =	sst s0  }
0x9: {  	[smem:$0x3FA6] =	sst s1  }
0xa: {  	[smem:$0x3FA7] =	sst s2  }
0xb: {  	[smem:$0x3FA8] =	sst s3  }
0xc: {  	[smem:$0x3FA9] =	sst s4  }
0xd: {  	[smem:$0x3FAA] =	sst s5  }
0xe: {  	[smem:$0x3FAB] =	sst s6  }
0xf: {  	[smem:$0x3FAC] =	sst s7  }
0x10: {  	[smem:$0x3FAD] =	sst s8  }
0x11: {  	[smem:$0x3FAE] =	sst s9;
	s0 =	simm.s32 @!p0 $0x0  }
0x12: {  	s1 =	sld [smem:$0x3F94];
	s0 =	simm.s32 @p0 $0x1  }
0x13: {  	[smem:$0x3FAF] =	sst s0;
	s0 =	simm.s32 @!p1 $0x0  }
0x14: {  	s2 =	sld [smem:$0x3F93];
	s0 =	simm.s32 @p1 $0x1  }
0x15: {  	[smem:$0x3FB0] =	sst s0;
	s0 =	simm.s32 @!p2 $0x0  }
0x16: {  	s3 =	sld [smem:$0x3FDB];
	s0 =	simm.s32 @p2 $0x1  }
0x17: {  	s4 =	simm.s32 $0x1BF5;
	[smem:$0x3FB2] =	sst s0  }
0x18: {  	s0 =	sld [smem:$0x3F95];
	_ =	swait.ge [sflag:s4], $0x0  }
0x19: {  	s7 =	sld [smem:$0x3F96]  }
0x1a: {  	s8 =	sadd.s32 $0xFFFFE003, lr  }
0x1b: {  	s9 =	sadd.s32 $0xFFFFFEF7, lr;
	s5 =	simm.s32 $0xFFFFFFFF;
	p2 =	slt.u32 s8, $0xFFFFF086  }
0x1c: {  	p1 =	slt.u32 s9, $0xF7A;
	s5 =	simm.s32 @!p2 $0x0  }
0x1d: {  	s5 =	simm.s32 @p1 $0x1;
	p0 =	seq.s32 s7, s2  }
0x1e: {  	s7 =	smul.u32 @!p0 $0xF7A, s2;
	p2 =	seq.s32 @!p0 s5, $0x0  }
0x1f: {  	s9 =	smul.u32 $0xF7A, s1;
	s8 =	simm.s32 @!p0 $0x1BF5;
	p2 =	por !p2, p0  }
0x20: {  	[sflag:s8] =	ssyncset.s32 @!p0 $0xFFFFF086;
	s6 =	sadd.s32 @!p0 s3, s7;
	s7 =	simm.s32 @!p0 $0x108  }
0x21: {  	s3 =	sadd.s32 s3, s9;
	s6 =	sadd.s32 @!p0 $0x88, s6;
	s7 =	simm.s32 @p2 $0x1082  }
0x22: {  	[simem:s7], [sflag:s8] =	dma.local @!p0 [hbm:s6], $0xF7A  }
0x23: {  	s9 =	sor.u32 $0xD0000000, s2;
	s6 =	simm.s32 $0x108;
	_ =	swait.ge @!p0 [sflag:s8], $0x0  }
0x24: {  	s3 =	sadd.s32 $0x88, s3;
	s6 =	simm.s32 @!p1 $0x1082;
	[sflag:s4] =	ssyncset.s32 $0xFFFFF086  }
0x25: {  	[simem:s6], [sflag:s4] =	dma.local [hbm:s3], $0xF7A  }
0x26: {  	[smem:$0x3F96] =	sst s1;
	(tag) =	ssettag s2;
	_ =	strace s9  }
0x27: {  	s1 =	sld [smem:$0x3FA6]  }
0x28: {  	s2 =	sld [smem:$0x3FA7]  }
0x29: {  	s4 =	sld [smem:$0x3FA9]  }
0x2a: {  	p0 =	seq.s32 s5, $0x0;
	s5 =	sld [smem:$0x3FAA]  }
0x2b: {  	s6 =	sld [smem:$0x3FAB]  }
0x2c: {  	s7 =	sld [smem:$0x3FAC]  }
0x2d: {  	s3 =	simm.s32 $0x108;
	s8 =	sld [smem:$0x3FAD]  }
0x2e: {  	s3 =	simm.s32 @!p0 $0x1082;
	s9 =	sld [smem:$0x3FAE]  }
0x2f: {  	lr =	sadd.s32 s0, s3;
	s0 =	sld [smem:$0x3FA5]  }
0x30: {  	s3 =	sld [smem:$0x3FA8]  }
0x31: {  	[smem:$0x3FB1] =	sst s10  }
0x32: {  	s10 =	sld [smem:$0x3FAF];
	_ =	sdelay $0x3  }
0x33: {  	p0 =	seq.s32 s10, $0x1;
	s10 =	sld [smem:$0x3FB1];
	_ =	sdelay $0x3  }
0x34: {  	[smem:$0x3FB1] =	sst s10  }
0x35: {  	s10 =	sld [smem:$0x3FB0];
	_ =	sdelay $0x3  }
0x36: {  	p1 =	seq.s32 s10, $0x1;
	s10 =	sld [smem:$0x3FB1];
	_ =	sdelay $0x3  }
0x37: {  	[smem:$0x3FB1] =	sst s10  }
0x38: {  	s10 =	sld [smem:$0x3FB2]  }
0x39: {  	_ = 	snop;
	(pc) =	sbr.ind lr, $3  }
0x3a: {  	_ = 	snop  }
0x3b: {  	_ = 	snop  }
0x3c: {  	p2 =	seq.s32 s10, $0x1;
	s10 =	sld [smem:$0x3FB1]  }
0x3d: {  	_ =	shalt  }
0x3e: {  	_ =	shalt  }
0x3f: {  	_ =	shalt  }
0x40: {  	_ =	shalt  }
0x41: {  	_ =	shalt  }
0x42: {  	_ =	shalt  }
0x43: {  	_ =	shalt  }
0x44: {  	_ =	shalt  }
0x45: {  	_ =	shalt  }
0x46: {  	_ =	shalt  }
0x47: {  	_ =	shalt  }
0x48: {  	_ =	shalt  }
0x49: {  	_ =	shalt  }
0x4a: {  	_ =	shalt  }
0x4b: {  	_ =	shalt  }
0x4c: {  	_ =	shalt  }
0x4d: {  	_ =	shalt  }
0x4e: {  	_ =	shalt  }
0x4f: {  	_ =	shalt  }
0x50: {  	_ =	shalt  }
0x51: {  	_ =	shalt  }
0x52: {  	_ =	shalt  }
0x53: {  	_ =	shalt  }
0x54: {  	_ =	shalt  }
0x55: {  	_ =	shalt  }
0x56: {  	_ =	shalt  }
0x57: {  	_ =	shalt  }
0x58: {  	_ =	shalt  }
0x59: {  	_ =	shalt  }
0x5a: {  	_ =	shalt  }
0x5b: {  	_ =	shalt  }
0x5c: {  	_ =	shalt  }
0x5d: {  	_ =	shalt  }
0x5e: {  	_ =	shalt  }
0x5f: {  	_ =	shalt  }
0x60: {  	_ =	shalt  }
0x61: {  	_ =	shalt  }
0x62: {  	_ =	shalt  }
0x63: {  	_ =	shalt  }
0x64: {  	_ =	shalt  }
0x65: {  	_ =	shalt  }
0x66: {  	_ =	shalt  }
0x67: {  	_ =	shalt  }
0x68: {  	_ =	shalt  }
0x69: {  	_ =	shalt  }
0x6a: {  	_ =	shalt  }
0x6b: {  	_ =	shalt  }
0x6c: {  	_ =	shalt  }
0x6d: {  	_ =	shalt  }
0x6e: {  	_ =	shalt  }
0x6f: {  	_ =	shalt  }
0x70: {  	_ =	shalt  }
0x71: {  	_ =	shalt  }
0x72: {  	_ =	shalt  }
0x73: {  	_ =	shalt  }
0x74: {  	_ =	shalt  }
0x75: {  	_ =	shalt  }
0x76: {  	_ =	shalt  }
0x77: {  	_ =	shalt  }
0x78: {  	_ =	shalt  }
0x79: {  	_ =	shalt  }
0x7a: {  	_ =	shalt  }
0x7b: {  	_ =	shalt  }
0x7c: {  	_ =	shalt  }
0x7d: {  	_ =	shalt  }
0x7e: {  	_ =	shalt  }
0x7f: {  	_ =	shalt  }
0x80: {  	_ =	shalt  }
0x81: {  	_ =	shalt  }
0x82: {  	_ =	shalt  }
0x83: {  	_ =	shalt  }
0x84: {  	_ =	shalt  }
0x85: {  	_ =	shalt  }
0x86: {  	_ =	shalt  }
0x87: {  	_ =	shalt  }
.Lfunc_end0:
.L_simem_size_0:
called_computation_lowered:
.L_overlay_start_0:
0x88: {  	s2 =	sld [smem:$0x3FD9]  }
0x89: {  	s3 =	sld [smem:$0x3FFE];
	_ =	sdelay $0x1  }
0x8a: {  	s1 =	srdreg.scid  }
0x8b: {  	s0 =	sand.u32 $0x1, s1  }
0x8c: {  	s17 =	sshll.u32 s0, $0xA;
	s2 =	sadd.s32 s3, s2  }
0x8d: {  	s2 =	sadd.s32 s2, s17  }
0x8e: {  	[smem:$0x3FBD] =	sst s2  }
0x8f: {  	_ = 	snop  }
0x90: {  	s2 =	sld [smem:$0x3FC6]  }
0x91: {  	s18 =	sld [smem:$0x3FC5]  }
0x92: {  	s4 =	sld [smem:$0x3FC4]  }
0x93: {  	s5 =	sld [smem:$0x3FC3]  }
0x94: {  	s6 =	sld [smem:$0x3FC2]  }
0x95: {  	s7 =	sld [smem:$0x3FC1]  }
0x96: {  	s8 =	sld [smem:$0x3FC0]  }
0x97: {  	s9 =	sld [smem:$0x3FBF];
	(tm) =	ssettm $0x1  }
0x98: {  	s10 =	sld [smem:$0x3FFB];
	_ =	sdelay $0x3  }
0x99: {  	_ =	strace s10  }
0x9a: {  	s10 =	sld [smem:$0x3FFC];
	_ =	sdelay $0x3  }
0x9b: {  	_ =	strace s10  }
0x9c: {  	s10 =	sld [smem:$0x3FFD];
	_ =	sdelay $0x3  }
0x9d: {  	_ =	strace s10  }
0x9e: {  	_ =	strace $0x8FFFFFFF  }
0x9f: {  	s19 =	sld [smem:$0x3FDB];
	_ =	sdelay $0x1  }
0xa0: {  	s11 =	simm.s32 $_scs_section_size  }
0xa1: {  	s12 =	simm.s32 $_size__tile_overlayer_lowered;
	s13 =	simm.s32 $_tile_overlayer_lowered  }
0xa2: {  	s22 =	simm.s32 $0x1BFF;
	s21 =	sshll.u32 s13, $0x1;
	s10 =	sadd.s32 s11, s19  }
0xa3: {  	s14 =	simm.s32 $0x0;
	s20 =	sshll.u32 s12, $0x1;
	s12 =	sadd.s32 s21, s10  }
0xa4: {  	[timem:s14], [sflag:s22] =	dma.local [hbm:s12], s20  }
0xa5: {  	_ =	swait.ge [sflag:s22], s20  }
0xa6: {  	s11 =	ssub.s32 $0x0, s20;
	[sflag:s22] =	ssyncset.done $0x0  }
0xa7: {  	[sflag:s22] =	ssyncadd.s32 s11;
	_ =	sdelay $0x1  }
0xa8: {  	s23 =	simm.s32 $0x1B8B  }
0xa9: {  	_ =	swait.ge [sflag:s23], $0x1  }
0xaa: {  	[sflag:s23] =	ssyncset.done $0x0  }
0xab: {  	s25 =	simm.s32 $0x1B8E;
	s24 =	sld [smem:$0x3FFE];
	[sflag:s23] =	ssyncadd.s32 $0xFFFFFFFF  }
0xac: {  	s26 =	simm.s32 $execute0_lowered;
	[smem:$0x3FD2] =	sst s25  }
0xad: {  	s12 =	sshll.u32 s26, $0x1;
	_ =	strace $0x80000046;
	[dreg:$0x1] =	wrdreg $0xFFFFFFFF  }
0xae: {  	s28 =	simm.s32 $_size_execute0_lowered;
	s10 =	sadd.s32 s10, s12;
	[dreg:$0x0] =	wrdreg $0x0  }
0xaf: {  	s12 =	sshll.u32 s28, $0x1;
	[dreg:$0x2] =	wrdreg s10  }
0xb0: {  	[dreg:$0x3] =	wrdreg s12  }
0xb1: {  	[dreg:$0x4] =	wrdreg $0xC0  }
0xb2: {  	_ =	task [dreg:s14], $0x5FFFF  }
0xb3: {  	[dreg:$0x1] =	wrdreg $0xFFFFFFFF  }
0xb4: {  	[dreg:$0x0] =	wrdreg $0x60  }
0xb5: {  	[dreg:$0x2] =	wrdreg s24  }
0xb6: {  	[dreg:$0x3] =	wrdreg s2  }
0xb7: {  	[dreg:$0x4] =	wrdreg s18  }
0xb8: {  	[dreg:$0x5] =	wrdreg s4  }
0xb9: {  	[dreg:$0x6] =	wrdreg s5  }
0xba: {  	[dreg:$0x7] =	wrdreg s6  }
0xbb: {  	[dreg:$0x8] =	wrdreg s7  }
0xbc: {  	[dreg:$0x9] =	wrdreg s8  }
0xbd: {  	[dreg:$0xa] =	wrdreg s9  }
0xbe: {  	[dreg:$0xb] =	wrdreg $0x9  }
0xbf: {  	_ =	task.clear_ibuf [dreg:s14], $0xCFFFF;
	_ =	strace $0x90000046  }
0xc0: {  	s29 =	simm.s32 $0x9;
	_ =	strace $0x80000048  }
0xc1: {  	_ =	swait.ge [sflag:s29], $0x1  }
0xc2: {  	[sflag:s29] =	ssyncadd.s32 $0xFFFFFFFF  }
0xc3: {  	_ =	strace $0x90000048  }
0xc4: {  	_ =	sfence  }
0xc5: {  	s30 =	sld [smem:$0x0];
	_ =	sdelay $0x2  }
0xc6: {  	s31 =	sshll.u32 s1, $0xD;
	s1 =	sshrl.u32 s1, $0x2  }
0xc7: {  	s3 =	sand.u32 $0x4000, s31;
	s1 =	sadd.s32 s1, s30  }
0xc8: {  	s0 =	sor.u32 s3, s0;
	s1 =	sshll.u32 s1, $0x11  }
0xc9: {  	s0 =	sor.u32 s1, s0  }
0xca: {  	s0 =	sadd.s32 $0x8F2B, s0  }
0xcb: {  	[sflag:s0] =	ssyncadd.remote.s32 $0x1  }
0xcc: {  	_ =	sfence.sel $0xFFFF  }
0xcd: {  	[dreg:$0x0] =	wrdreg $0xFFFFFFFF;
	(pc) =	sbr.abs _section_cstart, $3  }
0xce: {  	[dreg:$0x1] =	wrdreg $0xFFFFFFFF  }
0xcf: {  	_ =	task.clear_ibuf [dreg:s14], $0x2FFFF;
	_ =	strace $0x9FFFFFFF  }
0xd0: {  	(tm) =	ssettm $0x7FFFFFFF  }
0xd1: {  	_ =	shalt  }
tec
execute0_lowered:
.L_overlay_start_1:
0x0: {  	(tag) =	ssettag $0x1  }
0x1: {  	s0 =	rddreg [dreg:$0x0]  }
0x2: {  	s6 =	rddreg [dreg:$0x1]  }
0x3: {  	s15 =	rddreg [dreg:$0x2]  }
0x4: {  	s7 =	rddreg [dreg:$0x3]  }
0x5: {  	s17 =	rddreg [dreg:$0x4]  }
0x6: {  	s16 =	rddreg [dreg:$0x5]  }
0x7: {  	s8 =	rddreg [dreg:$0x6]  }
0x8: {  	s5 =	rddreg [dreg:$0x7]  }
0x9: {  	s9 =	rddreg [dreg:$0x8];
	s10 =	simm.s32 $0x0;
	s1 =	srdreg.scid  }
0xa: {  	s2 =	stileid.u32;
	s31 =	simm.s32 $0xFF10;
	s29 =	simm.s32 $0x7D10  }
0xb: {  	s30 =	simm.s32 $0x9D10;
	s13 =	simm.s32 $0xDD10;
	[smem:$0x7FF] =	sst s10  }
0xc: {  	s1 =	sand.u32 $0x1, s1;
	s2 =	sshll.u32 s2, $0x1;
	s11 =	sadd.s32 $0x188E00, s0  }
0xd: {  	s3 =	sadd.s32 $0x2400, s0;
	_ =	strace $0x80000047;
	s2 =	sor.u32 s1, s2  }
0xe: {  	s1 =	ssub.s32 $0x2, s1;
	[dreg:$0xa] =	wrdreg s3;
	s18 =	sshll.u32 s2, $0x1  }
0xf: {  	s4 =	sshrl.u32 s1, $0x1;
	s19 =	sshll.u32 s2, $0x6;
	s20 =	sshll.u32 s2, $0x9  }
0x10: {  	s23 =	smul.u32 $0x300, s2;
	s2 =	sshll.u32 s2, $0x8;
	s12 =	sadd.s32 s15, s19  }
0x11: {  	s0 =	sadd.s32 s18, s0;
	s21 =	sadd.s32 s17, s19;
	[dreg:$0xb] =	wrdreg s12  }
0x12: {  	s1 =	ssub.s32 s1, s4;
	s22 =	sadd.s32 s16, s19;
	[dreg:$0xc] =	wrdreg s21  }
0x13: {  	s5 =	sadd.s32 s5, s19;
	s7 =	sadd.s32 s7, s19;
	[dreg:$0xd] =	wrdreg s22  }
0x14: {  	s3 =	sadd.s32 s8, s19;
	s2 =	sadd.s32 s6, s2;
	[dreg:$0xe] =	wrdreg s5  }
0x15: {  	s25 =	sor.u32 $0x100, s20;
	s28 =	sor.u32 $0x80, s20;
	[dreg:$0xf] =	wrdreg s7  }
0x16: {  	s18 =	simm.s32 $0x18A10;
	s19 =	simm.s32 $0x18A90;
	[dreg:$0x10] =	wrdreg s3  }
0x17: {  	s20 =	simm.s32 $0x18B10;
	s4 =	simm.s32 $0x1;
	[dreg:$0x12] =	wrdreg s2  }
0x18: {  	s24 =	sadd.s32 s9, s23;
	[dreg:$0x13] =	wrdreg s25;
	s0 =	sadd.s32 $0x3400, s0  }
0x19: {  	s26 =	smax.u32 s1, $0x1;
	[dreg:$0x16] =	wrdreg s28;
	s2 =	simm.s32 $0xFF90  }
0x1a: {  	s9 =	simm.s32 $0x10010;
	s12 =	simm.s32 $0xBD10;
	s22 =	simm.s32 $0x19110  }
0x1b: {  	s23 =	simm.s32 $0x10810;
	s1 =	simm.s32 $0x14810;
	[dreg:$0x11] =	wrdreg s24  }
0x1c: {  	v0 =	vlaneseq.u32;
	s3 =	simm.s32 $0x16810;
	s5 =	simm.s32 $0x2;
	[dreg:$0x14] =	wrdreg s0  }
0x1d: {  	v63 =	vor.u32 $0xFFFFFFF8, v0;
	s7 =	simm.s32 $0x0;
	s25 =	simm.s32 $0x18890;
	[dreg:$0x15] =	wrdreg s26  }
0x1e: {  	[tilespmem:$0x1FFF0] =	vst v63;
	s24 =	simm.s32 $0x3;
	s26 =	simm.s32 $0x10610;
	s0 =	simm.s32 $0x12810  }
.LBB2_1:
0x1f: {  	[dreg:$0x17] =	wrdreg s7;
	v1 =	vimm.f32 $0.0e+00  }
0x20: {  	s6 =	rddreg [dreg:$0xa];
	[tilespmem:$0x7D00] =	vst v1  }
0x21: {  	[tilespmem:s10], [sflag:$0x3] =	stream.linear.gather [hbm4b:s6+s10], $0x7D00, $0x38;
	[tilespmem:$0x19310] =	vst v63  }
0x22: {  	_ =	swait.ge [sflag:s24], $0x7D00  }
0x23: {  	[sflag:s24] =	ssyncset.done $0x0  }
0x24: {  	s7 =	simm.s32 $0xFD10;
	s8 =	rddreg [dreg:$0xb];
	[sflag:s24] =	ssyncadd.s32 $0xFFFF8300  }
0x25: {  	[tilespmem:s7], [sflag:$0x3] =	stream.linear.gather [hbm4b:s8+s10], $0x80, $0x38;
	[tilespmem:$0x19310] =	vst v63  }
0x26: {  	_ =	swait.ge [sflag:s24], $0x80  }
0x27: {  	[sflag:s24] =	ssyncset.done $0x0  }
0x28: {  	s8 =	simm.s32 $0xFD90;
	s14 =	rddreg [dreg:$0xc];
	[sflag:s24] =	ssyncadd.s32 $0xFFFFFF80  }
0x29: {  	[tilespmem:s8], [sflag:$0x3] =	stream.linear.gather [hbm4b:s14+s10], $0x80, $0x38;
	[tilespmem:$0x19310] =	vst v63  }
0x2a: {  	_ =	swait.ge [sflag:s24], $0x80  }
0x2b: {  	[sflag:s24] =	ssyncset.done $0x0  }
0x2c: {  	s14 =	simm.s32 $0xFE10;
	s21 =	rddreg [dreg:$0xd];
	[sflag:s24] =	ssyncadd.s32 $0xFFFFFF80  }
0x2d: {  	[tilespmem:s14], [sflag:$0x3] =	stream.linear.gather [hbm4b:s21+s10], $0x80, $0x38;
	[tilespmem:$0x19310] =	vst v63  }
0x2e: {  	_ =	swait.ge [sflag:s24], $0x80  }
0x2f: {  	[sflag:s24] =	ssyncset.done $0x0  }
0x30: {  	s21 =	simm.s32 $0xFE90;
	s28 =	rddreg [dreg:$0xe];
	[sflag:s24] =	ssyncadd.s32 $0xFFFFFF80  }
0x31: {  	[tilespmem:s21], [sflag:$0x3] =	stream.linear.gather [hbm4b:s28+s10], $0x80, $0x38;
	[tilespmem:$0x19310] =	vst v63  }
0x32: {  	_ =	swait.ge [sflag:s24], $0x80  }
0x33: {  	[sflag:s24] =	ssyncset.done $0x0  }
0x34: {  	s28 =	rddreg [dreg:$0xf];
	[sflag:s24] =	ssyncadd.s32 $0xFFFFFF80  }
0x35: {  	[tilespmem:s31], [sflag:$0x1] =	stream.linear.gather [hbm4b:s28+s10], $0x80, $0x38;
	[tilespmem:$0x19310] =	vst v63  }
0x36: {  	s24 =	rddreg [dreg:$0x10]  }
0x37: {  	[tilespmem:s2], [sflag:$0x1] =	stream.linear.gather [hbm4b:s24+s10], $0x80, $0x38;
	[tilespmem:$0x19310] =	vst v63  }
0x38: {  	s28 =	rddreg [dreg:$0x11]  }
0x39: {  	[tilespmem:s9], [sflag:$0x1] =	stream.linear.gather [hbm4b:s28+s10], $0x600, $0x38;
	[tilespmem:$0x19310] =	vst v63  }
0x3a: {  	s24 =	rddreg [dreg:$0x12]  }
0x3b: {  	[tilespmem:s26], [sflag:$0x1] =	stream.linear.gather [hbm4b:s24+s10], $0x200, $0x38;
	[tilespmem:$0x19310] =	vst v63  }
0x3c: {  	s28 =	simm.s32 $0x80  }
0x3d: {  	[tilespmem:s29], [sflag:$0x1] =	stream.indirect.gather [hbm4b:s11+s28], $0x40, s7, s28, $0xb8;
	[tilespmem:$0x19310] =	vst v63  }
0x3e: {  	_ = 	snop  }
0x3f: {  	[tilespmem:s30], [sflag:$0x1] =	stream.indirect.gather [hbm4b:s11+s28], $0x40, s8, s28, $0xb8;
	[tilespmem:$0x19310] =	vst v63  }
0x40: {  	_ = 	snop  }
0x41: {  	[tilespmem:s12], [sflag:$0x1] =	stream.indirect.gather [hbm4b:s11+s28], $0x40, s14, s28, $0xb8;
	[tilespmem:$0x19310] =	vst v63  }
0x42: {  	p2 =	por $0x1, $0x1;
	p1 =	por $0x0, $0x0;
	s6 =	simm.s32 $0x0  }
0x43: {  	[tilespmem:s13], [sflag:$0x1] =	stream.indirect.gather [hbm4b:s11+s28], $0x40, s21, s28, $0xb8;
	[tilespmem:$0x19310] =	vst v63  }
.LBB2_2:
0x44: {  	s7 =	rddreg [dreg:$0x16]  }
0x45: {  	[dreg:$0x18] =	wrdreg s6;
	s8 =	sor.u32 s7, s6  }
0x46: {  	s28 =	simm.s32 $0x18810;
	s7 =	simm.s32 $0x0;
	s21 =	sshrl.u32 s8, $0x3  }
0x47: {  	s6 =	smov.u32 s11;
	s11 =	simm.s32 $0x3;
	s24 =	sadd.s32 s15, s21  }
0x48: {  	[tilespmem:s28], [sflag:$0x3] =	stream.linear.gather [hbm4b:s24+s7], $0x80, $0x38;
	[tilespmem:$0x19310] =	vst v63  }
0x49: {  	_ =	swait.ge [sflag:s11], $0x80  }
0x4a: {  	[sflag:s11] =	ssyncset.done $0x0  }
0x4b: {  	s14 =	sadd.s32 s17, s21;
	[sflag:s11] =	ssyncadd.s32 $0xFFFFFF80  }
0x4c: {  	[tilespmem:s25], [sflag:$0x3] =	stream.linear.gather [hbm4b:s14+s7], $0x80, $0x38;
	[tilespmem:$0x19310] =	vst v63  }
0x4d: {  	_ =	swait.ge [sflag:s11], $0x80  }
0x4e: {  	[sflag:s11] =	ssyncset.done $0x0  }
0x4f: {  	s16 =	sadd.s32 s16, s21;
	s17 =	simm.s32 $0x18910;
	[sflag:s11] =	ssyncadd.s32 $0xFFFFFF80  }
0x50: {  	[tilespmem:s17], [sflag:$0x3] =	stream.linear.gather [hbm4b:s16+s7], $0x80, $0x38;
	[tilespmem:$0x19310] =	vst v63  }
0x51: {  	_ =	swait.ge [sflag:s11], $0x80  }
0x52: {  	[sflag:s11] =	ssyncset.done $0x0  }
0x53: {  	[sflag:s11] =	ssyncadd.s32 $0xFFFFFF80  }
0x54: {  	s14 =	rddreg [dreg:$0x7]  }
0x55: {  	s16 =	simm.s32 $0x18990;
	s14 =	sadd.s32 s14, s21  }
0x56: {  	[tilespmem:s16], [sflag:$0x3] =	stream.linear.gather [hbm4b:s14+s7], $0x80, $0x38;
	[tilespmem:$0x19310] =	vst v63  }
0x57: {  	_ =	swait.ge [sflag:s11], $0x80  }
0x58: {  	[sflag:s11] =	ssyncset.done $0x0  }
0x59: {  	[sflag:s11] =	ssyncadd.s32 $0xFFFFFF80  }
0x5a: {  	s24 =	rddreg [dreg:$0x3]  }
0x5b: {  	s14 =	sadd.s32 s24, s21;
	s24 =	smul.u32 $0xC, s8  }
0x5c: {  	[tilespmem:s18], [sflag:$0x2] =	stream.linear.gather [hbm4b:s14+s7], $0x80, $0x38;
	[tilespmem:$0x19310] =	vst v63  }
0x5d: {  	s14 =	rddreg [dreg:$0x6]  }
0x5e: {  	s21 =	sadd.s32 s14, s21;
	s14 =	sshrl.u32 s24, $0x3;
	s24 =	rddreg [dreg:$0x8]  }
0x5f: {  	[tilespmem:s19], [sflag:$0x2] =	stream.linear.gather [hbm4b:s21+s7], $0x80, $0x38;
	[tilespmem:$0x19310] =	vst v63  }
0x60: {  	s21 =	sadd.s32 s24, s14  }
0x61: {  	[tilespmem:s20], [sflag:$0x2] =	stream.linear.gather [hbm4b:s21+s7], $0x600, $0x38;
	[tilespmem:$0x19310] =	vst v63  }
0x62: {  	s8 =	sshrl.u32 s8, $0x1;
	s21 =	rddreg [dreg:$0x1]  }
0x63: {  	s8 =	sadd.s32 s21, s8  }
0x64: {  	[tilespmem:s22], [sflag:$0x2] =	stream.linear.gather [hbm4b:s8+s7], $0x200, $0x38;
	[tilespmem:$0x19310] =	vst v63  }
0x65: {  	s24 =	simm.s32 $0x80  }
0x66: {  	[tilespmem:s23], [sflag:$0x2] =	stream.indirect.gather [hbm4b:s6+s24], $0x40, s28, s24, $0xb8;
	[tilespmem:$0x19310] =	vst v63  }
0x67: {  	_ = 	snop  }
0x68: {  	[tilespmem:s0], [sflag:$0x2] =	stream.indirect.gather [hbm4b:s6+s24], $0x40, s25, s24, $0xb8;
	[tilespmem:$0x19310] =	vst v63  }
0x69: {  	_ = 	snop  }
0x6a: {  	[tilespmem:s1], [sflag:$0x2] =	stream.indirect.gather [hbm4b:s6+s24], $0x40, s17, s24, $0xb8;
	[tilespmem:$0x19310] =	vst v63  }
0x6b: {  	_ = 	snop  }
0x6c: {  	[tilespmem:s3], [sflag:$0x2] =	stream.indirect.gather [hbm4b:s6+s24], $0x40, s16, s24, $0xb8;
	[tilespmem:$0x19310] =	vst v63  }
0x6d: {  	_ =	swait.ge [sflag:s4], $0x80  }
0x6e: {  	[sflag:s4] =	ssyncset.done $0x0  }
0x6f: {  	[sflag:s4] =	ssyncadd.s32 $0xFFFFFF80  }
0x70: {  	_ =	swait.ge [sflag:s4], $0x80  }
0x71: {  	[sflag:s4] =	ssyncset.done $0x0  }
0x72: {  	[sflag:s4] =	ssyncadd.s32 $0xFFFFFF80  }
0x73: {  	_ =	swait.ge [sflag:s4], $0x600  }
0x74: {  	[sflag:s4] =	ssyncset.done $0x0  }
0x75: {  	[sflag:s4] =	ssyncadd.s32 $0xFFFFFA00  }
0x76: {  	_ =	swait.ge [sflag:s4], $0x200  }
0x77: {  	[sflag:s4] =	ssyncset.done $0x0  }
0x78: {  	[sflag:s4] =	ssyncadd.s32 $0xFFFFFE00  }
0x79: {  	_ =	swait.ge [sflag:s4], $0x2000  }
0x7a: {  	[sflag:s4] =	ssyncset.done $0x0  }
0x7b: {  	[sflag:s4] =	ssyncadd.s32 $0xFFFFE000  }
0x7c: {  	_ =	swait.ge [sflag:s4], $0x2000  }
0x7d: {  	[sflag:s4] =	ssyncset.done $0x0  }
0x7e: {  	[sflag:s4] =	ssyncadd.s32 $0xFFFFE000  }
0x7f: {  	_ =	swait.ge [sflag:s4], $0x2000  }
0x80: {  	[sflag:s4] =	ssyncset.done $0x0  }
0x81: {  	[sflag:s4] =	ssyncadd.s32 $0xFFFFE000  }
0x82: {  	_ =	swait.ge [sflag:s4], $0x2000  }
0x83: {  	p0 =	por p2, p2;
	[sflag:s4] =	ssyncset.done $0x0  }
0x84: {  	v3 =	vimm.f32 $0.0e+00;
	s11 =	smov.u32 s6;
	s8 =	simm.s32 $0x0;
	[sflag:s4] =	ssyncadd.s32 $0xFFFFE000  }
.LBB2_3:
0x85: {  	s21 =	sshll.u32 s8, $0x4  }
0x86: {  	v5 =	vor.u32 s21, v0  }
0x87: {  	v6 =	vand.u32 v63, v5  }
0x88: {  	v7 =	vmul.u32 $0xC, v5;
	_ =	sdelay $0x1  }
0x89: {  	v8 =	vor.u32 $0x1, v7  }
0x8a: {  	v9 =	vor.u32 $0x2, v7  }
0x8b: {  	v11 =	vor.u32 $0x3, v7;
	v10 =	vld.idx.msk [tilespmem:v6+s31+$0x0], $0xffff  }
0x8c: {  	v14 =	vadd.s32 $0x5, v7;
	v12 =	vld.idx.msk [tilespmem:v6+s2+$0x0], $0xffff  }
0x8d: {  	v6 =	vadd.s32 $0x4, v7;
	v13 =	vld.idx.msk [tilespmem:v7+s9+$0x0], $0xffff  }
0x8e: {  	v19 =	vadd.s32 $0x9, v7;
	v15 =	vld.idx.msk [tilespmem:v8+s9+$0x0], $0xffff  }
0x8f: {  	v20 =	vadd.s32 $0xA, v7;
	v16 =	vld.idx.msk [tilespmem:v9+s9+$0x0], $0xffff  }
0x90: {  	v21 =	vshll.u32 v5, $0x2;
	v8 =	vadd.s32 $0x6, v7;
	v18 =	vld.idx.msk [tilespmem:v11+s9+$0x0], $0xffff  }
0x91: {  	s28 =	simm.s32 $0x1;
	v5 =	vshll.u32 v5, $0x6;
	v17 =	vand.u32 $0x7FC, v7;
	v9 =	vadd.s32 $0x7, v7;
	v14 =	vld.idx.msk [tilespmem:v14+s9+$0x0], $0xffff  }
0x92: {  	v23 =	vadd.s32 s28, v0;
	v11 =	vadd.s32 $0x8, v17;
	v17 =	vld.idx.msk [tilespmem:v6+s9+$0x0], $0xffff;
	v6 =	vor.u32 $0x20, v5  }
0x93: {  	v19 =	vld.idx.msk [tilespmem:v19+s9+$0x0], $0xffff;
	v26 =	vor.u32 v23, v6  }
0x94: {  	v20 =	vld.idx.msk [tilespmem:v20+s9+$0x0], $0xffff  }
0x95: {  	v22 =	vld.idx.msk [tilespmem:v8+s9+$0x0], $0xffff  }
0x96: {  	v23 =	vand.u32 $0x1F, v23;
	v8 =	vadd.s32 $0xB, v7;
	v24 =	vld.idx.msk [tilespmem:v9+s9+$0x0], $0xffff  }
0x97: {  	v27 =	vld.idx.msk [tilespmem:v11+s9+$0x0], $0xffff;
	v29 =	vor.u32 v5, v23  }
0x98: {  	v25 =	vld.idx.msk [tilespmem:v26+s30+$0x0], $0xffff  }
0x99: {  	v34 =	vld.idx.msk [tilespmem:v26+s29+$0x0], $0xffff  }
0x9a: {  	v7 =	vshll.u32 v13, $0x5;
	v9 =	vshll.u32 v10, $0x5;
	v53 =	vld.idx.msk [tilespmem:v26+s12+$0x0], $0xffff  }
0x9b: {  	v10 =	vshll.u32 v12, $0x5;
	v11 =	vshll.u32 v15, $0x5;
	v28 =	vor.u32 v7, v23;
	v31 =	vld.idx.msk [tilespmem:v8+s9+$0x0], $0xffff  }
0x9c: {  	v12 =	vshll.u32 v16, $0x5;
	v13 =	vshll.u32 v18, $0x5;
	v35 =	vor.u32 v11, v23;
	v36 =	vld.idx.msk [tilespmem:v29+s13+$0x0], $0xffff  }
0x9d: {  	v18 =	vshll.u32 v19, $0x5;
	v39 =	vor.u32 v9, v23;
	v16 =	vshll.u32 v24, $0x5;
	v24 =	vld.idx.msk [tilespmem:v29+s30+$0x0], $0xffff  }
0x9e: {  	v4 =	vor.u32 $0x1, v21;
	v19 =	vshll.u32 v20, $0x5;
	v43 =	vor.u32 v18, v23;
	v40 =	vld.idx.msk [tilespmem:v29+s29+$0x0], $0xffff  }
0x9f: {  	v30 =	vor.u32 $0x2, v21;
	v32 =	vor.u32 $0x3, v21;
	v44 =	vor.u32 v19, v23;
	v29 =	vld.idx.msk [tilespmem:v29+s12+$0x0], $0xffff  }
0xa0: {  	v8 =	vshll.u32 v14, $0x5;
	v15 =	vshll.u32 v22, $0x5;
	v22 =	vor.u32 v12, v23;
	v28 =	vld.idx.msk [tilespmem:v28+s10+$0x0], $0xffff  }
0xa1: {  	v45 =	vor.u32 v10, v23;
	v14 =	vshll.u32 v17, $0x5;
	v33 =	vor.u32 v8, v23;
	v35 =	vld.idx.msk [tilespmem:v35+s10+$0x0], $0xffff  }
0xa2: {  	v17 =	vshll.u32 v27, $0x5;
	v27 =	vor.u32 v14, v23;
	v38 =	vor.u32 v15, v23;
	v39 =	vld.idx.msk [tilespmem:v39+s10+$0x0], $0xffff  }
0xa3: {  	v41 =	vor.u32 v16, v23;
	v42 =	vor.u32 v17, v23;
	v43 =	vld.idx.msk [tilespmem:v43+s10+$0x0], $0xffff;
	v46 =	vshll.u32 v25, $0x10  }
0xa4: {  	v44 =	vld.idx.msk [tilespmem:v44+s10+$0x0], $0xffff;
	v20 =	vshll.u32 v31, $0x5;
	v31 =	vor.u32 v13, v23;
	v48 =	vshll.u32 v36, $0x10  }
0xa5: {  	v22 =	vld.idx.msk [tilespmem:v22+s10+$0x0], $0xffff;
	v36 =	vand.u32 $0xFFFF0000, v36;
	v51 =	vshll.u32 v40, $0x10;
	v40 =	vand.u32 $0xFFFF0000, v40  }
0xa6: {  	v33 =	vld.idx.msk [tilespmem:v33+s10+$0x0], $0xffff;
	v37 =	vor.u32 v20, v23;
	v23 =	vand.u32 $0xFFFF0000, v34;
	v47 =	vshll.u32 v28, $0x10  }
0xa7: {  	v27 =	vld.idx.msk [tilespmem:v27+s10+$0x0], $0xffff;
	v34 =	vshll.u32 v34, $0x10;
	v28 =	vand.u32 $0xFFFF0000, v28;
	v52 =	vshll.u32 v35, $0x10  }
0xa8: {  	v41 =	vld.idx.msk [tilespmem:v41+s10+$0x0], $0xffff;
	v35 =	vand.u32 $0xFFFF0000, v35;
	v54 =	vshll.u32 v39, $0x10;
	v59 =	vshll.u32 v43, $0x10  }
0xa9: {  	v42 =	vld.idx.msk [tilespmem:v42+s10+$0x0], $0xffff;
	v60 =	vshll.u32 v44, $0x10;
	v39 =	vand.u32 $0xFFFF0000, v39;
	v34 =	vmul.f32 v34, v51  }
0xaa: {  	v61 =	vld.idx.msk [tilespmem:v38+s10+$0x0], $0xffff;
	v47 =	vadd.f32 v52, v47;
	v28 =	vadd.f32 v35, v28;
	v38 =	vmul.f32 v23, v40  }
0xab: {  	v40 =	vadd.f32 v60, v59;
	v59 =	vshll.u32 v29, $0x10;
	v60 =	vshll.u32 v53, $0x10;
	v31 =	vld.idx.msk [tilespmem:v31+s10+$0x0], $0xffff  }
0xac: {  	v21 =	vld.idx.msk [tilespmem:v21+s26+$0x0], $0xffff;
	v29 =	vand.u32 $0xFFFF0000, v29;
	v38 =	vadd.f32 v39, v38;
	v23 =	vshll.u32 v22, $0x10  }
0xad: {  	v22 =	vand.u32 $0xFFFF0000, v22;
	v50 =	vshll.u32 v33, $0x10;
	v62 =	vshll.u32 v27, $0x10  }
0xae: {  	v26 =	vld.idx.msk [tilespmem:v26+s13+$0x0], $0xffff;
	v27 =	vand.u32 $0xFFFF0000, v27;
	v47 =	vadd.f32 v23, v47;
	v28 =	vadd.f32 v22, v28  }
0xaf: {  	v22 =	vand.u32 $0xFFFF0000, v33;
	v55 =	vand.u32 $0xFFFF0000, v41;
	v56 =	vshll.u32 v41, $0x10  }
0xb0: {  	v4 =	vld.idx.msk [tilespmem:v4+s26+$0x0], $0xffff;
	v57 =	vand.u32 $0xFFFF0000, v61;
	v58 =	vshll.u32 v42, $0x10;
	v63 =	vand.u32 $0xFFFF0000, v31  }
0xb1: {  	v33 =	vadd.f32 v55, v57;
	v52 =	vmul.f32 v47, v21;
	v27 =	vadd.f32 v27, v63  }
0xb2: {  	v28 =	vmul.f32 v28, v21;
	v23 =	vshll.u32 v31, $0x10;
	v31 =	vld.idx.msk [tilespmem:v37+s10+$0x0], $0xffff;
	v37 =	vadd.f32 v54, v34  }
0xb3: {  	v54 =	vand.u32 $0xFFFF0000, v42;
	v42 =	vand.u32 $0xFFFF0000, v26;
	v27 =	vadd.f32 v22, v27  }
0xb4: {  	v26 =	vshll.u32 v26, $0x10;
	v23 =	vadd.f32 v62, v23;
	v63 =	vand.u32 $0xFFFF0000, v43  }
0xb5: {  	v57 =	vld.idx.msk [tilespmem:v45+s10+$0x0], $0xffff;
	v33 =	vadd.f32 v54, v33;
	v26 =	vmul.f32 v26, v48;
	v27 =	vmul.f32 v27, v4  }
0xb6: {  	v36 =	vmul.f32 v42, v36;
	v22 =	vld.idx.msk [tilespmem:v30+s26+$0x0], $0xffff;
	v30 =	vshll.u32 v61, $0x10;
	v62 =	vadd.f32 v50, v23  }
0xb7: {  	v50 =	vand.u32 $0xFFFF0000, v44;
	v27 =	vadd.f32 v27, v28;
	v28 =	vadd.s32 s7, v0  }
0xb8: {  	v23 =	vld.idx.msk [tilespmem:v32+s26+$0x0], $0xffff;
	v30 =	vadd.f32 v56, v30;
	v32 =	vadd.f32 v50, v63;
	v41 =	vor.u32 v28, v6  }
0xb9: {  	v61 =	vshll.u32 v31, $0x10;
	v35 =	vmul.f32 v62, v4;
	v31 =	vand.u32 $0xFFFF0000, v31  }
0xba: {  	v62 =	vshll.u32 v57, $0x10;
	v30 =	vadd.f32 v58, v30;
	v31 =	vadd.f32 v31, v32  }
0xbb: {  	v56 =	vadd.f32 v61, v40;
	v55 =	vadd.f32 v35, v52;
	v28 =	vand.u32 $0x1F, v28  }
0xbc: {  	v30 =	vmul.f32 v30, v22;
	v33 =	vmul.f32 v33, v22;
	v35 =	vor.u32 v5, v28  }
0xbd: {  	v61 =	vand.u32 $0xFFFF0000, v53;
	v31 =	vmul.f32 v31, v23;
	v63 =	vor.u32 v10, v28;
	v45 =	vld.idx.msk [tilespmem:v41+s30+$0x0], $0xffff  }
0xbe: {  	v58 =	vmul.f32 v56, v23;
	v30 =	vadd.f32 v30, v55;
	v27 =	vadd.f32 v33, v27;
	v50 =	vld.idx.msk [tilespmem:v41+s29+$0x0], $0xffff  }
0xbf: {  	v32 =	vand.u32 $0xFFFF0000, v57;
	v29 =	vmul.f32 v61, v29;
	v47 =	vor.u32 v7, v28;
	v53 =	vld.idx.msk [tilespmem:v41+s12+$0x0], $0xffff  }
0xc0: {  	v43 =	vadd.f32 v58, v30;
	v30 =	vmul.f32 v60, v59;
	v27 =	vadd.f32 v31, v27;
	v31 =	vld.idx.msk [tilespmem:v41+s13+$0x0], $0xffff  }
0xc1: {  	v48 =	vor.u32 v11, v28;
	v51 =	vor.u32 v14, v28;
	v52 =	vor.u32 v8, v28;
	v56 =	vld.idx.msk [tilespmem:v35+s30+$0x0], $0xffff  }
0xc2: {  	v54 =	vor.u32 v12, v28;
	v57 =	vor.u32 v13, v28;
	v40 =	vadd.f32 v62, v30;
	v30 =	vld.idx.msk [tilespmem:v63+s10+$0x0], $0xffff  }
0xc3: {  	v61 =	vor.u32 v19, v28;
	v29 =	vadd.f32 v32, v29;
	v33 =	vor.u32 v17, v28;
	v63 =	vld.idx.msk [tilespmem:v35+s29+$0x0], $0xffff  }
0xc4: {  	v55 =	vor.u32 v16, v28;
	v60 =	vor.u32 v9, v28;
	v58 =	vor.u32 v18, v28;
	v59 =	vld.idx.msk [tilespmem:v47+s10+$0x0], $0xffff  }
0xc5: {  	v41 =	vor.u32 v20, v28;
	v62 =	vor.u32 v15, v28;
	v28 =	vsub.f32 v29, v36;
	v36 =	vld.idx.msk [tilespmem:v35+s13+$0x0], $0xffff  }
0xc6: {  	v25 =	vand.u32 $0xFFFF0000, v25;
	v49 =	vshll.u32 v24, $0x10;
	v24 =	vand.u32 $0xFFFF0000, v24;
	v44 =	vld.idx.msk [tilespmem:v52+s10+$0x0], $0xffff  }
0xc7: {  	v24 =	vmul.f32 v25, v24;
	v38 =	vadd.f32 v27, v38;
	v57 =	vld.idx.msk [tilespmem:v57+s10+$0x0], $0xffff  }
0xc8: {  	v25 =	vadd.f32 v43, v37;
	v52 =	vld.idx.msk [tilespmem:v33+s10+$0x0], $0xffff;
	v27 =	vsub.f32 v40, v26;
	v26 =	vmul.f32 v46, v49  }
0xc9: {  	v55 =	vld.idx.msk [tilespmem:v55+s10+$0x0], $0xffff;
	v24 =	vsub.f32 v38, v24  }
0xca: {  	v38 =	vld.idx.msk [tilespmem:v35+s12+$0x0], $0xffff;
	v25 =	vsub.f32 v25, v26;
	v26 =	vshll.u32 v50, $0x10;
	v29 =	vand.u32 $0xFFFF0000, v50  }
0xcb: {  	v34 =	vld.idx.msk [tilespmem:v60+s10+$0x0], $0xffff;
	v42 =	vshll.u32 v53, $0x10;
	v24 =	vmul.f32 v24, v24;
	v43 =	vand.u32 $0xFFFF0000, v53  }
0xcc: {  	v60 =	vld.idx.msk [tilespmem:v61+s10+$0x0], $0xffff;
	v49 =	vshll.u32 v45, $0x10;
	v61 =	vshll.u32 v63, $0x10;
	v32 =	vand.u32 $0xFFFF0000, v63  }
0xcd: {  	v33 =	vand.u32 $0xFFFF0000, v56;
	v53 =	vand.u32 $0xFFFF0000, v59;
	v35 =	vmul.f32 v26, v61  }
0xce: {  	v46 =	vld.idx.msk [tilespmem:v58+s10+$0x0], $0xffff;
	v39 =	vmul.f32 v29, v32;
	v32 =	vand.u32 $0xFFFF0000, v45;
	v29 =	vmul.f32 v25, v25  }
0xcf: {  	v26 =	vld.idx.msk [tilespmem:v62+s10+$0x0], $0xffff;
	v25 =	vshll.u32 v36, $0x10;
	v45 =	vshll.u32 v59, $0x10;
	v62 =	vshll.u32 v31, $0x10  }
0xd0: {  	v48 =	vld.idx.msk [tilespmem:v48+s10+$0x0], $0xffff;
	v59 =	vshll.u32 v30, $0x10;
	v40 =	vshll.u32 v52, $0x10;
	v63 =	vand.u32 $0xFFFF0000, v55  }
0xd1: {  	v47 =	vand.u32 $0xFFFF0000, v38;
	v25 =	vmul.f32 v62, v25;
	v62 =	vshll.u32 v57, $0x10  }
0xd2: {  	v54 =	vld.idx.msk [tilespmem:v54+s10+$0x0], $0xffff;
	v57 =	vand.u32 $0xFFFF0000, v57;
	v58 =	vand.u32 $0xFFFF0000, v34;
	v50 =	vshll.u32 v60, $0x10  }
0xd3: {  	v60 =	vand.u32 $0xFFFF0000, v60;
	v37 =	vmul.f32 v43, v47;
	v43 =	vshll.u32 v38, $0x10;
	v47 =	vld.idx.msk [tilespmem:v51+s10+$0x0], $0xffff  }
0xd4: {  	v38 =	vand.u32 $0xFFFF0000, v36;
	v51 =	vld.idx.msk [tilespmem:v41+s10+$0x0], $0xffff;
	v41 =	vshll.u32 v46, $0x10;
	v42 =	vmul.f32 v42, v43  }
0xd5: {  	v36 =	vadd.f32 v58, v39;
	v39 =	vshll.u32 v56, $0x10;
	v56 =	vshll.u32 v48, $0x10  }
0xd6: {  	v58 =	vshll.u32 v44, $0x10;
	v43 =	vadd.f32 v50, v41;
	v56 =	vadd.f32 v56, v45  }
0xd7: {  	v45 =	vand.u32 $0xFFFF0000, v54;
	v54 =	vshll.u32 v54, $0x10;
	v39 =	vmul.f32 v49, v39  }
0xd8: {  	v61 =	vshll.u32 v26, $0x10;
	v26 =	vand.u32 $0xFFFF0000, v26;
	v59 =	vadd.f32 v59, v42  }
0xd9: {  	v42 =	vand.u32 $0xFFFF0000, v46;
	v46 =	vand.u32 $0xFFFF0000, v44;
	v26 =	vadd.f32 v63, v26  }
0xda: {  	v41 =	vadd.f32 v60, v42;
	v63 =	vand.u32 $0xFFFF0000, v52;
	v50 =	vshll.u32 v47, $0x10  }
0xdb: {  	v42 =	vand.u32 $0xFFFF0000, v51;
	v60 =	vand.u32 $0xFFFF0000, v47;
	v44 =	vadd.f32 v50, v62  }
0xdc: {  	v50 =	vand.u32 $0xFFFF0000, v48;
	v62 =	vshll.u32 v55, $0x10;
	v49 =	vadd.f32 v63, v26  }
0xdd: {  	v47 =	vadd.f32 v50, v53;
	v50 =	vshll.u32 v51, $0x10;
	v51 =	vadd.f32 v60, v57  }
0xde: {  	v26 =	vimm.f32 $0.0e+00;
	v52 =	vadd.f32 v62, v61;
	v53 =	vadd.f32 v54, v56  }
0xdf: {  	s21 =	simm.s32 $0x2;
	v48 =	vadd.f32 v58, v44;
	v44 =	vsub.f32 v59, v25;
	v25 =	vimm.f32 $0.0e+00  }
.LBB2_4:
0xe0: {  	p2 =	slt.u32 s21, $0x1E;
	v54 =	vshll.u32 v34, $0x10;
	v43 =	vadd.f32 v50, v43;
	v34 =	vadd.f32 v46, v51;
	s24 =	smov.u32 s21;
	s21 =	sadd.s32 $0x2, s21  }
0xe1: {  	v40 =	vadd.f32 v40, v52;
	v48 =	vmul.f32 v48, v4;
	v46 =	vmul.f32 v53, v21  }
0xe2: {  	v31 =	vand.u32 $0xFFFF0000, v31;
	v30 =	vand.u32 $0xFFFF0000, v30;
	v50 =	vmul.f32 v34, v4  }
0xe3: {  	v34 =	vadd.f32 v42, v41;
	v41 =	vmul.f32 v49, v22;
	v46 =	vadd.f32 v48, v46  }
0xe4: {  	s14 =	sadd.s32 $0x1, s24;
	v37 =	vadd.f32 v30, v37;
	v31 =	vmul.f32 v31, v38;
	v42 =	vadd.f32 v45, v47  }
0xe5: {  	v38 =	vmul.f32 v44, v44;
	v30 =	vadd.s32 s14, v0;
	v44 =	vmul.f32 v34, v23  }
0xe6: {  	v43 =	vmul.f32 v43, v23;
	v34 =	vor.u32 v30, v6;
	v42 =	vmul.f32 v42, v21  }
0xe7: {  	v35 =	vadd.f32 v54, v35;
	v40 =	vmul.f32 v40, v22;
	v45 =	vand.u32 $0x1F, v30  }
0xe8: {  	v47 =	vor.u32 v7, v45;
	v48 =	vor.u32 v11, v45;
	v42 =	vadd.f32 v50, v42  }
0xe9: {  	v25 =	vadd.f32 v38, v25;
	v49 =	vor.u32 v5, v45;
	v50 =	vor.u32 v13, v45  }
0xea: {  	v38 =	vor.u32 v12, v45;
	v51 =	vor.u32 v14, v45;
	v52 =	vor.u32 v8, v45  }
0xeb: {  	v33 =	vmul.f32 v32, v33;
	v53 =	vor.u32 v20, v45;
	v40 =	vadd.f32 v40, v46;
	v30 =	vld.idx.msk [tilespmem:v34+s30+$0x0], $0xffff  }
0xec: {  	v54 =	vor.u32 v15, v45;
	v55 =	vor.u32 v16, v45;
	v32 =	vadd.f32 v41, v42;
	v46 =	vld.idx.msk [tilespmem:v34+s29+$0x0], $0xffff  }
0xed: {  	v31 =	vsub.f32 v37, v31;
	v40 =	vadd.f32 v43, v40;
	v42 =	vor.u32 v17, v45;
	v41 =	vld.idx.msk [tilespmem:v47+s10+$0x0], $0xffff  }
0xee: {  	v43 =	vor.u32 v18, v45;
	v44 =	vadd.f32 v44, v32;
	v47 =	vor.u32 v19, v45;
	v37 =	vld.idx.msk [tilespmem:v49+s13+$0x0], $0xffff  }
0xef: {  	v56 =	vor.u32 v9, v45;
	v31 =	vmul.f32 v31, v31;
	v35 =	vadd.f32 v40, v35;
	v32 =	vld.idx.msk [tilespmem:v49+s30+$0x0], $0xffff  }
0xf0: {  	v27 =	vmul.f32 v27, v27;
	v40 =	vor.u32 v10, v45;
	v36 =	vadd.f32 v44, v36;
	v45 =	vld.idx.msk [tilespmem:v52+s10+$0x0], $0xffff  }
0xf1: {  	v25 =	vadd.f32 v25, v31;
	v35 =	vsub.f32 v35, v39;
	v39 =	vmul.f32 v28, v28;
	v44 =	vld.idx.msk [tilespmem:v49+s29+$0x0], $0xffff  }
0xf2: {  	v33 =	vsub.f32 v36, v33;
	v28 =	vshll.u32 v30, $0x10;
	v52 =	vand.u32 $0xFFFF0000, v46;
	v48 =	vld.idx.msk [tilespmem:v48+s10+$0x0], $0xffff  }
0xf3: {  	v25 =	vadd.f32 v27, v25;
	v35 =	vmul.f32 v35, v35;
	v36 =	vshll.u32 v41, $0x10;
	v38 =	vld.idx.msk [tilespmem:v38+s10+$0x0], $0xffff  }
0xf4: {  	v27 =	vshll.u32 v37, $0x10;
	v31 =	vand.u32 $0xFFFF0000, v37;
	v37 =	vld.idx.msk [tilespmem:v51+s10+$0x0], $0xffff;
	v51 =	vmul.f32 v33, v33  }
0xf5: {  	v25 =	vadd.f32 v25, v39;
	v26 =	vadd.f32 v35, v26;
	v46 =	vshll.u32 v46, $0x10;
	v50 =	vld.idx.msk [tilespmem:v50+s10+$0x0], $0xffff  }
0xf6: {  	v35 =	vand.u32 $0xFFFF0000, v41;
	v33 =	vshll.u32 v32, $0x10;
	v41 =	vshll.u32 v45, $0x10;
	v39 =	vld.idx.msk [tilespmem:v56+s10+$0x0], $0xffff  }
0xf7: {  	v56 =	vshll.u32 v44, $0x10;
	v44 =	vand.u32 $0xFFFF0000, v44;
	v26 =	vadd.f32 v26, v51;
	v55 =	vld.idx.msk [tilespmem:v55+s10+$0x0], $0xffff  }
0xf8: {  	v51 =	vshll.u32 v48, $0x10;
	v48 =	vand.u32 $0xFFFF0000, v48;
	v46 =	vmul.f32 v46, v56;
	v42 =	vld.idx.msk [tilespmem:v42+s10+$0x0], $0xffff  }
0xf9: {  	v36 =	vadd.f32 v51, v36;
	v48 =	vadd.f32 v48, v35;
	v35 =	vmul.f32 v52, v44;
	v54 =	vld.idx.msk [tilespmem:v54+s10+$0x0], $0xffff  }
0xfa: {  	v44 =	vshll.u32 v38, $0x10;
	v51 =	vshll.u32 v37, $0x10;
	v37 =	vand.u32 $0xFFFF0000, v37;
	v43 =	vld.idx.msk [tilespmem:v43+s10+$0x0], $0xffff  }
0xfb: {  	v38 =	vand.u32 $0xFFFF0000, v38;
	v52 =	vand.u32 $0xFFFF0000, v50;
	v36 =	vadd.f32 v44, v36;
	v47 =	vld.idx.msk [tilespmem:v47+s10+$0x0], $0xffff  }
0xfc: {  	v44 =	vshll.u32 v50, $0x10;
	v38 =	vadd.f32 v38, v48;
	v37 =	vadd.f32 v37, v52;
	v50 =	vld.idx.msk [tilespmem:v53+s10+$0x0], $0xffff  }
0xfd: {  	v45 =	vand.u32 $0xFFFF0000, v45;
	v26 =	vadd.f32 v29, v26;
	v48 =	vshll.u32 v39, $0x10  }
0xfe: {  	v44 =	vadd.f32 v51, v44;
	v29 =	vand.u32 $0xFFFF0000, v55;
	v37 =	vadd.f32 v45, v37  }
0xff: {  	v51 =	vshll.u32 v55, $0x10;
	v46 =	vadd.f32 v48, v46;
	v45 =	vshll.u32 v54, $0x10  }
0x100: {  	v52 =	vshll.u32 v42, $0x10;
	v48 =	vand.u32 $0xFFFF0000, v54;
	v45 =	vadd.f32 v51, v45  }
0x101: {  	v51 =	vshll.u32 v43, $0x10;
	v37 =	vmul.f32 v37, v4;
	v53 =	vshll.u32 v47, $0x10  }
0x102: {  	v26 =	vadd.f32 v26, v24;
	v54 =	vshll.u32 v50, $0x10;
	v45 =	vadd.f32 v52, v45  }
0x103: {  	v41 =	vadd.f32 v41, v44;
	v43 =	vand.u32 $0xFFFF0000, v43;
	v47 =	vand.u32 $0xFFFF0000, v47;
	v24 =	vld.idx.msk [tilespmem:v34+s12+$0x0], $0xffff  }
0x104: {  	v36 =	vmul.f32 v36, v21;
	v43 =	vadd.f32 v47, v43;
	v45 =	vmul.f32 v45, v22;
	v44 =	vld.idx.msk [tilespmem:v49+s12+$0x0], $0xffff  }
0x105: {  	v41 =	vmul.f32 v41, v4;
	v47 =	vand.u32 $0xFFFF0000, v50;
	v49 =	vadd.f32 v53, v51;
	v34 =	vld.idx.msk [tilespmem:v34+s13+$0x0], $0xffff  }
0x106: {  	v42 =	vand.u32 $0xFFFF0000, v42;
	v29 =	vadd.f32 v29, v48;
	v43 =	vadd.f32 v47, v43  }
0x107: {  	v38 =	vmul.f32 v38, v21;
	v36 =	vadd.f32 v41, v36;
	v47 =	vadd.f32 v54, v49;
	v40 =	vld.idx.msk [tilespmem:v40+s10+$0x0], $0xffff  }
0x108: {  	v39 =	vand.u32 $0xFFFF0000, v39;
	v29 =	vadd.f32 v42, v29;
	v41 =	vmul.f32 v43, v23  }
0x109: {  	v37 =	vadd.f32 v37, v38;
	v36 =	vadd.f32 v45, v36;
	v42 =	vmul.f32 v47, v23  }
0x10a: {  	v29 =	vmul.f32 v29, v22;
	v43 =	vshll.u32 v24, $0x10;
	v38 =	vshll.u32 v44, $0x10  }
0x10b: {  	v45 =	vand.u32 $0xFFFF0000, v34;
	v36 =	vadd.f32 v42, v36;
	v38 =	vmul.f32 v43, v38  }
0x10c: {  	v24 =	vand.u32 $0xFFFF0000, v24;
	v42 =	vand.u32 $0xFFFF0000, v44;
	v34 =	vshll.u32 v34, $0x10  }
0x10d: {  	v27 =	vmul.f32 v34, v27;
	v24 =	vmul.f32 v24, v42;
	v43 =	vshll.u32 v40, $0x10  }
0x10e: {  	v34 =	vadd.s32 s24, v0;
	v40 =	vand.u32 $0xFFFF0000, v40;
	v38 =	vadd.f32 v43, v38  }
0x10f: {  	v42 =	vand.u32 $0x1F, v34;
	v34 =	vor.u32 v34, v6;
	v43 =	vand.u32 $0xFFFF0000, v30  }
0x110: {  	v30 =	vor.u32 v10, v42;
	v44 =	vor.u32 v7, v42;
	v47 =	vor.u32 v11, v42  }
0x111: {  	v48 =	vor.u32 v5, v42;
	v49 =	vor.u32 v14, v42;
	v50 =	vor.u32 v8, v42  }
0x112: {  	v51 =	vor.u32 v12, v42;
	v52 =	vor.u32 v16, v42;
	v53 =	vor.u32 v17, v42  }
0x113: {  	v54 =	vor.u32 v13, v42;
	v55 =	vor.u32 v18, v42;
	v56 =	vor.u32 v19, v42  }
0x114: {  	v58 =	vor.u32 v9, v42;
	v59 =	vor.u32 v15, v42;
	v42 =	vor.u32 v20, v42;
	v57 =	vld.idx.msk [tilespmem:v34+s30+$0x0], $0xffff  }
0x115: {  	v31 =	vmul.f32 v45, v31;
	v24 =	vadd.f32 v40, v24;
	v27 =	vsub.f32 v38, v27;
	v60 =	vld.idx.msk [tilespmem:v34+s29+$0x0], $0xffff  }
0x116: {  	v33 =	vmul.f32 v28, v33;
	v29 =	vadd.f32 v29, v37;
	v36 =	vadd.f32 v36, v46;
	v38 =	vld.idx.msk [tilespmem:v34+s12+$0x0], $0xffff  }
0x117: {  	v35 =	vadd.f32 v39, v35;
	v28 =	vsub.f32 v24, v31;
	v45 =	vld.idx.msk [tilespmem:v48+s30+$0x0], $0xffff  }
0x118: {  	v33 =	vsub.f32 v36, v33;
	v24 =	vadd.f32 v41, v29;
	v30 =	vld.idx.msk [tilespmem:v30+s10+$0x0], $0xffff  }
0x119: {  	v29 =	vand.u32 $0xFFFF0000, v32;
	v31 =	vld.idx.msk [tilespmem:v34+s13+$0x0], $0xffff  }
0x11a: {  	v29 =	vmul.f32 v43, v29;
	v24 =	vadd.f32 v24, v35;
	v32 =	vld.idx.msk [tilespmem:v48+s29+$0x0], $0xffff  }
0x11b: {  	v34 =	vld.idx.msk [tilespmem:v58+s10+$0x0], $0xffff  }
0x11c: {  	v24 =	vsub.f32 v24, v29;
	v35 =	vshll.u32 v60, $0x10;
	v36 =	vld.idx.msk [tilespmem:v44+s10+$0x0], $0xffff  }
0x11d: {  	v39 =	vld.idx.msk [tilespmem:v48+s13+$0x0], $0xffff  }
0x11e: {  	v29 =	vand.u32 $0xFFFF0000, v60;
	v40 =	vld.idx.msk [tilespmem:v48+s12+$0x0], $0xffff  }
0x11f: {  	v24 =	vmul.f32 v24, v24;
	v41 =	vshll.u32 v38, $0x10;
	v37 =	vld.idx.msk [tilespmem:v56+s10+$0x0], $0xffff  }
0x120: {  	v38 =	vand.u32 $0xFFFF0000, v38;
	v43 =	vshll.u32 v32, $0x10;
	v32 =	vand.u32 $0xFFFF0000, v32;
	v44 =	vld.idx.msk [tilespmem:v50+s10+$0x0], $0xffff  }
0x121: {  	v35 =	vmul.f32 v35, v43;
	v43 =	vmul.f32 v29, v32;
	v46 =	vld.idx.msk [tilespmem:v59+s10+$0x0], $0xffff  }
0x122: {  	v56 =	vshll.u32 v57, $0x10;
	v32 =	vand.u32 $0xFFFF0000, v57;
	v29 =	vmul.f32 v33, v33;
	v53 =	vld.idx.msk [tilespmem:v53+s10+$0x0], $0xffff  }
0x123: {  	v33 =	vand.u32 $0xFFFF0000, v45;
	v50 =	vshll.u32 v36, $0x10;
	v48 =	vshll.u32 v39, $0x10;
	v55 =	vld.idx.msk [tilespmem:v55+s10+$0x0], $0xffff  }
0x124: {  	v58 =	vshll.u32 v31, $0x10;
	v59 =	vand.u32 $0xFFFF0000, v36;
	v57 =	vand.u32 $0xFFFF0000, v40;
	v47 =	vld.idx.msk [tilespmem:v47+s10+$0x0], $0xffff  }
0x125: {  	v60 =	vshll.u32 v30, $0x10;
	v36 =	vand.u32 $0xFFFF0000, v34;
	v58 =	vmul.f32 v58, v48;
	v54 =	vld.idx.msk [tilespmem:v54+s10+$0x0], $0xffff  }
0x126: {  	v48 =	vshll.u32 v37, $0x10;
	v61 =	vand.u32 $0xFFFF0000, v37;
	v37 =	vmul.f32 v38, v57;
	v52 =	vld.idx.msk [tilespmem:v52+s10+$0x0], $0xffff  }
0x127: {  	v57 =	vshll.u32 v40, $0x10;
	v38 =	vand.u32 $0xFFFF0000, v39;
	v39 =	vld.idx.msk [tilespmem:v49+s10+$0x0], $0xffff;
	v49 =	vshll.u32 v46, $0x10  }
0x128: {  	v36 =	vadd.f32 v36, v43;
	v41 =	vmul.f32 v41, v57;
	v40 =	vshll.u32 v53, $0x10;
	v62 =	vld.idx.msk [tilespmem:v42+s10+$0x0], $0xffff  }
0x129: {  	v57 =	vshll.u32 v45, $0x10;
	v42 =	vand.u32 $0xFFFF0000, v46;
	v43 =	vshll.u32 v55, $0x10;
	v51 =	vld.idx.msk [tilespmem:v51+s10+$0x0], $0xffff  }
0x12a: {  	v63 =	vshll.u32 v44, $0x10;
	v60 =	vadd.f32 v60, v41;
	v45 =	vshll.u32 v47, $0x10  }
0x12b: {  	v41 =	vand.u32 $0xFFFF0000, v55;
	v43 =	vadd.f32 v48, v43;
	v1 =	vshll.u32 v54, $0x10  }
0x12c: {  	v46 =	vand.u32 $0xFFFF0000, v44;
	v54 =	vand.u32 $0xFFFF0000, v54;
	v44 =	vand.u32 $0xFFFF0000, v52  }
0x12d: {  	v41 =	vadd.f32 v61, v41;
	v48 =	vshll.u32 v39, $0x10;
	v55 =	vadd.f32 v44, v42  }
0x12e: {  	v61 =	vadd.f32 v45, v50;
	v42 =	vand.u32 $0xFFFF0000, v62;
	v1 =	vadd.f32 v48, v1  }
.Ltmp0:
0x12f: {  	v44 =	vand.u32 $0xFFFF0000, v47;
	v39 =	vand.u32 $0xFFFF0000, v39;
	v45 =	vand.u32 $0xFFFF0000, v51;
	(pc) =	sbr.rel @p2 .LBB2_4-.Ltmp0, $4  }
0x130: {  	v47 =	vadd.f32 v44, v59;
	v2 =	vshll.u32 v51, $0x10;
	v48 =	vadd.f32 v63, v1  }
0x131: {  	v50 =	vshll.u32 v62, $0x10;
	v51 =	vadd.f32 v39, v54;
	v1 =	vshll.u32 v52, $0x10  }
0x132: {  	v44 =	vsub.f32 v60, v58;
	v54 =	vand.u32 $0xFFFF0000, v53;
	v52 =	vadd.f32 v1, v49  }
0x133: {  	v39 =	vmul.f32 v56, v57;
	v53 =	vadd.f32 v2, v61;
	v49 =	vadd.f32 v54, v55  }
0x134: {  	v1 =	vadd.f32 v46, v51;
	v2 =	vadd.f32 v40, v52  }
0x135: {  	v6 =	vmul.f32 v48, v4;
	v7 =	vadd.f32 v45, v47;
	v5 =	vmul.f32 v53, v21  }
0x136: {  	v8 =	vadd.f32 v50, v43;
	v1 =	vmul.f32 v1, v4  }
0x137: {  	v2 =	vmul.f32 v2, v22;
	v4 =	vadd.f32 v6, v5;
	v5 =	vmul.f32 v7, v21  }
0x138: {  	v52 =	vshll.u32 v34, $0x10;
	v53 =	vadd.f32 v42, v41;
	v9 =	vmul.f32 v49, v22  }
0x139: {  	v8 =	vmul.f32 v8, v23;
	v1 =	vadd.f32 v1, v5;
	v2 =	vadd.f32 v2, v4  }
0x13a: {  	v4 =	vadd.f32 v52, v35  }
0x13b: {  	v5 =	vmul.f32 v53, v23;
	v1 =	vadd.f32 v9, v1;
	v2 =	vadd.f32 v8, v2;
	_ =	sdelay $0x1  }
0x13c: {  	v1 =	vadd.f32 v5, v1;
	v2 =	vadd.f32 v2, v4  }
0x13d: {  	v54 =	vand.u32 $0xFFFF0000, v31;
	v4 =	vand.u32 $0xFFFF0000, v30  }
0x13e: {  	v5 =	vmul.f32 v32, v33;
	v1 =	vadd.f32 v1, v36;
	v2 =	vsub.f32 v2, v39  }
0x13f: {  	v6 =	vmul.f32 v54, v38;
	v4 =	vadd.f32 v4, v37  }
0x140: {  	v1 =	vsub.f32 v1, v5;
	v2 =	vmul.f32 v2, v2  }
0x141: {  	v4 =	vsub.f32 v4, v6  }
0x142: {  	v5 =	vmul.f32 v44, v44;
	v1 =	vmul.f32 v1, v1;
	v2 =	vadd.f32 v2, v26;
	_ =	sdelay $0x1  }
0x143: {  	v4 =	vmul.f32 v4, v4;
	v5 =	vadd.f32 v5, v25;
	v1 =	vadd.f32 v2, v1;
	_ =	sdelay $0x1  }
0x144: {  	v2 =	vmul.f32 v27, v27;
	v4 =	vadd.f32 v5, v4;
	v1 =	vadd.f32 v29, v1;
	_ =	sdelay $0x1  }
0x145: {  	v5 =	vmul.f32 v28, v28;
	v2 =	vadd.f32 v2, v4;
	v1 =	vadd.f32 v1, v24;
	_ =	sdelay $0x1  }
0x146: {  	v2 =	vadd.f32 v2, v5;
	v1 =	vmax.f32 v1, $1.000000000e-30  }
0x147: {  	v4 =	vshrl.u32 v1, $0x1;
	v5 =	vmul.f32 $5.000000000e-01, v1  }
0x148: {  	v2 =	vmax.f32 v2, $1.000000000e-30;
	v4 =	vsub.s32 $0x5F3759DF, v4  }
0x149: {  	v56 =	vshrl.u32 v2, $0x1;
	v57 =	vmul.f32 $5.000000000e-01, v2;
	v55 =	vmul.f32 v4, v5  }
0x14a: {  	v7 =	vsub.s32 $0x5F3759DF, v56  }
0x14b: {  	v58 =	vmul.f32 v7, v57;
	v6 =	vmul.f32 v4, v55;
	_ =	sdelay $0x1  }
0x14c: {  	v9 =	vmul.f32 v7, v58;
	v6 =	vsub.f32 $1.500000000e+00, v6;
	_ =	sdelay $0x1  }
0x14d: {  	v59 =	vsub.f32 $1.500000000e+00, v9;
	v4 =	vmul.f32 v4, v6;
	_ =	sdelay $0x1  }
0x14e: {  	v6 =	vmul.f32 v7, v59;
	v60 =	vmul.f32 v4, v5;
	_ =	sdelay $0x1  }
0x14f: {  	v62 =	vmul.f32 v6, v57;
	v61 =	vmul.f32 v60, v4;
	_ =	sdelay $0x1  }
0x150: {  	v9 =	vmul.f32 v62, v6;
	v7 =	vsub.f32 $1.500000000e+00, v61;
	_ =	sdelay $0x1  }
0x151: {  	v63 =	vsub.f32 $1.500000000e+00, v9;
	v4 =	vmul.f32 v7, v4;
	_ =	sdelay $0x1  }
0x152: {  	v6 =	vmul.f32 v63, v6;
	v5 =	vmul.f32 v4, v5;
	_ =	sdelay $0x1  }
0x153: {  	v7 =	vmul.f32 v6, v57;
	v5 =	vmul.f32 v5, v4;
	_ =	sdelay $0x1  }
0x154: {  	v7 =	vmul.f32 v7, v6;
	v5 =	vsub.f32 $1.500000000e+00, v5;
	_ =	sdelay $0x1  }
0x155: {  	v4 =	vmul.f32 v5, v4;
	v5 =	vsub.f32 $1.500000000e+00, v7;
	_ =	sdelay $0x1  }
0x156: {  	v1 =	vmul.f32 v4, v1;
	v4 =	vmul.f32 v5, v6;
	_ =	sdelay $0x1  }
0x157: {  	v2 =	vmul.f32 v4, v2;
	v4 =	vadd.f32 $1.000000000e+00, v1  }
0x158: {  	s8 =	sadd.s32 $0x1, s8  }
0x159: {  	p2 =	sne.s32 s8, $0x8;
	v4 =	vsub.f32 v4, v2  }
.Ltmp1:
0x15a: {  	v1 =	vadd.f32 v2, v1;
	(pc) =	sbr.rel @p2 .LBB2_3-.Ltmp1, $3  }
0x15b: {  	v2 =	vmax.f32 v4, $0.0e+00  }
0x15c: {  	v63 =	vld [tilespmem:$0x1FFF0];
	v1 =	vmul.f32 $1.000000050e-03, v1;
	v2 =	vadd.f32 v2, v3;
	_ =	sdelay $0x1  }
0x15d: {  	v3 =	vadd.f32 v2, v1  }
0x15e: {  	v1 =	vld [tilespmem:$0x7D00];
	_ =	sdelay $0x2  }
0x15f: {  	s7 =	rddreg [dreg:$0x13]  }
0x160: {  	s6 =	rddreg [dreg:$0x18]  }
0x161: {  	s6 =	sadd.s32 @!p1 s6, s7;
	v1 =	vadd.f32 v1, v3  }
0x162: {  	s7 =	sshrl.u32 @!p1 s6, $0x3  }
0x163: {  	s14 =	simm.s32 @!p1 $0x0;
	s21 =	simm.s32 @!p1 $0xFD10;
	s8 =	sadd.s32 @!p1 s15, s7;
	[tilespmem:$0x7D00] =	vst v1  }
0x164: {  	[tilespmem:s21], [sflag:$0x3] =	stream.linear.gather @!p1 [hbm4b:s8+s14], $0x80, $0x38;
	[tilespmem:$0x19310] =	vst v63  }
0x165: {  	s8 =	simm.s32 @!p1 $0x3  }
0x166: {  	_ =	swait.ge @!p1 [sflag:s8], $0x80  }
0x167: {  	[sflag:s8] =	ssyncset.done @!p1 $0x0  }
0x168: {  	[sflag:s8] =	ssyncadd.s32 @!p1 $0xFFFFFF80  }
0x169: {  	s15 =	rddreg [dreg:$0x4]  }
0x16a: {  	s24 =	sadd.s32 @!p1 s15, s7;
	s15 =	simm.s32 @!p1 $0xFD90  }
0x16b: {  	[tilespmem:s15], [sflag:$0x3] =	stream.linear.gather @!p1 [hbm4b:s24+s14], $0x80, $0x38;
	[tilespmem:$0x19310] =	vst v63  }
0x16c: {  	_ =	swait.ge @!p1 [sflag:s8], $0x80  }
0x16d: {  	[sflag:s8] =	ssyncset.done @!p1 $0x0  }
0x16e: {  	[sflag:s8] =	ssyncadd.s32 @!p1 $0xFFFFFF80  }
0x16f: {  	s16 =	rddreg [dreg:$0x5]  }
0x170: {  	s28 =	smov.u32 s16;
	s24 =	sadd.s32 @!p1 s16, s7;
	s16 =	simm.s32 @!p1 $0xFE10  }
0x171: {  	[tilespmem:s16], [sflag:$0x3] =	stream.linear.gather @!p1 [hbm4b:s24+s14], $0x80, $0x38;
	[tilespmem:$0x19310] =	vst v63  }
0x172: {  	_ =	swait.ge @!p1 [sflag:s8], $0x80  }
0x173: {  	[sflag:s8] =	ssyncset.done @!p1 $0x0  }
0x174: {  	[sflag:s8] =	ssyncadd.s32 @!p1 $0xFFFFFF80  }
0x175: {  	s17 =	rddreg [dreg:$0x7]  }
0x176: {  	s24 =	sadd.s32 @!p1 s17, s7;
	s17 =	simm.s32 @!p1 $0xFE90  }
0x177: {  	[tilespmem:s17], [sflag:$0x3] =	stream.linear.gather @!p1 [hbm4b:s24+s14], $0x80, $0x38;
	[tilespmem:$0x19310] =	vst v63  }
0x178: {  	_ =	swait.ge @!p1 [sflag:s8], $0x80  }
0x179: {  	[sflag:s8] =	ssyncset.done @!p1 $0x0  }
0x17a: {  	[sflag:s8] =	ssyncadd.s32 @!p1 $0xFFFFFF80  }
0x17b: {  	s8 =	rddreg [dreg:$0x3]  }
0x17c: {  	s24 =	simm.s32 @!p1 $0xFF10;
	s8 =	sadd.s32 @!p1 s8, s7  }
0x17d: {  	[tilespmem:s24], [sflag:$0x1] =	stream.linear.gather @!p1 [hbm4b:s8+s14], $0x80, $0x38;
	[tilespmem:$0x19310] =	vst v63  }
0x17e: {  	s24 =	rddreg [dreg:$0x6]  }
0x17f: {  	s8 =	smul.u32 @!p1 $0xC, s6;
	s7 =	sadd.s32 @!p1 s24, s7;
	s24 =	simm.s32 @!p1 $0xFF90  }
0x180: {  	[tilespmem:s24], [sflag:$0x1] =	stream.linear.gather @!p1 [hbm4b:s7+s14], $0x80, $0x38;
	[tilespmem:$0x19310] =	vst v63  }
0x181: {  	s7 =	sshrl.u32 @!p1 s8, $0x3;
	s8 =	rddreg [dreg:$0x8]  }
0x182: {  	s7 =	sadd.s32 @!p1 s8, s7;
	s8 =	simm.s32 @!p1 $0x10010  }
0x183: {  	[tilespmem:s8], [sflag:$0x1] =	stream.linear.gather @!p1 [hbm4b:s7+s14], $0x600, $0x38;
	[tilespmem:$0x19310] =	vst v63  }
0x184: {  	s6 =	sshrl.u32 @!p1 s6, $0x1;
	s7 =	rddreg [dreg:$0x1]  }
0x185: {  	s6 =	sadd.s32 @!p1 s7, s6;
	s7 =	simm.s32 @!p1 $0x10610  }
0x186: {  	[tilespmem:s7], [sflag:$0x1] =	stream.linear.gather @!p1 [hbm4b:s6+s14], $0x200, $0x38;
	[tilespmem:$0x19310] =	vst v63  }
0x187: {  	s6 =	simm.s32 @!p1 $0x80;
	s7 =	simm.s32 @!p1 $0x7D10  }
0x188: {  	[tilespmem:s7], [sflag:$0x1] =	stream.indirect.gather @!p1 [hbm4b:s11+s6], $0x40, s21, s6, $0xb8;
	[tilespmem:$0x19310] =	vst v63  }
0x189: {  	s7 =	simm.s32 @!p1 $0x9D10  }
0x18a: {  	[tilespmem:s7], [sflag:$0x1] =	stream.indirect.gather @!p1 [hbm4b:s11+s6], $0x40, s15, s6, $0xb8;
	[tilespmem:$0x19310] =	vst v63  }
0x18b: {  	s7 =	simm.s32 @!p1 $0xBD10  }
0x18c: {  	[tilespmem:s7], [sflag:$0x1] =	stream.indirect.gather @!p1 [hbm4b:s11+s6], $0x40, s16, s6, $0xb8;
	[tilespmem:$0x19310] =	vst v63  }
0x18d: {  	s7 =	simm.s32 @!p1 $0xDD10  }
0x18e: {  	[tilespmem:s7], [sflag:$0x1] =	stream.indirect.gather @!p1 [hbm4b:s11+s6], $0x40, s17, s6, $0xb8;
	[tilespmem:$0x19310] =	vst v63  }
0x18f: {  	_ =	swait.ge [sflag:s5], $0x80  }
0x190: {  	[sflag:s5] =	ssyncset.done $0x0  }
0x191: {  	[sflag:s5] =	ssyncadd.s32 $0xFFFFFF80  }
0x192: {  	_ =	swait.ge [sflag:s5], $0x80  }
0x193: {  	[sflag:s5] =	ssyncset.done $0x0  }
0x194: {  	[sflag:s5] =	ssyncadd.s32 $0xFFFFFF80  }
0x195: {  	_ =	swait.ge [sflag:s5], $0x600  }
0x196: {  	[sflag:s5] =	ssyncset.done $0x0  }
0x197: {  	[sflag:s5] =	ssyncadd.s32 $0xFFFFFA00  }
0x198: {  	_ =	swait.ge [sflag:s5], $0x200  }
0x199: {  	[sflag:s5] =	ssyncset.done $0x0  }
0x19a: {  	[sflag:s5] =	ssyncadd.s32 $0xFFFFFE00  }
0x19b: {  	_ =	swait.ge [sflag:s5], $0x2000  }
0x19c: {  	[sflag:s5] =	ssyncset.done $0x0  }
0x19d: {  	[sflag:s5] =	ssyncadd.s32 $0xFFFFE000  }
0x19e: {  	_ =	swait.ge [sflag:s5], $0x2000  }
0x19f: {  	[sflag:s5] =	ssyncset.done $0x0  }
0x1a0: {  	[sflag:s5] =	ssyncadd.s32 $0xFFFFE000  }
0x1a1: {  	_ =	swait.ge [sflag:s5], $0x2000  }
0x1a2: {  	[sflag:s5] =	ssyncset.done $0x0  }
0x1a3: {  	[sflag:s5] =	ssyncadd.s32 $0xFFFFE000  }
0x1a4: {  	_ =	swait.ge [sflag:s5], $0x2000  }
0x1a5: {  	[sflag:s5] =	ssyncset.done $0x0  }
0x1a6: {  	v3 =	vimm.f32 $0.0e+00;
	s6 =	simm.s32 $0x0;
	s7 =	simm.s32 $0x0;
	[sflag:s5] =	ssyncadd.s32 $0xFFFFE000  }
.LBB2_7:
0x1a7: {  	s8 =	sshll.u32 s7, $0x4  }
0x1a8: {  	v1 =	vor.u32 s8, v0  }
0x1a9: {  	v5 =	vand.u32 v63, v1  }
0x1aa: {  	v6 =	vmul.u32 $0xC, v1;
	_ =	sdelay $0x1  }
0x1ab: {  	v7 =	vor.u32 $0x1, v6  }
0x1ac: {  	v8 =	vor.u32 $0x2, v6  }
0x1ad: {  	v10 =	vor.u32 $0x3, v6;
	v9 =	vld.idx.msk [tilespmem:v5+s18+$0x0], $0xffff  }
0x1ae: {  	v13 =	vadd.s32 $0x5, v6;
	v11 =	vld.idx.msk [tilespmem:v5+s19+$0x0], $0xffff  }
0x1af: {  	v5 =	vadd.s32 $0x4, v6;
	v12 =	vld.idx.msk [tilespmem:v6+s20+$0x0], $0xffff  }
0x1b0: {  	v18 =	vadd.s32 $0x9, v6;
	v14 =	vld.idx.msk [tilespmem:v7+s20+$0x0], $0xffff  }
0x1b1: {  	v19 =	vadd.s32 $0xA, v6;
	v15 =	vld.idx.msk [tilespmem:v8+s20+$0x0], $0xffff  }
0x1b2: {  	v7 =	vadd.s32 $0x6, v6;
	v17 =	vld.idx.msk [tilespmem:v10+s20+$0x0], $0xffff  }
0x1b3: {  	v16 =	vand.u32 $0x7FC, v6;
	v20 =	vadd.s32 $0xB, v6;
	v13 =	vld.idx.msk [tilespmem:v13+s20+$0x0], $0xffff  }
0x1b4: {  	s24 =	simm.s32 $0x1;
	v8 =	vadd.s32 $0x7, v6;
	v10 =	vadd.s32 $0x8, v16;
	v16 =	vld.idx.msk [tilespmem:v5+s20+$0x0], $0xffff;
	v5 =	vshll.u32 v1, $0x6  }
0x1b5: {  	v21 =	vadd.s32 s24, v0;
	v18 =	vld.idx.msk [tilespmem:v18+s20+$0x0], $0xffff;
	v6 =	vor.u32 $0x20, v5  }
0x1b6: {  	v19 =	vld.idx.msk [tilespmem:v19+s20+$0x0], $0xffff;
	v26 =	vor.u32 v21, v6  }
0x1b7: {  	v2 =	vshll.u32 v1, $0x2;
	v1 =	vld.idx.msk [tilespmem:v7+s20+$0x0], $0xffff;
	v7 =	vshll.u32 v12, $0x5;
	v21 =	vand.u32 $0x1F, v21  }
0x1b8: {  	v20 =	vld.idx.msk [tilespmem:v20+s20+$0x0], $0xffff;
	v24 =	vor.u32 v7, v21  }
0x1b9: {  	v22 =	vld.idx.msk [tilespmem:v8+s20+$0x0], $0xffff;
	v27 =	vor.u32 v5, v21  }
0x1ba: {  	v4 =	vor.u32 $0x1, v2;
	v28 =	vor.u32 $0x2, v2;
	v23 =	vld.idx.msk [tilespmem:v10+s20+$0x0], $0xffff;
	v8 =	vshll.u32 v13, $0x5  }
0x1bb: {  	v29 =	vor.u32 $0x3, v2;
	v9 =	vshll.u32 v9, $0x5;
	v30 =	vor.u32 v8, v21;
	v25 =	vld.idx.msk [tilespmem:v26+s0+$0x0], $0xffff  }
0x1bc: {  	v10 =	vshll.u32 v11, $0x5;
	v11 =	vshll.u32 v14, $0x5;
	v12 =	vshll.u32 v15, $0x5;
	v31 =	vld.idx.msk [tilespmem:v26+s23+$0x0], $0xffff  }
0x1bd: {  	v13 =	vshll.u32 v17, $0x5;
	v19 =	vshll.u32 v19, $0x5;
	v32 =	vor.u32 v11, v21;
	v33 =	vld.idx.msk [tilespmem:v24+s10+$0x0], $0xffff  }
0x1be: {  	v42 =	vor.u32 v19, v21;
	v14 =	vshll.u32 v16, $0x5;
	v16 =	vshll.u32 v22, $0x5;
	v22 =	vld.idx.msk [tilespmem:v27+s3+$0x0], $0xffff  }
0x1bf: {  	v18 =	vshll.u32 v18, $0x5;
	v15 =	vshll.u32 v1, $0x5;
	v1 =	vor.u32 v12, v21;
	v24 =	vld.idx.msk [tilespmem:v27+s0+$0x0], $0xffff  }
0x1c0: {  	v20 =	vshll.u32 v20, $0x5;
	v17 =	vshll.u32 v23, $0x5;
	v23 =	vor.u32 v14, v21;
	v30 =	vld.idx.msk [tilespmem:v30+s10+$0x0], $0xffff  }
0x1c1: {  	v34 =	vor.u32 v13, v21;
	v35 =	vor.u32 v20, v21;
	v37 =	vor.u32 v9, v21;
	v38 =	vld.idx.msk [tilespmem:v27+s23+$0x0], $0xffff  }
0x1c2: {  	v41 =	vor.u32 v18, v21;
	v43 =	vor.u32 v10, v21;
	v36 =	vor.u32 v15, v21;
	v32 =	vld.idx.msk [tilespmem:v32+s10+$0x0], $0xffff  }
0x1c3: {  	v39 =	vor.u32 v16, v21;
	v40 =	vor.u32 v17, v21;
	v42 =	vld.idx.msk [tilespmem:v42+s10+$0x0], $0xffff;
	v21 =	vand.u32 $0xFFFF0000, v31  }
0x1c4: {  	v1 =	vld.idx.msk [tilespmem:v1+s10+$0x0], $0xffff;
	v44 =	vshll.u32 v25, $0x10;
	v25 =	vand.u32 $0xFFFF0000, v25;
	v45 =	vshll.u32 v33, $0x10  }
0x1c5: {  	v23 =	vld.idx.msk [tilespmem:v23+s10+$0x0], $0xffff;
	v46 =	vshll.u32 v22, $0x10;
	v47 =	vand.u32 $0xFFFF0000, v22;
	v22 =	vshll.u32 v31, $0x10  }
0x1c6: {  	v31 =	vld.idx.msk [tilespmem:v34+s10+$0x0], $0xffff;
	v48 =	vshll.u32 v24, $0x10;
	v33 =	vand.u32 $0xFFFF0000, v33;
	v53 =	vshll.u32 v30, $0x10  }
0x1c7: {  	v34 =	vld.idx.msk [tilespmem:v37+s10+$0x0], $0xffff;
	v49 =	vshll.u32 v38, $0x10;
	v38 =	vand.u32 $0xFFFF0000, v38;
	v50 =	vshll.u32 v32, $0x10  }
0x1c8: {  	v39 =	vld.idx.msk [tilespmem:v39+s10+$0x0], $0xffff;
	v32 =	vand.u32 $0xFFFF0000, v32;
	v30 =	vand.u32 $0xFFFF0000, v30;
	v60 =	vshll.u32 v42, $0x10  }
0x1c9: {  	v54 =	vld.idx.msk [tilespmem:v36+s10+$0x0], $0xffff;
	v51 =	vand.u32 $0xFFFF0000, v42;
	v24 =	vand.u32 $0xFFFF0000, v24;
	v49 =	vmul.f32 v22, v49  }
0x1ca: {  	v40 =	vld.idx.msk [tilespmem:v40+s10+$0x0], $0xffff;
	v22 =	vadd.f32 v50, v45;
	v32 =	vadd.f32 v32, v33;
	v36 =	vmul.f32 v21, v38  }
0x1cb: {  	v24 =	vmul.f32 v25, v24;
	v21 =	vshll.u32 v1, $0x10;
	v55 =	vshll.u32 v23, $0x10  }
0x1cc: {  	v23 =	vand.u32 $0xFFFF0000, v23;
	v1 =	vand.u32 $0xFFFF0000, v1;
	v56 =	vand.u32 $0xFFFF0000, v31  }
0x1cd: {  	v27 =	vld.idx.msk [tilespmem:v27+s1+$0x0], $0xffff;
	v50 =	vadd.f32 v21, v22;
	v22 =	vshll.u32 v31, $0x10;
	v1 =	vadd.f32 v1, v32  }
0x1ce: {  	v57 =	vshll.u32 v34, $0x10;
	v21 =	vld.idx.msk [tilespmem:v2+s22+$0x0], $0xffff;
	v2 =	vand.u32 $0xFFFF0000, v39;
	v33 =	vand.u32 $0xFFFF0000, v54  }
0x1cf: {  	v4 =	vld.idx.msk [tilespmem:v4+s22+$0x0], $0xffff;
	v59 =	vshll.u32 v40, $0x10;
	v34 =	vand.u32 $0xFFFF0000, v34;
	v23 =	vadd.f32 v23, v56  }
0x1d0: {  	v58 =	vadd.f32 v55, v22;
	v22 =	vld.idx.msk [tilespmem:v28+s22+$0x0], $0xffff;
	v28 =	vshll.u32 v54, $0x10;
	v32 =	vadd.f32 v57, v49  }
0x1d1: {  	v41 =	vld.idx.msk [tilespmem:v41+s10+$0x0], $0xffff;
	v2 =	vadd.f32 v2, v33;
	v54 =	vand.u32 $0xFFFF0000, v40;
	v55 =	vadd.s32 s6, v0  }
0x1d2: {  	v31 =	vld.idx.msk [tilespmem:v35+s10+$0x0], $0xffff;
	v56 =	vshll.u32 v27, $0x10;
	v27 =	vand.u32 $0xFFFF0000, v27;
	v34 =	vadd.f32 v34, v36  }
0x1d3: {  	v38 =	vor.u32 v55, v6;
	v33 =	vand.u32 $0x1F, v55;
	v23 =	vadd.f32 v30, v23  }
0x1d4: {  	v30 =	vshll.u32 v39, $0x10;
	v35 =	vadd.f32 v53, v58;
	v2 =	vadd.f32 v54, v2  }
0x1d5: {  	v37 =	vor.u32 v5, v33;
	v45 =	vor.u32 v11, v33;
	v49 =	vor.u32 v14, v33  }
0x1d6: {  	v54 =	vor.u32 v16, v33;
	v55 =	vor.u32 v17, v33;
	v28 =	vadd.f32 v30, v28  }
0x1d7: {  	v53 =	vld.idx.msk [tilespmem:v26+s1+$0x0], $0xffff;
	v30 =	vshll.u32 v41, $0x10;
	v61 =	vmul.f32 v23, v4;
	v62 =	vshll.u32 v31, $0x10  }
0x1d8: {  	v23 =	vld.idx.msk [tilespmem:v29+s22+$0x0], $0xffff;
	v29 =	vand.u32 $0xFFFF0000, v41;
	v52 =	vmul.f32 v50, v21;
	v35 =	vmul.f32 v35, v4  }
0x1d9: {  	v26 =	vld.idx.msk [tilespmem:v26+s3+$0x0], $0xffff;
	v31 =	vand.u32 $0xFFFF0000, v31;
	v30 =	vadd.f32 v60, v30;
	v1 =	vmul.f32 v1, v21  }
0x1da: {  	v60 =	vor.u32 v10, v33;
	v50 =	vor.u32 v8, v33;
	v28 =	vadd.f32 v59, v28  }
0x1db: {  	v29 =	vadd.f32 v51, v29;
	v2 =	vmul.f32 v2, v22;
	v51 =	vor.u32 v9, v33  }
0x1dc: {  	v30 =	vadd.f32 v62, v30;
	v1 =	vadd.f32 v61, v1;
	v42 =	vld.idx.msk [tilespmem:v38+s0+$0x0], $0xffff;
	v62 =	vor.u32 v7, v33  }
0x1dd: {  	v28 =	vmul.f32 v28, v22;
	v29 =	vadd.f32 v31, v29;
	v31 =	vadd.f32 v35, v52;
	v52 =	vld.idx.msk [tilespmem:v38+s1+$0x0], $0xffff  }
0x1de: {  	v57 =	vshll.u32 v53, $0x10;
	v39 =	vand.u32 $0xFFFF0000, v26;
	v26 =	vshll.u32 v26, $0x10;
	v45 =	vld.idx.msk [tilespmem:v45+s10+$0x0], $0xffff  }
0x1df: {  	v58 =	vand.u32 $0xFFFF0000, v53;
	v26 =	vmul.f32 v26, v46;
	v46 =	vld.idx.msk [tilespmem:v38+s23+$0x0], $0xffff;
	v1 =	vadd.f32 v2, v1  }
0x1e0: {  	v29 =	vmul.f32 v29, v23;
	v28 =	vadd.f32 v28, v31;
	v31 =	vld.idx.msk [tilespmem:v43+s10+$0x0], $0xffff;
	v30 =	vmul.f32 v30, v23  }
0x1e1: {  	v53 =	vor.u32 v12, v33;
	v54 =	vld.idx.msk [tilespmem:v54+s10+$0x0], $0xffff;
	v27 =	vmul.f32 v58, v27;
	v43 =	vor.u32 v20, v33  }
0x1e2: {  	v2 =	vld.idx.msk [tilespmem:v37+s0+$0x0], $0xffff;
	v28 =	vadd.f32 v30, v28;
	v30 =	vmul.f32 v57, v56;
	v1 =	vadd.f32 v29, v1  }
0x1e3: {  	v41 =	vld.idx.msk [tilespmem:v50+s10+$0x0], $0xffff;
	v56 =	vor.u32 v13, v33;
	v57 =	vor.u32 v18, v33;
	v29 =	vor.u32 v15, v33  }
0x1e4: {  	v62 =	vld.idx.msk [tilespmem:v62+s10+$0x0], $0xffff;
	v36 =	vand.u32 $0xFFFF0000, v52;
	v50 =	vshll.u32 v45, $0x10;
	v1 =	vadd.f32 v1, v34  }
0x1e5: {  	v34 =	vld.idx.msk [tilespmem:v51+s10+$0x0], $0xffff;
	v25 =	vadd.f32 v28, v32;
	v58 =	vand.u32 $0xFFFF0000, v46;
	v59 =	vshll.u32 v31, $0x10  }
0x1e6: {  	v32 =	vand.u32 $0xFFFF0000, v42;
	v61 =	vand.u32 $0xFFFF0000, v31;
	v40 =	vadd.f32 v59, v30;
	v30 =	vld.idx.msk [tilespmem:v60+s10+$0x0], $0xffff  }
0x1e7: {  	v59 =	vor.u32 v19, v33;
	v35 =	vadd.f32 v61, v27;
	v60 =	vld.idx.msk [tilespmem:v37+s23+$0x0], $0xffff;
	v61 =	vmul.f32 v39, v47  }
0x1e8: {  	v31 =	vld.idx.msk [tilespmem:v38+s3+$0x0], $0xffff;
	v1 =	vsub.f32 v1, v24;
	v33 =	vand.u32 $0xFFFF0000, v2;
	v2 =	vshll.u32 v2, $0x10  }
0x1e9: {  	v49 =	vld.idx.msk [tilespmem:v49+s10+$0x0], $0xffff;
	v47 =	vshll.u32 v62, $0x10;
	v39 =	vand.u32 $0xFFFF0000, v62;
	v27 =	vsub.f32 v40, v26  }
0x1ea: {  	v38 =	vld.idx.msk [tilespmem:v37+s3+$0x0], $0xffff;
	v26 =	vmul.f32 v44, v48;
	v28 =	vsub.f32 v35, v61;
	v44 =	vshll.u32 v52, $0x10  }
0x1eb: {  	v40 =	vld.idx.msk [tilespmem:v37+s1+$0x0], $0xffff;
	v24 =	vmul.f32 v1, v1;
	v48 =	vand.u32 $0xFFFF0000, v54;
	v61 =	vand.u32 $0xFFFF0000, v34  }
0x1ec: {  	v52 =	vld.idx.msk [tilespmem:v55+s10+$0x0], $0xffff;
	v25 =	vsub.f32 v25, v26;
	v26 =	vshll.u32 v46, $0x10;
	v1 =	vshll.u32 v60, $0x10  }
0x1ed: {  	v37 =	vld.idx.msk [tilespmem:v59+s10+$0x0], $0xffff;
	v59 =	vand.u32 $0xFFFF0000, v60;
	v60 =	vshll.u32 v31, $0x10;
	v51 =	vshll.u32 v30, $0x10  }
0x1ee: {  	v55 =	vld.idx.msk [tilespmem:v56+s10+$0x0], $0xffff;
	v35 =	vmul.f32 v26, v1;
	v26 =	vmul.f32 v58, v59;
	v58 =	vshll.u32 v42, $0x10  }
0x1ef: {  	v1 =	vld.idx.msk [tilespmem:v29+s10+$0x0], $0xffff;
	v29 =	vmul.f32 v25, v25;
	v25 =	vshll.u32 v38, $0x10;
	v38 =	vand.u32 $0xFFFF0000, v38  }
0x1f0: {  	v42 =	vld.idx.msk [tilespmem:v57+s10+$0x0], $0xffff;
	v46 =	vand.u32 $0xFFFF0000, v40;
	v25 =	vmul.f32 v60, v25;
	v60 =	vshll.u32 v40, $0x10  }
0x1f1: {  	v40 =	vshll.u32 v52, $0x10;
	v44 =	vmul.f32 v44, v60;
	v60 =	vshll.u32 v49, $0x10  }
0x1f2: {  	v59 =	vld.idx.msk [tilespmem:v43+s10+$0x0], $0xffff;
	v49 =	vand.u32 $0xFFFF0000, v49;
	v62 =	vshll.u32 v37, $0x10;
	v56 =	vand.u32 $0xFFFF0000, v37  }
0x1f3: {  	v37 =	vmul.f32 v36, v46;
	v36 =	vadd.f32 v61, v26;
	v26 =	vld.idx.msk [tilespmem:v53+s10+$0x0], $0xffff;
	v53 =	vshll.u32 v41, $0x10  }
0x1f4: {  	v44 =	vadd.f32 v51, v44;
	v51 =	vshll.u32 v55, $0x10;
	v55 =	vand.u32 $0xFFFF0000, v55  }
0x1f5: {  	v46 =	vand.u32 $0xFFFF0000, v41;
	v57 =	vshll.u32 v1, $0x10;
	v61 =	vshll.u32 v42, $0x10  }
0x1f6: {  	v1 =	vand.u32 $0xFFFF0000, v1;
	v42 =	vand.u32 $0xFFFF0000, v42;
	v43 =	vadd.f32 v62, v61  }
0x1f7: {  	v1 =	vadd.f32 v48, v1;
	v41 =	vadd.f32 v56, v42;
	v42 =	vand.u32 $0xFFFF0000, v59  }
0x1f8: {  	v62 =	vadd.f32 v60, v51;
	v56 =	vadd.f32 v50, v47;
	v60 =	vand.u32 $0xFFFF0000, v45  }
0x1f9: {  	v61 =	vshll.u32 v54, $0x10;
	v50 =	vshll.u32 v59, $0x10;
	v51 =	vadd.f32 v49, v55  }
0x1fa: {  	v44 =	vsub.f32 v44, v25;
	v25 =	vimm.f32 $0.0e+00;
	v47 =	vadd.f32 v60, v39  }
0x1fb: {  	v39 =	vmul.f32 v58, v2;
	v48 =	vadd.f32 v53, v62;
	v62 =	vand.u32 $0xFFFF0000, v52  }
0x1fc: {  	v52 =	vadd.f32 v61, v57;
	v45 =	vand.u32 $0xFFFF0000, v26;
	v26 =	vshll.u32 v26, $0x10  }
0x1fd: {  	s8 =	simm.s32 $0x2;
	v49 =	vadd.f32 v62, v1;
	v53 =	vadd.f32 v26, v56;
	v26 =	vimm.f32 $0.0e+00  }
.LBB2_8:
0x1fe: {  	p1 =	slt.u32 s8, $0x1E;
	v1 =	vshll.u32 v34, $0x10;
	v2 =	vadd.f32 v50, v43;
	v34 =	vadd.f32 v46, v51;
	s21 =	smov.u32 s8;
	s8 =	sadd.s32 $0x2, s8  }
0x1ff: {  	v40 =	vadd.f32 v40, v52;
	v46 =	vmul.f32 v48, v4;
	v43 =	vmul.f32 v53, v21  }
0x200: {  	v31 =	vand.u32 $0xFFFF0000, v31;
	v30 =	vand.u32 $0xFFFF0000, v30;
	v48 =	vmul.f32 v34, v4  }
0x201: {  	v34 =	vadd.f32 v42, v41;
	v41 =	vmul.f32 v49, v22;
	v43 =	vadd.f32 v46, v43  }
0x202: {  	s14 =	sadd.s32 $0x1, s21;
	v37 =	vadd.f32 v30, v37;
	v31 =	vmul.f32 v31, v38;
	v42 =	vadd.f32 v45, v47  }
0x203: {  	v38 =	vmul.f32 v44, v44;
	v30 =	vadd.s32 s14, v0;
	v44 =	vmul.f32 v34, v23  }
0x204: {  	v2 =	vmul.f32 v2, v23;
	v34 =	vor.u32 v30, v6;
	v42 =	vmul.f32 v42, v21  }
0x205: {  	v1 =	vadd.f32 v1, v35;
	v40 =	vmul.f32 v40, v22;
	v45 =	vand.u32 $0x1F, v30  }
0x206: {  	v35 =	vor.u32 v7, v45;
	v46 =	vor.u32 v11, v45;
	v42 =	vadd.f32 v48, v42  }
0x207: {  	v25 =	vadd.f32 v38, v25;
	v47 =	vor.u32 v5, v45;
	v48 =	vor.u32 v13, v45  }
0x208: {  	v38 =	vor.u32 v12, v45;
	v49 =	vor.u32 v14, v45;
	v50 =	vor.u32 v8, v45  }
0x209: {  	v33 =	vmul.f32 v32, v33;
	v51 =	vor.u32 v20, v45;
	v40 =	vadd.f32 v40, v43;
	v30 =	vld.idx.msk [tilespmem:v34+s0+$0x0], $0xffff  }
0x20a: {  	v52 =	vor.u32 v15, v45;
	v53 =	vor.u32 v16, v45;
	v32 =	vadd.f32 v41, v42;
	v43 =	vld.idx.msk [tilespmem:v34+s23+$0x0], $0xffff  }
0x20b: {  	v31 =	vsub.f32 v37, v31;
	v2 =	vadd.f32 v2, v40;
	v41 =	vor.u32 v17, v45;
	v35 =	vld.idx.msk [tilespmem:v35+s10+$0x0], $0xffff  }
0x20c: {  	v40 =	vor.u32 v18, v45;
	v42 =	vor.u32 v19, v45;
	v44 =	vadd.f32 v44, v32;
	v37 =	vld.idx.msk [tilespmem:v47+s3+$0x0], $0xffff  }
0x20d: {  	v54 =	vor.u32 v9, v45;
	v1 =	vadd.f32 v2, v1;
	v2 =	vmul.f32 v31, v31;
	v32 =	vld.idx.msk [tilespmem:v47+s0+$0x0], $0xffff  }
0x20e: {  	v27 =	vmul.f32 v27, v27;
	v45 =	vor.u32 v10, v45;
	v31 =	vadd.f32 v44, v36;
	v50 =	vld.idx.msk [tilespmem:v50+s10+$0x0], $0xffff  }
0x20f: {  	v1 =	vsub.f32 v1, v39;
	v2 =	vadd.f32 v25, v2;
	v25 =	vmul.f32 v28, v28;
	v36 =	vld.idx.msk [tilespmem:v47+s23+$0x0], $0xffff  }
0x210: {  	v33 =	vsub.f32 v31, v33;
	v28 =	vshll.u32 v30, $0x10;
	v39 =	vand.u32 $0xFFFF0000, v43;
	v44 =	vld.idx.msk [tilespmem:v46+s10+$0x0], $0xffff  }
0x211: {  	v1 =	vmul.f32 v1, v1;
	v2 =	vadd.f32 v27, v2;
	v46 =	vshll.u32 v35, $0x10;
	v38 =	vld.idx.msk [tilespmem:v38+s10+$0x0], $0xffff  }
0x212: {  	v27 =	vshll.u32 v37, $0x10;
	v31 =	vand.u32 $0xFFFF0000, v37;
	v37 =	vld.idx.msk [tilespmem:v49+s10+$0x0], $0xffff;
	v49 =	vmul.f32 v33, v33  }
0x213: {  	v1 =	vadd.f32 v1, v26;
	v25 =	vadd.f32 v2, v25;
	v43 =	vshll.u32 v43, $0x10;
	v48 =	vld.idx.msk [tilespmem:v48+s10+$0x0], $0xffff  }
0x214: {  	v26 =	vand.u32 $0xFFFF0000, v35;
	v33 =	vshll.u32 v32, $0x10;
	v2 =	vld.idx.msk [tilespmem:v54+s10+$0x0], $0xffff;
	v54 =	vshll.u32 v50, $0x10  }
0x215: {  	v35 =	vshll.u32 v36, $0x10;
	v36 =	vand.u32 $0xFFFF0000, v36;
	v1 =	vadd.f32 v1, v49;
	v53 =	vld.idx.msk [tilespmem:v53+s10+$0x0], $0xffff  }
0x216: {  	v49 =	vshll.u32 v44, $0x10;
	v44 =	vand.u32 $0xFFFF0000, v44;
	v43 =	vmul.f32 v43, v35;
	v41 =	vld.idx.msk [tilespmem:v41+s10+$0x0], $0xffff  }
0x217: {  	v35 =	vmul.f32 v39, v36;
	v46 =	vadd.f32 v49, v46;
	v26 =	vadd.f32 v44, v26;
	v52 =	vld.idx.msk [tilespmem:v52+s10+$0x0], $0xffff  }
0x218: {  	v36 =	vshll.u32 v38, $0x10;
	v39 =	vshll.u32 v37, $0x10;
	v37 =	vand.u32 $0xFFFF0000, v37;
	v40 =	vld.idx.msk [tilespmem:v40+s10+$0x0], $0xffff  }
0x219: {  	v38 =	vand.u32 $0xFFFF0000, v38;
	v44 =	vand.u32 $0xFFFF0000, v48;
	v36 =	vadd.f32 v36, v46;
	v42 =	vld.idx.msk [tilespmem:v42+s10+$0x0], $0xffff  }
0x21a: {  	v46 =	vshll.u32 v48, $0x10;
	v38 =	vadd.f32 v38, v26;
	v26 =	vadd.f32 v37, v44;
	v48 =	vld.idx.msk [tilespmem:v51+s10+$0x0], $0xffff  }
0x21b: {  	v1 =	vadd.f32 v29, v1;
	v37 =	vshll.u32 v2, $0x10;
	v44 =	vand.u32 $0xFFFF0000, v50  }
0x21c: {  	v39 =	vadd.f32 v39, v46;
	v29 =	vand.u32 $0xFFFF0000, v53;
	v26 =	vadd.f32 v44, v26  }
0x21d: {  	v46 =	vshll.u32 v53, $0x10;
	v37 =	vadd.f32 v37, v43;
	v44 =	vshll.u32 v52, $0x10  }
0x21e: {  	v49 =	vshll.u32 v41, $0x10;
	v43 =	vand.u32 $0xFFFF0000, v52;
	v44 =	vadd.f32 v46, v44  }
0x21f: {  	v46 =	vshll.u32 v40, $0x10;
	v51 =	vmul.f32 v26, v4;
	v50 =	vshll.u32 v42, $0x10  }
0x220: {  	v26 =	vadd.f32 v1, v24;
	v52 =	vshll.u32 v48, $0x10;
	v44 =	vadd.f32 v49, v44  }
0x221: {  	v39 =	vadd.f32 v54, v39;
	v24 =	vand.u32 $0xFFFF0000, v40;
	v40 =	vand.u32 $0xFFFF0000, v42;
	v1 =	vld.idx.msk [tilespmem:v34+s1+$0x0], $0xffff  }
0x222: {  	v36 =	vmul.f32 v36, v21;
	v24 =	vadd.f32 v40, v24;
	v44 =	vmul.f32 v44, v22;
	v42 =	vld.idx.msk [tilespmem:v47+s1+$0x0], $0xffff  }
0x223: {  	v39 =	vmul.f32 v39, v4;
	v40 =	vand.u32 $0xFFFF0000, v48;
	v46 =	vadd.f32 v50, v46;
	v34 =	vld.idx.msk [tilespmem:v34+s3+$0x0], $0xffff  }
0x224: {  	v41 =	vand.u32 $0xFFFF0000, v41;
	v29 =	vadd.f32 v29, v43;
	v24 =	vadd.f32 v40, v24  }
0x225: {  	v38 =	vmul.f32 v38, v21;
	v36 =	vadd.f32 v39, v36;
	v43 =	vadd.f32 v52, v46;
	v40 =	vld.idx.msk [tilespmem:v45+s10+$0x0], $0xffff  }
0x226: {  	v2 =	vand.u32 $0xFFFF0000, v2;
	v29 =	vadd.f32 v41, v29;
	v24 =	vmul.f32 v24, v23  }
0x227: {  	v38 =	vadd.f32 v51, v38;
	v36 =	vadd.f32 v44, v36;
	v39 =	vmul.f32 v43, v23  }
0x228: {  	v29 =	vmul.f32 v29, v22;
	v43 =	vshll.u32 v1, $0x10;
	v41 =	vshll.u32 v42, $0x10  }
0x229: {  	v36 =	vadd.f32 v39, v36;
	v44 =	vand.u32 $0xFFFF0000, v34;
	v39 =	vmul.f32 v43, v41  }
0x22a: {  	v1 =	vand.u32 $0xFFFF0000, v1;
	v41 =	vand.u32 $0xFFFF0000, v42;
	v34 =	vshll.u32 v34, $0x10  }
0x22b: {  	v27 =	vmul.f32 v34, v27;
	v1 =	vmul.f32 v1, v41;
	v42 =	vshll.u32 v40, $0x10  }
0x22c: {  	v34 =	vadd.s32 s21, v0;
	v40 =	vand.u32 $0xFFFF0000, v40;
	v39 =	vadd.f32 v42, v39  }
0x22d: {  	v41 =	vand.u32 $0x1F, v34;
	v34 =	vor.u32 v34, v6;
	v42 =	vand.u32 $0xFFFF0000, v30  }
0x22e: {  	v30 =	vor.u32 v10, v41;
	v43 =	vor.u32 v7, v41;
	v45 =	vor.u32 v11, v41  }
0x22f: {  	v46 =	vor.u32 v5, v41;
	v47 =	vor.u32 v14, v41;
	v48 =	vor.u32 v8, v41  }
0x230: {  	v49 =	vor.u32 v12, v41;
	v50 =	vor.u32 v16, v41;
	v51 =	vor.u32 v17, v41  }
0x231: {  	v52 =	vor.u32 v13, v41;
	v53 =	vor.u32 v18, v41;
	v54 =	vor.u32 v19, v41  }
0x232: {  	v56 =	vor.u32 v9, v41;
	v57 =	vor.u32 v15, v41;
	v41 =	vor.u32 v20, v41;
	v55 =	vld.idx.msk [tilespmem:v34+s0+$0x0], $0xffff  }
0x233: {  	v31 =	vmul.f32 v44, v31;
	v1 =	vadd.f32 v40, v1;
	v27 =	vsub.f32 v39, v27;
	v58 =	vld.idx.msk [tilespmem:v34+s23+$0x0], $0xffff  }
0x234: {  	v33 =	vmul.f32 v28, v33;
	v29 =	vadd.f32 v29, v38;
	v36 =	vadd.f32 v36, v37;
	v39 =	vld.idx.msk [tilespmem:v34+s1+$0x0], $0xffff  }
0x235: {  	v2 =	vadd.f32 v2, v35;
	v28 =	vsub.f32 v1, v31;
	v44 =	vld.idx.msk [tilespmem:v46+s0+$0x0], $0xffff  }
0x236: {  	v24 =	vadd.f32 v24, v29;
	v1 =	vsub.f32 v36, v33;
	v30 =	vld.idx.msk [tilespmem:v30+s10+$0x0], $0xffff  }
0x237: {  	v29 =	vand.u32 $0xFFFF0000, v32;
	v31 =	vld.idx.msk [tilespmem:v34+s3+$0x0], $0xffff  }
0x238: {  	v2 =	vadd.f32 v24, v2;
	v24 =	vmul.f32 v42, v29;
	v32 =	vld.idx.msk [tilespmem:v46+s23+$0x0], $0xffff  }
0x239: {  	v34 =	vld.idx.msk [tilespmem:v56+s10+$0x0], $0xffff  }
0x23a: {  	v2 =	vsub.f32 v2, v24;
	v29 =	vshll.u32 v58, $0x10;
	v36 =	vld.idx.msk [tilespmem:v43+s10+$0x0], $0xffff  }
0x23b: {  	v38 =	vld.idx.msk [tilespmem:v46+s3+$0x0], $0xffff  }
0x23c: {  	v33 =	vand.u32 $0xFFFF0000, v58;
	v40 =	vld.idx.msk [tilespmem:v46+s1+$0x0], $0xffff  }
0x23d: {  	v24 =	vmul.f32 v2, v2;
	v42 =	vshll.u32 v39, $0x10;
	v37 =	vld.idx.msk [tilespmem:v54+s10+$0x0], $0xffff  }
0x23e: {  	v39 =	vand.u32 $0xFFFF0000, v39;
	v2 =	vshll.u32 v32, $0x10;
	v32 =	vand.u32 $0xFFFF0000, v32;
	v46 =	vld.idx.msk [tilespmem:v48+s10+$0x0], $0xffff  }
0x23f: {  	v35 =	vmul.f32 v29, v2;
	v2 =	vmul.f32 v33, v32;
	v43 =	vld.idx.msk [tilespmem:v57+s10+$0x0], $0xffff  }
0x240: {  	v54 =	vshll.u32 v55, $0x10;
	v32 =	vand.u32 $0xFFFF0000, v55;
	v29 =	vmul.f32 v1, v1;
	v55 =	vld.idx.msk [tilespmem:v51+s10+$0x0], $0xffff  }
0x241: {  	v33 =	vand.u32 $0xFFFF0000, v44;
	v48 =	vshll.u32 v36, $0x10;
	v1 =	vshll.u32 v38, $0x10;
	v51 =	vld.idx.msk [tilespmem:v53+s10+$0x0], $0xffff  }
0x242: {  	v56 =	vshll.u32 v31, $0x10;
	v57 =	vand.u32 $0xFFFF0000, v36;
	v53 =	vand.u32 $0xFFFF0000, v40;
	v45 =	vld.idx.msk [tilespmem:v45+s10+$0x0], $0xffff  }
0x243: {  	v58 =	vshll.u32 v30, $0x10;
	v36 =	vand.u32 $0xFFFF0000, v34;
	v1 =	vmul.f32 v56, v1;
	v52 =	vld.idx.msk [tilespmem:v52+s10+$0x0], $0xffff  }
0x244: {  	v56 =	vshll.u32 v37, $0x10;
	v59 =	vand.u32 $0xFFFF0000, v37;
	v37 =	vmul.f32 v39, v53;
	v50 =	vld.idx.msk [tilespmem:v50+s10+$0x0], $0xffff  }
0x245: {  	v38 =	vand.u32 $0xFFFF0000, v38;
	v39 =	vshll.u32 v40, $0x10;
	v53 =	vshll.u32 v43, $0x10;
	v47 =	vld.idx.msk [tilespmem:v47+s10+$0x0], $0xffff  }
0x246: {  	v36 =	vadd.f32 v36, v2;
	v39 =	vmul.f32 v42, v39;
	v40 =	vshll.u32 v55, $0x10;
	v60 =	vld.idx.msk [tilespmem:v41+s10+$0x0], $0xffff  }
0x247: {  	v2 =	vshll.u32 v44, $0x10;
	v41 =	vand.u32 $0xFFFF0000, v43;
	v42 =	vshll.u32 v51, $0x10;
	v44 =	vld.idx.msk [tilespmem:v49+s10+$0x0], $0xffff  }
0x248: {  	v61 =	vshll.u32 v46, $0x10;
	v39 =	vadd.f32 v58, v39;
	v49 =	vshll.u32 v45, $0x10  }
0x249: {  	v51 =	vand.u32 $0xFFFF0000, v51;
	v43 =	vadd.f32 v56, v42;
	v58 =	vshll.u32 v52, $0x10  }
0x24a: {  	v46 =	vand.u32 $0xFFFF0000, v46;
	v52 =	vand.u32 $0xFFFF0000, v52;
	v42 =	vand.u32 $0xFFFF0000, v50  }
0x24b: {  	v56 =	vshll.u32 v47, $0x10;
	v62 =	vadd.f32 v42, v41;
	v41 =	vadd.f32 v59, v51  }
0x24c: {  	v49 =	vadd.f32 v49, v48;
	v42 =	vand.u32 $0xFFFF0000, v60;
	v48 =	vadd.f32 v56, v58  }
.Ltmp2:
0x24d: {  	v51 =	vand.u32 $0xFFFF0000, v45;
	v56 =	vand.u32 $0xFFFF0000, v47;
	v45 =	vand.u32 $0xFFFF0000, v44;
	(pc) =	sbr.rel @p1 .LBB2_8-.Ltmp2, $4  }
0x24e: {  	v47 =	vadd.f32 v51, v57;
	v58 =	vshll.u32 v44, $0x10;
	v48 =	vadd.f32 v61, v48  }
0x24f: {  	v44 =	vshll.u32 v50, $0x10;
	v50 =	vshll.u32 v60, $0x10;
	v51 =	vadd.f32 v56, v52  }
0x250: {  	v55 =	vand.u32 $0xFFFF0000, v55;
	v52 =	vadd.f32 v44, v53;
	v44 =	vsub.f32 v39, v1  }
0x251: {  	v53 =	vadd.f32 v58, v49;
	v39 =	vmul.f32 v54, v2;
	v49 =	vadd.f32 v55, v62  }
0x252: {  	v1 =	vadd.f32 v46, v51;
	v2 =	vadd.f32 v40, v52  }
0x253: {  	v6 =	vmul.f32 v48, v4;
	v7 =	vadd.f32 v45, v47;
	v5 =	vmul.f32 v53, v21  }
0x254: {  	v8 =	vadd.f32 v50, v43;
	v1 =	vmul.f32 v1, v4  }
0x255: {  	v2 =	vmul.f32 v2, v22;
	v4 =	vadd.f32 v6, v5;
	v5 =	vmul.f32 v7, v21  }
0x256: {  	v51 =	vshll.u32 v34, $0x10;
	v52 =	vadd.f32 v42, v41;
	v9 =	vmul.f32 v49, v22  }
0x257: {  	v8 =	vmul.f32 v8, v23;
	v1 =	vadd.f32 v1, v5;
	v2 =	vadd.f32 v2, v4  }
0x258: {  	v4 =	vadd.f32 v51, v35  }
0x259: {  	v5 =	vmul.f32 v52, v23;
	v1 =	vadd.f32 v9, v1;
	v2 =	vadd.f32 v8, v2;
	_ =	sdelay $0x1  }
0x25a: {  	v1 =	vadd.f32 v5, v1;
	v2 =	vadd.f32 v2, v4  }
0x25b: {  	v53 =	vand.u32 $0xFFFF0000, v31;
	v4 =	vand.u32 $0xFFFF0000, v30  }
0x25c: {  	v5 =	vmul.f32 v32, v33;
	v1 =	vadd.f32 v1, v36;
	v2 =	vsub.f32 v2, v39  }
0x25d: {  	v6 =	vmul.f32 v53, v38;
	v4 =	vadd.f32 v4, v37  }
0x25e: {  	v1 =	vsub.f32 v1, v5;
	v2 =	vmul.f32 v2, v2  }
0x25f: {  	v4 =	vsub.f32 v4, v6  }
0x260: {  	v5 =	vmul.f32 v44, v44;
	v1 =	vmul.f32 v1, v1;
	v2 =	vadd.f32 v2, v26;
	_ =	sdelay $0x1  }
0x261: {  	v4 =	vmul.f32 v4, v4;
	v5 =	vadd.f32 v5, v25;
	v1 =	vadd.f32 v2, v1;
	_ =	sdelay $0x1  }
0x262: {  	v2 =	vmul.f32 v27, v27;
	v4 =	vadd.f32 v5, v4;
	v1 =	vadd.f32 v29, v1;
	_ =	sdelay $0x1  }
0x263: {  	v5 =	vmul.f32 v28, v28;
	v2 =	vadd.f32 v2, v4;
	v1 =	vadd.f32 v1, v24;
	_ =	sdelay $0x1  }
0x264: {  	v2 =	vadd.f32 v2, v5;
	v1 =	vmax.f32 v1, $1.000000000e-30  }
0x265: {  	v4 =	vshrl.u32 v1, $0x1;
	v5 =	vmul.f32 $5.000000000e-01, v1  }
0x266: {  	v2 =	vmax.f32 v2, $1.000000000e-30;
	v4 =	vsub.s32 $0x5F3759DF, v4  }
0x267: {  	v55 =	vshrl.u32 v2, $0x1;
	v56 =	vmul.f32 $5.000000000e-01, v2;
	v54 =	vmul.f32 v4, v5  }
0x268: {  	v7 =	vsub.s32 $0x5F3759DF, v55  }
0x269: {  	v57 =	vmul.f32 v7, v56;
	v6 =	vmul.f32 v4, v54;
	_ =	sdelay $0x1  }
0x26a: {  	v9 =	vmul.f32 v7, v57;
	v6 =	vsub.f32 $1.500000000e+00, v6;
	_ =	sdelay $0x1  }
0x26b: {  	v58 =	vsub.f32 $1.500000000e+00, v9;
	v4 =	vmul.f32 v4, v6;
	_ =	sdelay $0x1  }
0x26c: {  	v6 =	vmul.f32 v7, v58;
	v59 =	vmul.f32 v4, v5;
	_ =	sdelay $0x1  }
0x26d: {  	v61 =	vmul.f32 v6, v56;
	v60 =	vmul.f32 v59, v4;
	_ =	sdelay $0x1  }
0x26e: {  	v9 =	vmul.f32 v61, v6;
	v7 =	vsub.f32 $1.500000000e+00, v60;
	_ =	sdelay $0x1  }
0x26f: {  	v62 =	vsub.f32 $1.500000000e+00, v9;
	v4 =	vmul.f32 v7, v4;
	_ =	sdelay $0x1  }
0x270: {  	v6 =	vmul.f32 v62, v6;
	v5 =	vmul.f32 v4, v5;
	_ =	sdelay $0x1  }
0x271: {  	v7 =	vmul.f32 v6, v56;
	v5 =	vmul.f32 v5, v4;
	_ =	sdelay $0x1  }
0x272: {  	v7 =	vmul.f32 v7, v6;
	v5 =	vsub.f32 $1.500000000e+00, v5;
	_ =	sdelay $0x1  }
0x273: {  	v4 =	vmul.f32 v5, v4;
	v5 =	vsub.f32 $1.500000000e+00, v7;
	_ =	sdelay $0x1  }
0x274: {  	v1 =	vmul.f32 v4, v1;
	v4 =	vmul.f32 v5, v6;
	_ =	sdelay $0x1  }
0x275: {  	v2 =	vmul.f32 v4, v2;
	v4 =	vadd.f32 $1.000000000e+00, v1  }
0x276: {  	s7 =	sadd.s32 $0x1, s7  }
0x277: {  	p1 =	sne.s32 s7, $0x8;
	v4 =	vsub.f32 v4, v2  }
.Ltmp3:
0x278: {  	v1 =	vadd.f32 v2, v1;
	(pc) =	sbr.rel @p1 .LBB2_7-.Ltmp3, $3  }
0x279: {  	v2 =	vmax.f32 v4, $0.0e+00  }
0x27a: {  	v1 =	vmul.f32 $1.000000050e-03, v1;
	v2 =	vadd.f32 v2, v3;
	_ =	sdelay $0x1  }
0x27b: {  	v3 =	vadd.f32 v2, v1  }
0x27c: {  	v1 =	vld [tilespmem:$0x7D00];
	_ =	sdelay $0x2  }
.Ltmp4:
0x27d: {  	_ = 	snop;
	(pc) =	sbr.rel @p0 .LBB2_2-.Ltmp4, $4  }
0x27e: {  	_ = 	snop  }
0x27f: {  	v1 =	vadd.f32 v1, v3  }
0x280: {  	s6 =	simm.s32 $0x100;
	p2 =	por $0x0, $0x0;
	s15 =	rddreg [dreg:$0x2]  }
0x281: {  	p1 =	por $0x1, $0x1;
	s17 =	rddreg [dreg:$0x4];
	s16 =	smov.u32 s28;
	[tilespmem:$0x7D00] =	vst v1  }
0x282: {  	s6 =	rddreg [dreg:$0x14];
	s7 =	simm.s32 $0x7D00;
	s24 =	simm.s32 $0x3  }
0x283: {  	[hbm4b:s6+s10] =	stream.linear.scatter [tilespmem:s7], [sflag:$0x3], $0x10, $0x38;
	[tilespmem:$0x19310] =	vst v63  }
0x284: {  	_ =	swait.ge [sflag:s24], $0x10  }
0x285: {  	s21 =	rddreg [dreg:$0x17]  }
0x286: {  	s28 =	rddreg [dreg:$0x15];
	s7 =	sadd.s32 $0x1, s21  }
0x287: {  	p0 =	sne.s32 s7, s28  }
.Ltmp5:
0x288: {  	_ = 	snop;
	(pc) =	sbr.rel @p0 .LBB2_1-.Ltmp5, $3  }
0x289: {  	_ =	sdelay $0x1  }
0x28a: {  	[sflag:s24] =	ssyncset.done $0x0  }
0x28b: {  	[sflag:s24] =	ssyncadd.s32 $0xFFFFFFF0  }
0x28c: {  	_ =	sfence.sel $0x180000  }
0x28d: {  	[bflag:$0x0] =	sbarrier.arrive $0xFFFF  }
0x28e: {  	_ =	strace $0x90000047  }
0x28f: {  	s0 =	stileid.u32;
	[bflag:$0x2] =	sbarrier.arrive $0xFFFF  }
0x290: {  	p0 =	sne.s32 s0, $0x0;
	s0 =	rddreg [dreg:$0x9]  }
0x291: {  	s0 =	sadd.s32 @!p0 $0x100000, s0  }
0x292: {  	[sflag:s0] =	ssyncadd.tile.s32 @!p0 $0x1;
	_ =	shalt  }
.Lfunc_end2:
_tile_overlayer_lowered:
.L_overlay_start_2:
0x293: {  	(tag) =	ssettag $0x2  }
0x294: {  	s0 =	rddreg [dreg:$0x0];
	s2 =	stileid.u32  }
0x295: {  	s1 =	rddreg [dreg:$0x1];
	p0 =	sne.s32 s2, $0x0  }
0x296: {  	s3 =	rddreg [dreg:$0x2];
	[bflag:$0x3] =	sbarrier.arrive $0xFFFF;
	s2 =	simm.s32 @!p0 $0x1C03  }
0x297: {  	[timem:s3], [sflag:s2] =	dma.local @!p0 [hbm:s0], s1  }
0x298: {  	s0 =	simm.s32 @!p0 $0x3  }
0x299: {  	_ =	swait.ge @!p0 [sflag:s0], s1  }
0x29a: {  	s1 =	ssub.s32 @!p0 $0x0, s1;
	[sflag:s0] =	ssyncset.done @!p0 $0x0  }
0x29b: {  	[sflag:s0] =	ssyncadd.s32 @!p0 s1  }
0x29c: {  	[bflag:$0x3] =	sbarrier.arrive $0xFFFF  }
0x29d: {  	_ =	shalt  }

</sc_bundles>
